<compile_context>
chip_gen: v7x
topology: tpu7x:2x2x1
jax: 0.10.2.dev20260603
libtpu: 0.0.44.dev20260713+nightly
codegen_flags: <defaults>
</compile_context>

<pallas_src>
import functools

import jax
import jax.numpy as jnp
from jax import lax
from jax.experimental import pallas as pl
from jax.experimental.pallas import tpu as pltpu
from jax.experimental.pallas import tpu_sc as plsc

N_NODES = 100000
NUM_TYPES = 11
MAP_LEN = 35

NW = 32
ROWS_W = 3136
NT_PAD = NW * ROWS_W
IDX_PAD = 114688

TC_ROWS = 16384
TC_GRID = 7

_mesh = plsc.VectorSubcoreMesh(core_axis_name="c", subcore_axis_name="s")


@functools.partial(
    pl.kernel,
    mesh=_mesh,
    compiler_params=pltpu.CompilerParams(needs_layout_passes=False),
    out_type=jax.ShapeDtypeStruct((IDX_PAD,), jnp.int32),
    scratch_types=[
        pltpu.VMEM((ROWS_W,), jnp.int32),
        pltpu.VMEM((MAP_LEN,), jnp.int32),
        pltpu.VMEM((ROWS_W,), jnp.int32),
        pltpu.SemaphoreType.DMA,
        pltpu.SemaphoreType.DMA,
    ],
)
def _lookup_sc(nt_hbm, map_hbm, idx_hbm, nt_v, map_v, idx_v, sem_m, sem_n):
    c = lax.axis_index("c")
    s = lax.axis_index("s")
    wid = s * 2 + c
    base = wid * ROWS_W

    cp_m = pltpu.async_copy(map_hbm, map_v, sem_m)
    cp_n = pltpu.async_copy(nt_hbm.at[pl.ds(base, ROWS_W)], nt_v, sem_n)
    cp_m.wait()
    cp_n.wait()

    def body(g, carry):
        for u in range(4):
            o = g * 64 + u * 16
            nt16 = nt_v[pl.ds(o, 16)]
            idx_v[pl.ds(o, 16)] = plsc.load_gather(map_v, [nt16])
        return carry

    lax.fori_loop(0, ROWS_W // 64, body, 0)

    pltpu.sync_copy(idx_v, idx_hbm.at[pl.ds(base, ROWS_W)])


def _expand_tc(idx_ref, out_ref):
    idxb = idx_ref[...]
    c_col = lax.broadcasted_iota(jnp.int32, (NUM_TYPES, 128), 0)
    rows = lax.broadcasted_iota(jnp.int32, (NUM_TYPES, NUM_TYPES), 0)
    cols = lax.broadcasted_iota(jnp.int32, (NUM_TYPES, NUM_TYPES), 1)
    eye = (rows == cols).astype(jnp.float32)
    quarter = jnp.float32(0.25)
    zero = jnp.float32(0.0)
    for r in range(TC_ROWS // 128):
        xr = idxb[r : r + 1, :]
        onehot_t = jnp.where(xr == c_col, quarter, zero)
        res = lax.dot_general(
            onehot_t, eye, (((0,), (0,)), ((), ())),
            preferred_element_type=jnp.float32,
        )
        out_ref[pl.ds(r * 128, 128), :] = res


def kernel(node_type, pos, mapper):
    del pos
    nt = jnp.pad(node_type.reshape(-1), (0, NT_PAD - N_NODES))
    idx = _lookup_sc(nt, mapper)
    return pl.pallas_call(
        _expand_tc,
        grid=(TC_GRID,),
        in_specs=[pl.BlockSpec((TC_ROWS // 128, 128), lambda i: (i, 0))],
        out_specs=pl.BlockSpec((TC_ROWS, NUM_TYPES), lambda i: (i, 0)),
        out_shape=jax.ShapeDtypeStruct((N_NODES, NUM_TYPES), jnp.float32),
    )(idx.reshape(IDX_PAD // 128, 128))

# --- scband reference (transcript-rebuilt; emitter-appended) ---
"""Pipeline reference for scband-one-hot-atom-encoding-from-atom-num-49039936585739 (READ-ONLY COPY).

The authoritative reference and input builder live on the scoring server;
editing this copy changes nothing except your own understanding.
"""

import jax, jax.numpy as jnp
import numpy as np

ATOM_LIST = np.array([0, 4, 5, 6, 7, 8, 13, 14, 15, 16, 34], dtype=np.int64)
NUM_TYPES = 11
MAPPER = np.full(35, -1, dtype=np.int64)
MAPPER[ATOM_LIST] = np.arange(NUM_TYPES, dtype=np.int64)
N_NODES = 100000


def setup_inputs(seed: int = 0) -> dict:
    key = jax.random.key(seed)
    k1, k2 = jax.random.split(key)
    # draw a type index 0..10, then map to a real atomic number from the supported set
    type_idx = jax.random.randint(k1, (N_NODES, 1), 0, NUM_TYPES)
    node_type = jnp.take(jnp.asarray(ATOM_LIST), type_idx)
    pos = jax.random.normal(k2, (N_NODES, 3), dtype=jnp.float32)
    return {"node_type": node_type, "pos": pos, "mapper": jnp.asarray(MAPPER)}


def reference(node_type, pos, mapper):
    # AtomTypeMapper.to_one_hot: atomic number -> contiguous type index -> one-hot
    type_numbers = node_type.squeeze(-1)
    idx = jnp.take(mapper, type_numbers)  # gather: atomic num -> type index
    one_hot = (1.0 / 4.0) * jax.nn.one_hot(idx, NUM_TYPES, dtype=pos.dtype)
    # set_features=True: NODE_FEATURES == NODE_ATTRS (same tensor); return once
    return one_hot

if __name__ == "__main__":
    import jax
    _d = setup_inputs()
    print(jax.jit(kernel)(*tuple(_d.values())))

</pallas_src>

<mosaic_0001>
#map = affine_map<(d0, d1) -> (0)>
module attributes {stable_mosaic.version = 14 : i64} {
  func.func @_lookup_sc(%arg0: i32, %arg1: i32, %arg2: memref<100352xi32, #tpu.memory_space<hbm>>, %arg3: memref<35xi32, #tpu.memory_space<hbm>>, %arg4: memref<114688xi32, #tpu.memory_space<hbm>>, %arg5: memref<3136xi32, #tpu.memory_space<vmem>>, %arg6: memref<35xi32, #tpu.memory_space<vmem>>, %arg7: memref<3136xi32, #tpu.memory_space<vmem>>, %arg8: memref<!tpu.dma_semaphore, #tpu.memory_space<semaphore_mem>>, %arg9: memref<!tpu.dma_semaphore, #tpu.memory_space<semaphore_mem>>) attributes {dimension_semantics = [#tpu.dimension_semantics<core_parallel>, #tpu.dimension_semantics<subcore_parallel>], iteration_bounds = array<i64: 2, 16>, scalar_prefetch = 0 : i64, scratch_operands = 5 : i64, tpu.core_type = #tpu.core_type<sc_vector_subcore>, window_params = [{transform_indices = #map}, {transform_indices = #map}, {transform_indices = #map}]} {
    %mul3A = arith.constant 2 : i32
    %mul3A_0 = arith.muli %arg1, %mul3A : i32
    %add3A = arith.addi %mul3A_0, %arg0 : i32
    %mul3A_1 = arith.constant 3136 : i32
    %mul3A_2 = arith.muli %add3A, %mul3A_1 : i32
    tpu.enqueue_dma source(%arg3 : memref<35xi32, #tpu.memory_space<hbm>>) target(%arg6 : memref<35xi32, #tpu.memory_space<vmem>>) target_semaphore(%arg8 : memref<!tpu.dma_semaphore, #tpu.memory_space<semaphore_mem>>)
    %dma_start3A = tpu.memref_slice %arg2[%mul3A_2] : memref<100352xi32, #tpu.memory_space<hbm>> -> memref<3136xi32, #tpu.memory_space<hbm>>
    %dma_start3A_3 = tpu.memref_slice %arg2[%mul3A_2] : memref<100352xi32, #tpu.memory_space<hbm>> -> memref<3136xi32, #tpu.memory_space<hbm>>
    tpu.enqueue_dma source(%dma_start3A_3 : memref<3136xi32, #tpu.memory_space<hbm>>) target(%arg5 : memref<3136xi32, #tpu.memory_space<vmem>>) target_semaphore(%arg9 : memref<!tpu.dma_semaphore, #tpu.memory_space<semaphore_mem>>)
    tpu.wait_dma2 semaphore(%arg8 : memref<!tpu.dma_semaphore, #tpu.memory_space<semaphore_mem>>) src(%arg3 : memref<35xi32, #tpu.memory_space<hbm>>) dst(%arg6 : memref<35xi32, #tpu.memory_space<vmem>>)
    %dma_wait3A = tpu.memref_slice %arg2[%mul3A_2] : memref<100352xi32, #tpu.memory_space<hbm>> -> memref<3136xi32, #tpu.memory_space<hbm>>
    %dma_wait3A_4 = tpu.memref_slice %arg2[%mul3A_2] : memref<100352xi32, #tpu.memory_space<hbm>> -> memref<3136xi32, #tpu.memory_space<hbm>>
    tpu.wait_dma2 semaphore(%arg9 : memref<!tpu.dma_semaphore, #tpu.memory_space<semaphore_mem>>) src(%dma_wait3A_4 : memref<3136xi32, #tpu.memory_space<hbm>>) dst(%arg5 : memref<3136xi32, #tpu.memory_space<vmem>>)
    %scan3A = arith.constant 0 : i32
    %scan3A_5 = arith.constant 0 : i32
    %scan3A_6 = arith.constant 49 : i32
    %scan3A_7 = arith.addi %scan3A_5, %scan3A_6 : i32
    %scan3A_8 = arith.constant 1 : i32
    scf.for %scan3A_10 = %scan3A_5 to %scan3A_7 step %scan3A_8  : i32 {
      %mul3A_11 = arith.constant 64 : i32
      %mul3A_12 = arith.muli %scan3A_10, %mul3A_11 : i32
      %add3A_13 = arith.constant 0 : i32
      %add3A_14 = arith.addi %mul3A_12, %add3A_13 : i32
      %get3A = arith.index_cast %add3A_14 : i32 to index
      %get3A_15 = tpu.vector_load %arg5[%get3A] {strides = array<i32>} : memref<3136xi32, #tpu.memory_space<vmem>>, vector<16xi32>,
      %gather3A = tpu.vector_load_idx %arg6[%get3A_15] : memref<35xi32, #tpu.memory_space<vmem>>[vector<16xi32>], vector<16xi32>,
      %swap3A = arith.index_cast %add3A_14 : i32 to index
      %swap3A_16 = tpu.vector_load %arg7[%swap3A] {strides = array<i32>} : memref<3136xi32, #tpu.memory_space<vmem>>, vector<16xi32>,
      tpu.vector_store %arg7[%swap3A], %gather3A {strides = array<i32>} : memref<3136xi32, #tpu.memory_space<vmem>>, vector<16xi32>,
      %mul3A_17 = arith.constant 64 : i32
      %mul3A_18 = arith.muli %scan3A_10, %mul3A_17 : i32
      %add3A_19 = arith.constant 16 : i32
      %add3A_20 = arith.addi %mul3A_18, %add3A_19 : i32
      %get3A_21 = arith.index_cast %add3A_20 : i32 to index
      %get3A_22 = tpu.vector_load %arg5[%get3A_21] {strides = array<i32>} : memref<3136xi32, #tpu.memory_space<vmem>>, vector<16xi32>,
      %gather3A_23 = tpu.vector_load_idx %arg6[%get3A_22] : memref<35xi32, #tpu.memory_space<vmem>>[vector<16xi32>], vector<16xi32>,
      %swap3A_24 = arith.index_cast %add3A_20 : i32 to index
      %swap3A_25 = tpu.vector_load %arg7[%swap3A_24] {strides = array<i32>} : memref<3136xi32, #tpu.memory_space<vmem>>, vector<16xi32>,
      tpu.vector_store %arg7[%swap3A_24], %gather3A_23 {strides = array<i32>} : memref<3136xi32, #tpu.memory_space<vmem>>, vector<16xi32>,
      %mul3A_26 = arith.constant 64 : i32
      %mul3A_27 = arith.muli %scan3A_10, %mul3A_26 : i32
      %add3A_28 = arith.constant 32 : i32
      %add3A_29 = arith.addi %mul3A_27, %add3A_28 : i32
      %get3A_30 = arith.index_cast %add3A_29 : i32 to index
      %get3A_31 = tpu.vector_load %arg5[%get3A_30] {strides = array<i32>} : memref<3136xi32, #tpu.memory_space<vmem>>, vector<16xi32>,
      %gather3A_32 = tpu.vector_load_idx %arg6[%get3A_31] : memref<35xi32, #tpu.memory_space<vmem>>[vector<16xi32>], vector<16xi32>,
      %swap3A_33 = arith.index_cast %add3A_29 : i32 to index
      %swap3A_34 = tpu.vector_load %arg7[%swap3A_33] {strides = array<i32>} : memref<3136xi32, #tpu.memory_space<vmem>>, vector<16xi32>,
      tpu.vector_store %arg7[%swap3A_33], %gather3A_32 {strides = array<i32>} : memref<3136xi32, #tpu.memory_space<vmem>>, vector<16xi32>,
      %mul3A_35 = arith.constant 64 : i32
      %mul3A_36 = arith.muli %scan3A_10, %mul3A_35 : i32
      %add3A_37 = arith.constant 48 : i32
      %add3A_38 = arith.addi %mul3A_36, %add3A_37 : i32
      %get3A_39 = arith.index_cast %add3A_38 : i32 to index
      %get3A_40 = tpu.vector_load %arg5[%get3A_39] {strides = array<i32>} : memref<3136xi32, #tpu.memory_space<vmem>>, vector<16xi32>,
      %gather3A_41 = tpu.vector_load_idx %arg6[%get3A_40] : memref<35xi32, #tpu.memory_space<vmem>>[vector<16xi32>], vector<16xi32>,
      %swap3A_42 = arith.index_cast %add3A_38 : i32 to index
      %swap3A_43 = tpu.vector_load %arg7[%swap3A_42] {strides = array<i32>} : memref<3136xi32, #tpu.memory_space<vmem>>, vector<16xi32>,
      tpu.vector_store %arg7[%swap3A_42], %gather3A_41 {strides = array<i32>} : memref<3136xi32, #tpu.memory_space<vmem>>, vector<16xi32>,
    }
    %scan3A_9 = arith.constant 49 : i32
    "tpu.region"() ({
      %run_scoped3A = tpu.sem_alloc : memref<!tpu.dma_semaphore, #tpu.memory_space<semaphore_mem>>
      %dma_start3A_10 = tpu.memref_slice %arg4[%mul3A_2] : memref<114688xi32, #tpu.memory_space<hbm>> -> memref<3136xi32, #tpu.memory_space<hbm>>
      %dma_start3A_11 = tpu.memref_slice %arg4[%mul3A_2] : memref<114688xi32, #tpu.memory_space<hbm>> -> memref<3136xi32, #tpu.memory_space<hbm>>
      tpu.enqueue_dma source(%arg7 : memref<3136xi32, #tpu.memory_space<vmem>>) target(%dma_start3A_11 : memref<3136xi32, #tpu.memory_space<hbm>>) target_semaphore(%run_scoped3A : memref<!tpu.dma_semaphore, #tpu.memory_space<semaphore_mem>>)
      %dma_wait3A_12 = tpu.memref_slice %arg4[%mul3A_2] : memref<114688xi32, #tpu.memory_space<hbm>> -> memref<3136xi32, #tpu.memory_space<hbm>>
      %dma_wait3A_13 = tpu.memref_slice %arg4[%mul3A_2] : memref<114688xi32, #tpu.memory_space<hbm>> -> memref<3136xi32, #tpu.memory_space<hbm>>
      tpu.wait_dma2 semaphore(%run_scoped3A : memref<!tpu.dma_semaphore, #tpu.memory_space<semaphore_mem>>) src(%arg7 : memref<3136xi32, #tpu.memory_space<vmem>>) dst(%dma_wait3A_13 : memref<3136xi32, #tpu.memory_space<hbm>>)
      tpu.yield
    }) : () -> ()
    return
  }
}

module attributes {stable_mosaic.version = 14 : i64} {
  func.func @_expand_tc(%arg0: i32, %arg1: memref<128x128xi32, #tpu.memory_space<vmem>>, %arg2: memref<16384x11xf32, #tpu.memory_space<vmem>>) attributes {dimension_semantics = [#tpu.dimension_semantics<arbitrary>], iteration_bounds = array<i64: 7>, scalar_prefetch = 0 : i64, scratch_operands = 0 : i64, tpu.core_type = #tpu.core_type<tc>, window_params = [{transform_indices = @transform_0, window_bounds = array<i64: 128, 128>}, {transform_indices = @transform_1, window_bounds = array<i64: 16384, 11>}]} {
    %get3A = arith.constant 0 : index
    %get3A_0 = arith.constant 0 : index
    %get3A_1 = vector.load %arg1[%get3A, %get3A_0] : memref<128x128xi32, #tpu.memory_space<vmem>>, vector<128x128xi32>
    %iota3A = tpu.iota {dimensions = array<i32: 0>} : vector<11x128xi32>
    %iota3A_2 = tpu.iota {dimensions = array<i32: 0>} : vector<11x11xi32>
    %iota3A_3 = tpu.iota {dimensions = array<i32: 1>} : vector<11x11xi32>
    %eq3A = arith.cmpi eq, %iota3A_2, %iota3A_3 : vector<11x11xi32>
    %convert_element_type3A = arith.extui %eq3A : vector<11x11xi1> to vector<11x11xi32>
    %convert_element_type3A_4 = arith.sitofp %convert_element_type3A : vector<11x11xi32> to vector<11x11xf32>
    %slice3A = vector.extract_strided_slice %get3A_1 {offsets = [0, 0], sizes = [1, 128], strides = [1, 1]} : vector<128x128xi32> to vector<1x128xi32>
    %eq3A_5 = vector.broadcast %slice3A : vector<1x128xi32> to vector<11x128xi32>
    %eq3A_6 = arith.cmpi eq, %eq3A_5, %iota3A : vector<11x128xi32>
    %jit3A = arith.constant 2.500000e-01 : f32
    %jit3A_7 = arith.constant 0.000000e+00 : f32
    %broadcast_in_dim3A = vector.broadcast %jit3A : f32 to vector<11x128xf32>
    %broadcast_in_dim3A_8 = vector.broadcast %jit3A_7 : f32 to vector<11x128xf32>
    %select_n3A = arith.select %eq3A_6, %broadcast_in_dim3A, %broadcast_in_dim3A_8 : vector<11x128xi1>, vector<11x128xf32>
    %dot_general3A = arith.constant dense<0.000000e+00> : vector<128x11xf32>
    %dot_general3A_9 = tpu.matmul %select_n3A, %convert_element_type3A_4, %dot_general3A {dimension_numbers = #tpu.dot_dimension_numbers<[0], [0], [1], [1], [0, 1, 1, 1], [], []>, transpose_lhs_hint = false} : vector<11x128xf32>, vector<11x11xf32>, vector<128x11xf32> -> vector<128x11xf32>
    %swap3A = arith.constant 0 : index
    %swap3A_10 = arith.constant 0 : index
    %swap3A_11 = vector.load %arg2[%swap3A, %swap3A_10] : memref<16384x11xf32, #tpu.memory_space<vmem>>, vector<128x11xf32>
    tpu.vector_store %arg2[%swap3A, %swap3A_10], %dot_general3A_9 {strides = array<i32>} : memref<16384x11xf32, #tpu.memory_space<vmem>>, vector<128x11xf32>,
    %slice3A_12 = vector.extract_strided_slice %get3A_1 {offsets = [1, 0], sizes = [1, 128], strides = [1, 1]} : vector<128x128xi32> to vector<1x128xi32>
    %eq3A_13 = vector.broadcast %slice3A_12 : vector<1x128xi32> to vector<11x128xi32>
    %eq3A_14 = arith.cmpi eq, %eq3A_13, %iota3A : vector<11x128xi32>
    %jit3A_15 = arith.constant 2.500000e-01 : f32
    %jit3A_16 = arith.constant 0.000000e+00 : f32
    %broadcast_in_dim3A_17 = vector.broadcast %jit3A_15 : f32 to vector<11x128xf32>
    %broadcast_in_dim3A_18 = vector.broadcast %jit3A_16 : f32 to vector<11x128xf32>
    %select_n3A_19 = arith.select %eq3A_14, %broadcast_in_dim3A_17, %broadcast_in_dim3A_18 : vector<11x128xi1>, vector<11x128xf32>
    %dot_general3A_20 = arith.constant dense<0.000000e+00> : vector<128x11xf32>
    %dot_general3A_21 = tpu.matmul %select_n3A_19, %convert_element_type3A_4, %dot_general3A_20 {dimension_numbers = #tpu.dot_dimension_numbers<[0], [0], [1], [1], [0, 1, 1, 1], [], []>, transpose_lhs_hint = false} : vector<11x128xf32>, vector<11x11xf32>, vector<128x11xf32> -> vector<128x11xf32>
    %swap3A_22 = arith.constant 128 : index
    %swap3A_23 = arith.constant 0 : index
    %swap3A_24 = vector.load %arg2[%swap3A_22, %swap3A_23] : memref<16384x11xf32, #tpu.memory_space<vmem>>, vector<128x11xf32>
    tpu.vector_store %arg2[%swap3A_22, %swap3A_23], %dot_general3A_21 {strides = array<i32>} : memref<16384x11xf32, #tpu.memory_space<vmem>>, vector<128x11xf32>,
    %slice3A_25 = vector.extract_strided_slice %get3A_1 {offsets = [2, 0], sizes = [1, 128], strides = [1, 1]} : vector<128x128xi32> to vector<1x128xi32>
    %eq3A_26 = vector.broadcast %slice3A_25 : vector<1x128xi32> to vector<11x128xi32>
    %eq3A_27 = arith.cmpi eq, %eq3A_26, %iota3A : vector<11x128xi32>
    %jit3A_28 = arith.constant 2.500000e-01 : f32
    %jit3A_29 = arith.constant 0.000000e+00 : f32
    %broadcast_in_dim3A_30 = vector.broadcast %jit3A_28 : f32 to vector<11x128xf32>
    %broadcast_in_dim3A_31 = vector.broadcast %jit3A_29 : f32 to vector<11x128xf32>
    %select_n3A_32 = arith.select %eq3A_27, %broadcast_in_dim3A_30, %broadcast_in_dim3A_31 : vector<11x128xi1>, vector<11x128xf32>
    %dot_general3A_33 = arith.constant dense<0.000000e+00> : vector<128x11xf32>
    %dot_general3A_34 = tpu.matmul %select_n3A_32, %convert_element_type3A_4, %dot_general3A_33 {dimension_numbers = #tpu.dot_dimension_numbers<[0], [0], [1], [1], [0, 1, 1, 1], [], []>, transpose_lhs_hint = false} : vector<11x128xf32>, vector<11x11xf32>, vector<128x11xf32> -> vector<128x11xf32>
    %swap3A_35 = arith.constant 256 : index
    %swap3A_36 = arith.constant 0 : index
    %swap3A_37 = vector.load %arg2[%swap3A_35, %swap3A_36] : memref<16384x11xf32, #tpu.memory_space<vmem>>, vector<128x11xf32>
    tpu.vector_store %arg2[%swap3A_35, %swap3A_36], %dot_general3A_34 {strides = array<i32>} : memref<16384x11xf32, #tpu.memory_space<vmem>>, vector<128x11xf32>,
    %slice3A_38 = vector.extract_strided_slice %get3A_1 {offsets = [3, 0], sizes = [1, 128], strides = [1, 1]} : vector<128x128xi32> to vector<1x128xi32>
    %eq3A_39 = vector.broadcast %slice3A_38 : vector<1x128xi32> to vector<11x128xi32>
    %eq3A_40 = arith.cmpi eq, %eq3A_39, %iota3A : vector<11x128xi32>
    %jit3A_41 = arith.constant 2.500000e-01 : f32
    %jit3A_42 = arith.constant 0.000000e+00 : f32
    %broadcast_in_dim3A_43 = vector.broadcast %jit3A_41 : f32 to vector<11x128xf32>
    %broadcast_in_dim3A_44 = vector.broadcast %jit3A_42 : f32 to vector<11x128xf32>
    %select_n3A_45 = arith.select %eq3A_40, %broadcast_in_dim3A_43, %broadcast_in_dim3A_44 : vector<11x128xi1>, vector<11x128xf32>
    %dot_general3A_46 = arith.constant dense<0.000000e+00> : vector<128x11xf32>
    %dot_general3A_47 = tpu.matmul %select_n3A_45, %convert_element_type3A_4, %dot_general3A_46 {dimension_numbers = #tpu.dot_dimension_numbers<[0], [0], [1], [1], [0, 1, 1, 1], [], []>, transpose_lhs_hint = false} : vector<11x128xf32>, vector<11x11xf32>, vector<128x11xf32> -> vector<128x11xf32>
    %swap3A_48 = arith.constant 384 : index
    %swap3A_49 = arith.constant 0 : index
    %swap3A_50 = vector.load %arg2[%swap3A_48, %swap3A_49] : memref<16384x11xf32, #tpu.memory_space<vmem>>, vector<128x11xf32>
    tpu.vector_store %arg2[%swap3A_48, %swap3A_49], %dot_general3A_47 {strides = array<i32>} : memref<16384x11xf32, #tpu.memory_space<vmem>>, vector<128x11xf32>,
    %slice3A_51 = vector.extract_strided_slice %get3A_1 {offsets = [4, 0], sizes = [1, 128], strides = [1, 1]} : vector<128x128xi32> to vector<1x128xi32>
    %eq3A_52 = vector.broadcast %slice3A_51 : vector<1x128xi32> to vector<11x128xi32>
    %eq3A_53 = arith.cmpi eq, %eq3A_52, %iota3A : vector<11x128xi32>
    %jit3A_54 = arith.constant 2.500000e-01 : f32
    %jit3A_55 = arith.constant 0.000000e+00 : f32
    %broadcast_in_dim3A_56 = vector.broadcast %jit3A_54 : f32 to vector<11x128xf32>
    %broadcast_in_dim3A_57 = vector.broadcast %jit3A_55 : f32 to vector<11x128xf32>
    %select_n3A_58 = arith.select %eq3A_53, %broadcast_in_dim3A_56, %broadcast_in_dim3A_57 : vector<11x128xi1>, vector<11x128xf32>
    %dot_general3A_59 = arith.constant dense<0.000000e+00> : vector<128x11xf32>
    %dot_general3A_60 = tpu.matmul %select_n3A_58, %convert_element_type3A_4, %dot_general3A_59 {dimension_numbers = #tpu.dot_dimension_numbers<[0], [0], [1], [1], [0, 1, 1, 1], [], []>, transpose_lhs_hint = false} : vector<11x128xf32>, vector<11x11xf32>, vector<128x11xf32> -> vector<128x11xf32>
    %swap3A_61 = arith.constant 512 : index
    %swap3A_62 = arith.constant 0 : index
    %swap3A_63 = vector.load %arg2[%swap3A_61, %swap3A_62] : memref<16384x11xf32, #tpu.memory_space<vmem>>, vector<128x11xf32>
    tpu.vector_store %arg2[%swap3A_61, %swap3A_62], %dot_general3A_60 {strides = array<i32>} : memref<16384x11xf32, #tpu.memory_space<vmem>>, vector<128x11xf32>,
    %slice3A_64 = vector.extract_strided_slice %get3A_1 {offsets = [5, 0], sizes = [1, 128], strides = [1, 1]} : vector<128x128xi32> to vector<1x128xi32>
    %eq3A_65 = vector.broadcast %slice3A_64 : vector<1x128xi32> to vector<11x128xi32>
    %eq3A_66 = arith.cmpi eq, %eq3A_65, %iota3A : vector<11x128xi32>
    %jit3A_67 = arith.constant 2.500000e-01 : f32
    %jit3A_68 = arith.constant 0.000000e+00 : f32
    %broadcast_in_dim3A_69 = vector.broadcast %jit3A_67 : f32 to vector<11x128xf32>
    %broadcast_in_dim3A_70 = vector.broadcast %jit3A_68 : f32 to vector<11x128xf32>
    %select_n3A_71 = arith.select %eq3A_66, %broadcast_in_dim3A_69, %broadcast_in_dim3A_70 : vector<11x128xi1>, vector<11x128xf32>
    %dot_general3A_72 = arith.constant dense<0.000000e+00> : vector<128x11xf32>
    %dot_general3A_73 = tpu.matmul %select_n3A_71, %convert_element_type3A_4, %dot_general3A_72 {dimension_numbers = #tpu.dot_dimension_numbers<[0], [0], [1], [1], [0, 1, 1, 1], [], []>, transpose_lhs_hint = false} : vector<11x128xf32>, vector<11x11xf32>, vector<128x11xf32> -> vector<128x11xf32>
    %swap3A_74 = arith.constant 640 : index
    %swap3A_75 = arith.constant 0 : index
    %swap3A_76 = vector.load %arg2[%swap3A_74, %swap3A_75] : memref<16384x11xf32, #tpu.memory_space<vmem>>, vector<128x11xf32>
    tpu.vector_store %arg2[%swap3A_74, %swap3A_75], %dot_general3A_73 {strides = array<i32>} : memref<16384x11xf32, #tpu.memory_space<vmem>>, vector<128x11xf32>,
    %slice3A_77 = vector.extract_strided_slice %get3A_1 {offsets = [6, 0], sizes = [1, 128], strides = [1, 1]} : vector<128x128xi32> to vector<1x128xi32>
    %eq3A_78 = vector.broadcast %slice3A_77 : vector<1x128xi32> to vector<11x128xi32>
    %eq3A_79 = arith.cmpi eq, %eq3A_78, %iota3A : vector<11x128xi32>
    %jit3A_80 = arith.constant 2.500000e-01 : f32
    %jit3A_81 = arith.constant 0.000000e+00 : f32
    %broadcast_in_dim3A_82 = vector.broadcast %jit3A_80 : f32 to vector<11x128xf32>
    %broadcast_in_dim3A_83 = vector.broadcast %jit3A_81 : f32 to vector<11x128xf32>
    %select_n3A_84 = arith.select %eq3A_79, %broadcast_in_dim3A_82, %broadcast_in_dim3A_83 : vector<11x128xi1>, vector<11x128xf32>
    %dot_general3A_85 = arith.constant dense<0.000000e+00> : vector<128x11xf32>
    %dot_general3A_86 = tpu.matmul %select_n3A_84, %convert_element_type3A_4, %dot_general3A_85 {dimension_numbers = #tpu.dot_dimension_numbers<[0], [0], [1], [1], [0, 1, 1, 1], [], []>, transpose_lhs_hint = false} : vector<11x128xf32>, vector<11x11xf32>, vector<128x11xf32> -> vector<128x11xf32>
    %swap3A_87 = arith.constant 768 : index
    %swap3A_88 = arith.constant 0 : index
    %swap3A_89 = vector.load %arg2[%swap3A_87, %swap3A_88] : memref<16384x11xf32, #tpu.memory_space<vmem>>, vector<128x11xf32>
    tpu.vector_store %arg2[%swap3A_87, %swap3A_88], %dot_general3A_86 {strides = array<i32>} : memref<16384x11xf32, #tpu.memory_space<vmem>>, vector<128x11xf32>,
    %slice3A_90 = vector.extract_strided_slice %get3A_1 {offsets = [7, 0], sizes = [1, 128], strides = [1, 1]} : vector<128x128xi32> to vector<1x128xi32>
    %eq3A_91 = vector.broadcast %slice3A_90 : vector<1x128xi32> to vector<11x128xi32>
    %eq3A_92 = arith.cmpi eq, %eq3A_91, %iota3A : vector<11x128xi32>
    %jit3A_93 = arith.constant 2.500000e-01 : f32
    %jit3A_94 = arith.constant 0.000000e+00 : f32
    %broadcast_in_dim3A_95 = vector.broadcast %jit3A_93 : f32 to vector<11x128xf32>
    %broadcast_in_dim3A_96 = vector.broadcast %jit3A_94 : f32 to vector<11x128xf32>
    %select_n3A_97 = arith.select %eq3A_92, %broadcast_in_dim3A_95, %broadcast_in_dim3A_96 : vector<11x128xi1>, vector<11x128xf32>
    %dot_general3A_98 = arith.constant dense<0.000000e+00> : vector<128x11xf32>
    %dot_general3A_99 = tpu.matmul %select_n3A_97, %convert_element_type3A_4, %dot_general3A_98 {dimension_numbers = #tpu.dot_dimension_numbers<[0], [0], [1], [1], [0, 1, 1, 1], [], []>, transpose_lhs_hint = false} : vector<11x128xf32>, vector<11x11xf32>, vector<128x11xf32> -> vector<128x11xf32>
    %swap3A_100 = arith.constant 896 : index
    %swap3A_101 = arith.constant 0 : index
    %swap3A_102 = vector.load %arg2[%swap3A_100, %swap3A_101] : memref<16384x11xf32, #tpu.memory_space<vmem>>, vector<128x11xf32>
    tpu.vector_store %arg2[%swap3A_100, %swap3A_101], %dot_general3A_99 {strides = array<i32>} : memref<16384x11xf32, #tpu.memory_space<vmem>>, vector<128x11xf32>,
    %slice3A_103 = vector.extract_strided_slice %get3A_1 {offsets = [8, 0], sizes = [1, 128], strides = [1, 1]} : vector<128x128xi32> to vector<1x128xi32>
    %eq3A_104 = vector.broadcast %slice3A_103 : vector<1x128xi32> to vector<11x128xi32>
    %eq3A_105 = arith.cmpi eq, %eq3A_104, %iota3A : vector<11x128xi32>
    %jit3A_106 = arith.constant 2.500000e-01 : f32
    %jit3A_107 = arith.constant 0.000000e+00 : f32
    %broadcast_in_dim3A_108 = vector.broadcast %jit3A_106 : f32 to vector<11x128xf32>
    %broadcast_in_dim3A_109 = vector.broadcast %jit3A_107 : f32 to vector<11x128xf32>
    %select_n3A_110 = arith.select %eq3A_105, %broadcast_in_dim3A_108, %broadcast_in_dim3A_109 : vector<11x128xi1>, vector<11x128xf32>
    %dot_general3A_111 = arith.constant dense<0.000000e+00> : vector<128x11xf32>
    %dot_general3A_112 = tpu.matmul %select_n3A_110, %convert_element_type3A_4, %dot_general3A_111 {dimension_numbers = #tpu.dot_dimension_numbers<[0], [0], [1], [1], [0, 1, 1, 1], [], []>, transpose_lhs_hint = false} : vector<11x128xf32>, vector<11x11xf32>, vector<128x11xf32> -> vector<128x11xf32>
    %swap3A_113 = arith.constant 1024 : index
    %swap3A_114 = arith.constant 0 : index
    %swap3A_115 = vector.load %arg2[%swap3A_113, %swap3A_114] : memref<16384x11xf32, #tpu.memory_space<vmem>>, vector<128x11xf32>
    tpu.vector_store %arg2[%swap3A_113, %swap3A_114], %dot_general3A_112 {strides = array<i32>} : memref<16384x11xf32, #tpu.memory_space<vmem>>, vector<128x11xf32>,
    %slice3A_116 = vector.extract_strided_slice %get3A_1 {offsets = [9, 0], sizes = [1, 128], strides = [1, 1]} : vector<128x128xi32> to vector<1x128xi32>
    %eq3A_117 = vector.broadcast %slice3A_116 : vector<1x128xi32> to vector<11x128xi32>
    %eq3A_118 = arith.cmpi eq, %eq3A_117, %iota3A : vector<11x128xi32>
    %jit3A_119 = arith.constant 2.500000e-01 : f32
    %jit3A_120 = arith.constant 0.000000e+00 : f32
    %broadcast_in_dim3A_121 = vector.broadcast %jit3A_119 : f32 to vector<11x128xf32>
    %broadcast_in_dim3A_122 = vector.broadcast %jit3A_120 : f32 to vector<11x128xf32>
    %select_n3A_123 = arith.select %eq3A_118, %broadcast_in_dim3A_121, %broadcast_in_dim3A_122 : vector<11x128xi1>, vector<11x128xf32>
    %dot_general3A_124 = arith.constant dense<0.000000e+00> : vector<128x11xf32>
    %dot_general3A_125 = tpu.matmul %select_n3A_123, %convert_element_type3A_4, %dot_general3A_124 {dimension_numbers = #tpu.dot_dimension_numbers<[0], [0], [1], [1], [0, 1, 1, 1], [], []>, transpose_lhs_hint = false} : vector<11x128xf32>, vector<11x11xf32>, vector<128x11xf32> -> vector<128x11xf32>
    %swap3A_126 = arith.constant 1152 : index
    %swap3A_127 = arith.constant 0 : index
    %swap3A_128 = vector.load %arg2[%swap3A_126, %swap3A_127] : memref<16384x11xf32, #tpu.memory_space<vmem>>, vector<128x11xf32>
    tpu.vector_store %arg2[%swap3A_126, %swap3A_127], %dot_general3A_125 {strides = array<i32>} : memref<16384x11xf32, #tpu.memory_space<vmem>>, vector<128x11xf32>,
    %slice3A_129 = vector.extract_strided_slice %get3A_1 {offsets = [10, 0], sizes = [1, 128], strides = [1, 1]} : vector<128x128xi32> to vector<1x128xi32>
    %eq3A_130 = vector.broadcast %slice3A_129 : vector<1x128xi32> to vector<11x128xi32>
    %eq3A_131 = arith.cmpi eq, %eq3A_130, %iota3A : vector<11x128xi32>
    %jit3A_132 = arith.constant 2.500000e-01 : f32
    %jit3A_133 = arith.constant 0.000000e+00 : f32
    %broadcast_in_dim3A_134 = vector.broadcast %jit3A_132 : f32 to vector<11x128xf32>
    %broadcast_in_dim3A_135 = vector.broadcast %jit3A_133 : f32 to vector<11x128xf32>
    %select_n3A_136 = arith.select %eq3A_131, %broadcast_in_dim3A_134, %broadcast_in_dim3A_135 : vector<11x128xi1>, vector<11x128xf32>
    %dot_general3A_137 = arith.constant dense<0.000000e+00> : vector<128x11xf32>
    %dot_general3A_138 = tpu.matmul %select_n3A_136, %convert_element_type3A_4, %dot_general3A_137 {dimension_numbers = #tpu.dot_dimension_numbers<[0], [0], [1], [1], [0, 1, 1, 1], [], []>, transpose_lhs_hint = false} : vector<11x128xf32>, vector<11x11xf32>, vector<128x11xf32> -> vector<128x11xf32>
    %swap3A_139 = arith.constant 1280 : index
    %swap3A_140 = arith.constant 0 : index
    %swap3A_141 = vector.load %arg2[%swap3A_139, %swap3A_140] : memref<16384x11xf32, #tpu.memory_space<vmem>>, vector<128x11xf32>
    tpu.vector_store %arg2[%swap3A_139, %swap3A_140], %dot_general3A_138 {strides = array<i32>} : memref<16384x11xf32, #tpu.memory_space<vmem>>, vector<128x11xf32>,
    %slice3A_142 = vector.extract_strided_slice %get3A_1 {offsets = [11, 0], sizes = [1, 128], strides = [1, 1]} : vector<128x128xi32> to vector<1x128xi32>
    %eq3A_143 = vector.broadcast %slice3A_142 : vector<1x128xi32> to vector<11x128xi32>
    %eq3A_144 = arith.cmpi eq, %eq3A_143, %iota3A : vector<11x128xi32>
    %jit3A_145 = arith.constant 2.500000e-01 : f32
    %jit3A_146 = arith.constant 0.000000e+00 : f32
    %broadcast_in_dim3A_147 = vector.broadcast %jit3A_145 : f32 to vector<11x128xf32>
    %broadcast_in_dim3A_148 = vector.broadcast %jit3A_146 : f32 to vector<11x128xf32>
    %select_n3A_149 = arith.select %eq3A_144, %broadcast_in_dim3A_147, %broadcast_in_dim3A_148 : vector<11x128xi1>, vector<11x128xf32>
    %dot_general3A_150 = arith.constant dense<0.000000e+00> : vector<128x11xf32>
    %dot_general3A_151 = tpu.matmul %select_n3A_149, %convert_element_type3A_4, %dot_general3A_150 {dimension_numbers = #tpu.dot_dimension_numbers<[0], [0], [1], [1], [0, 1, 1, 1], [], []>, transpose_lhs_hint = false} : vector<11x128xf32>, vector<11x11xf32>, vector<128x11xf32> -> vector<128x11xf32>
    %swap3A_152 = arith.constant 1408 : index
    %swap3A_153 = arith.constant 0 : index
    %swap3A_154 = vector.load %arg2[%swap3A_152, %swap3A_153] : memref<16384x11xf32, #tpu.memory_space<vmem>>, vector<128x11xf32>
    tpu.vector_store %arg2[%swap3A_152, %swap3A_153], %dot_general3A_151 {strides = array<i32>} : memref<16384x11xf32, #tpu.memory_space<vmem>>, vector<128x11xf32>,
    %slice3A_155 = vector.extract_strided_slice %get3A_1 {offsets = [12, 0], sizes = [1, 128], strides = [1, 1]} : vector<128x128xi32> to vector<1x128xi32>
    %eq3A_156 = vector.broadcast %slice3A_155 : vector<1x128xi32> to vector<11x128xi32>
    %eq3A_157 = arith.cmpi eq, %eq3A_156, %iota3A : vector<11x128xi32>
    %jit3A_158 = arith.constant 2.500000e-01 : f32
    %jit3A_159 = arith.constant 0.000000e+00 : f32
    %broadcast_in_dim3A_160 = vector.broadcast %jit3A_158 : f32 to vector<11x128xf32>
    %broadcast_in_dim3A_161 = vector.broadcast %jit3A_159 : f32 to vector<11x128xf32>
    %select_n3A_162 = arith.select %eq3A_157, %broadcast_in_dim3A_160, %broadcast_in_dim3A_161 : vector<11x128xi1>, vector<11x128xf32>
    %dot_general3A_163 = arith.constant dense<0.000000e+00> : vector<128x11xf32>
    %dot_general3A_164 = tpu.matmul %select_n3A_162, %convert_element_type3A_4, %dot_general3A_163 {dimension_numbers = #tpu.dot_dimension_numbers<[0], [0], [1], [1], [0, 1, 1, 1], [], []>, transpose_lhs_hint = false} : vector<11x128xf32>, vector<11x11xf32>, vector<128x11xf32> -> vector<128x11xf32>
    %swap3A_165 = arith.constant 1536 : index
    %swap3A_166 = arith.constant 0 : index
    %swap3A_167 = vector.load %arg2[%swap3A_165, %swap3A_166] : memref<16384x11xf32, #tpu.memory_space<vmem>>, vector<128x11xf32>
    tpu.vector_store %arg2[%swap3A_165, %swap3A_166], %dot_general3A_164 {strides = array<i32>} : memref<16384x11xf32, #tpu.memory_space<vmem>>, vector<128x11xf32>,
    %slice3A_168 = vector.extract_strided_slice %get3A_1 {offsets = [13, 0], sizes = [1, 128], strides = [1, 1]} : vector<128x128xi32> to vector<1x128xi32>
    %eq3A_169 = vector.broadcast %slice3A_168 : vector<1x128xi32> to vector<11x128xi32>
    %eq3A_170 = arith.cmpi eq, %eq3A_169, %iota3A : vector<11x128xi32>
    %jit3A_171 = arith.constant 2.500000e-01 : f32
    %jit3A_172 = arith.constant 0.000000e+00 : f32
    %broadcast_in_dim3A_173 = vector.broadcast %jit3A_171 : f32 to vector<11x128xf32>
    %broadcast_in_dim3A_174 = vector.broadcast %jit3A_172 : f32 to vector<11x128xf32>
    %select_n3A_175 = arith.select %eq3A_170, %broadcast_in_dim3A_173, %broadcast_in_dim3A_174 : vector<11x128xi1>, vector<11x128xf32>
    %dot_general3A_176 = arith.constant dense<0.000000e+00> : vector<128x11xf32>
    %dot_general3A_177 = tpu.matmul %select_n3A_175, %convert_element_type3A_4, %dot_general3A_176 {dimension_numbers = #tpu.dot_dimension_numbers<[0], [0], [1], [1], [0, 1, 1, 1], [], []>, transpose_lhs_hint = false} : vector<11x128xf32>, vector<11x11xf32>, vector<128x11xf32> -> vector<128x11xf32>
    %swap3A_178 = arith.constant 1664 : index
    %swap3A_179 = arith.constant 0 : index
    %swap3A_180 = vector.load %arg2[%swap3A_178, %swap3A_179] : memref<16384x11xf32, #tpu.memory_space<vmem>>, vector<128x11xf32>
    tpu.vector_store %arg2[%swap3A_178, %swap3A_179], %dot_general3A_177 {strides = array<i32>} : memref<16384x11xf32, #tpu.memory_space<vmem>>, vector<128x11xf32>,
    %slice3A_181 = vector.extract_strided_slice %get3A_1 {offsets = [14, 0], sizes = [1, 128], strides = [1, 1]} : vector<128x128xi32> to vector<1x128xi32>
    %eq3A_182 = vector.broadcast %slice3A_181 : vector<1x128xi32> to vector<11x128xi32>
    %eq3A_183 = arith.cmpi eq, %eq3A_182, %iota3A : vector<11x128xi32>
    %jit3A_184 = arith.constant 2.500000e-01 : f32
    %jit3A_185 = arith.constant 0.000000e+00 : f32
    %broadcast_in_dim3A_186 = vector.broadcast %jit3A_184 : f32 to vector<11x128xf32>
    %broadcast_in_dim3A_187 = vector.broadcast %jit3A_185 : f32 to vector<11x128xf32>
    %select_n3A_188 = arith.select %eq3A_183, %broadcast_in_dim3A_186, %broadcast_in_dim3A_187 : vector<11x128xi1>, vector<11x128xf32>
    %dot_general3A_189 = arith.constant dense<0.000000e+00> : vector<128x11xf32>
    %dot_general3A_190 = tpu.matmul %select_n3A_188, %convert_element_type3A_4, %dot_general3A_189 {dimension_numbers = #tpu.dot_dimension_numbers<[0], [0], [1], [1], [0, 1, 1, 1], [], []>, transpose_lhs_hint = false} : vector<11x128xf32>, vector<11x11xf32>, vector<128x11xf32> -> vector<128x11xf32>
    %swap3A_191 = arith.constant 1792 : index
    %swap3A_192 = arith.constant 0 : index
    %swap3A_193 = vector.load %arg2[%swap3A_191, %swap3A_192] : memref<16384x11xf32, #tpu.memory_space<vmem>>, vector<128x11xf32>
    tpu.vector_store %arg2[%swap3A_191, %swap3A_192], %dot_general3A_190 {strides = array<i32>} : memref<16384x11xf32, #tpu.memory_space<vmem>>, vector<128x11xf32>,
    %slice3A_194 = vector.extract_strided_slice %get3A_1 {offsets = [15, 0], sizes = [1, 128], strides = [1, 1]} : vector<128x128xi32> to vector<1x128xi32>
    %eq3A_195 = vector.broadcast %slice3A_194 : vector<1x128xi32> to vector<11x128xi32>
    %eq3A_196 = arith.cmpi eq, %eq3A_195, %iota3A : vector<11x128xi32>
    %jit3A_197 = arith.constant 2.500000e-01 : f32
    %jit3A_198 = arith.constant 0.000000e+00 : f32
    %broadcast_in_dim3A_199 = vector.broadcast %jit3A_197 : f32 to vector<11x128xf32>
    %broadcast_in_dim3A_200 = vector.broadcast %jit3A_198 : f32 to vector<11x128xf32>
    %select_n3A_201 = arith.select %eq3A_196, %broadcast_in_dim3A_199, %broadcast_in_dim3A_200 : vector<11x128xi1>, vector<11x128xf32>
    %dot_general3A_202 = arith.constant dense<0.000000e+00> : vector<128x11xf32>
    %dot_general3A_203 = tpu.matmul %select_n3A_201, %convert_element_type3A_4, %dot_general3A_202 {dimension_numbers = #tpu.dot_dimension_numbers<[0], [0], [1], [1], [0, 1, 1, 1], [], []>, transpose_lhs_hint = false} : vector<11x128xf32>, vector<11x11xf32>, vector<128x11xf32> -> vector<128x11xf32>
    %swap3A_204 = arith.constant 1920 : index
    %swap3A_205 = arith.constant 0 : index
    %swap3A_206 = vector.load %arg2[%swap3A_204, %swap3A_205] : memref<16384x11xf32, #tpu.memory_space<vmem>>, vector<128x11xf32>
    tpu.vector_store %arg2[%swap3A_204, %swap3A_205], %dot_general3A_203 {strides = array<i32>} : memref<16384x11xf32, #tpu.memory_space<vmem>>, vector<128x11xf32>,
    %slice3A_207 = vector.extract_strided_slice %get3A_1 {offsets = [16, 0], sizes = [1, 128], strides = [1, 1]} : vector<128x128xi32> to vector<1x128xi32>
    %eq3A_208 = vector.broadcast %slice3A_207 : vector<1x128xi32> to vector<11x128xi32>
    %eq3A_209 = arith.cmpi eq, %eq3A_208, %iota3A : vector<11x128xi32>
    %jit3A_210 = arith.constant 2.500000e-01 : f32
    %jit3A_211 = arith.constant 0.000000e+00 : f32
    %broadcast_in_dim3A_212 = vector.broadcast %jit3A_210 : f32 to vector<11x128xf32>
    %broadcast_in_dim3A_213 = vector.broadcast %jit3A_211 : f32 to vector<11x128xf32>
    %select_n3A_214 = arith.select %eq3A_209, %broadcast_in_dim3A_212, %broadcast_in_dim3A_213 : vector<11x128xi1>, vector<11x128xf32>
    %dot_general3A_215 = arith.constant dense<0.000000e+00> : vector<128x11xf32>
    %dot_general3A_216 = tpu.matmul %select_n3A_214, %convert_element_type3A_4, %dot_general3A_215 {dimension_numbers = #tpu.dot_dimension_numbers<[0], [0], [1], [1], [0, 1, 1, 1], [], []>, transpose_lhs_hint = false} : vector<11x128xf32>, vector<11x11xf32>, vector<128x11xf32> -> vector<128x11xf32>
    %swap3A_217 = arith.constant 2048 : index
    %swap3A_218 = arith.constant 0 : index
    %swap3A_219 = vector.load %arg2[%swap3A_217, %swap3A_218] : memref<16384x11xf32, #tpu.memory_space<vmem>>, vector<128x11xf32>
    tpu.vector_store %arg2[%swap3A_217, %swap3A_218], %dot_general3A_216 {strides = array<i32>} : memref<16384x11xf32, #tpu.memory_space<vmem>>, vector<128x11xf32>,
    %slice3A_220 = vector.extract_strided_slice %get3A_1 {offsets = [17, 0], sizes = [1, 128], strides = [1, 1]} : vector<128x128xi32> to vector<1x128xi32>
    %eq3A_221 = vector.broadcast %slice3A_220 : vector<1x128xi32> to vector<11x128xi32>
    %eq3A_222 = arith.cmpi eq, %eq3A_221, %iota3A : vector<11x128xi32>
    %jit3A_223 = arith.constant 2.500000e-01 : f32
    %jit3A_224 = arith.constant 0.000000e+00 : f32
    %broadcast_in_dim3A_225 = vector.broadcast %jit3A_223 : f32 to vector<11x128xf32>
    %broadcast_in_dim3A_226 = vector.broadcast %jit3A_224 : f32 to vector<11x128xf32>
    %select_n3A_227 = arith.select %eq3A_222, %broadcast_in_dim3A_225, %broadcast_in_dim3A_226 : vector<11x128xi1>, vector<11x128xf32>
    %dot_general3A_228 = arith.constant dense<0.000000e+00> : vector<128x11xf32>
    %dot_general3A_229 = tpu.matmul %select_n3A_227, %convert_element_type3A_4, %dot_general3A_228 {dimension_numbers = #tpu.dot_dimension_numbers<[0], [0], [1], [1], [0, 1, 1, 1], [], []>, transpose_lhs_hint = false} : vector<11x128xf32>, vector<11x11xf32>, vector<128x11xf32> -> vector<128x11xf32>
    %swap3A_230 = arith.constant 2176 : index
    %swap3A_231 = arith.constant 0 : index
    %swap3A_232 = vector.load %arg2[%swap3A_230, %swap3A_231] : memref<16384x11xf32, #tpu.memory_space<vmem>>, vector<128x11xf32>
    tpu.vector_store %arg2[%swap3A_230, %swap3A_231], %dot_general3A_229 {strides = array<i32>} : memref<16384x11xf32, #tpu.memory_space<vmem>>, vector<128x11xf32>,
    %slice3A_233 = vector.extract_strided_slice %get3A_1 {offsets = [18, 0], sizes = [1, 128], strides = [1, 1]} : vector<128x128xi32> to vector<1x128xi32>
    %eq3A_234 = vector.broadcast %slice3A_233 : vector<1x128xi32> to vector<11x128xi32>
    %eq3A_235 = arith.cmpi eq, %eq3A_234, %iota3A : vector<11x128xi32>
    %jit3A_236 = arith.constant 2.500000e-01 : f32
    %jit3A_237 = arith.constant 0.000000e+00 : f32
    %broadcast_in_dim3A_238 = vector.broadcast %jit3A_236 : f32 to vector<11x128xf32>
    %broadcast_in_dim3A_239 = vector.broadcast %jit3A_237 : f32 to vector<11x128xf32>
    %select_n3A_240 = arith.select %eq3A_235, %broadcast_in_dim3A_238, %broadcast_in_dim3A_239 : vector<11x128xi1>, vector<11x128xf32>
    %dot_general3A_241 = arith.constant dense<0.000000e+00> : vector<128x11xf32>
    %dot_general3A_242 = tpu.matmul %select_n3A_240, %convert_element_type3A_4, %dot_general3A_241 {dimension_numbers = #tpu.dot_dimension_numbers<[0], [0], [1], [1], [0, 1, 1, 1], [], []>, transpose_lhs_hint = false} : vector<11x128xf32>, vector<11x11xf32>, vector<128x11xf32> -> vector<128x11xf32>
    %swap3A_243 = arith.constant 2304 : index
    %swap3A_244 = arith.constant 0 : index
    %swap3A_245 = vector.load %arg2[%swap3A_243, %swap3A_244] : memref<16384x11xf32, #tpu.memory_space<vmem>>, vector<128x11xf32>
    tpu.vector_store %arg2[%swap3A_243, %swap3A_244], %dot_general3A_242 {strides = array<i32>} : memref<16384x11xf32, #tpu.memory_space<vmem>>, vector<128x11xf32>,
    %slice3A_246 = vector.extract_strided_slice %get3A_1 {offsets = [19, 0], sizes = [1, 128], strides = [1, 1]} : vector<128x128xi32> to vector<1x128xi32>
    %eq3A_247 = vector.broadcast %slice3A_246 : vector<1x128xi32> to vector<11x128xi32>
    %eq3A_248 = arith.cmpi eq, %eq3A_247, %iota3A : vector<11x128xi32>
    %jit3A_249 = arith.constant 2.500000e-01 : f32
    %jit3A_250 = arith.constant 0.000000e+00 : f32
    %broadcast_in_dim3A_251 = vector.broadcast %jit3A_249 : f32 to vector<11x128xf32>
    %broadcast_in_dim3A_252 = vector.broadcast %jit3A_250 : f32 to vector<11x128xf32>
    %select_n3A_253 = arith.select %eq3A_248, %broadcast_in_dim3A_251, %broadcast_in_dim3A_252 : vector<11x128xi1>, vector<11x128xf32>
    %dot_general3A_254 = arith.constant dense<0.000000e+00> : vector<128x11xf32>
    %dot_general3A_255 = tpu.matmul %select_n3A_253, %convert_element_type3A_4, %dot_general3A_254 {dimension_numbers = #tpu.dot_dimension_numbers<[0], [0], [1], [1], [0, 1, 1, 1], [], []>, transpose_lhs_hint = false} : vector<11x128xf32>, vector<11x11xf32>, vector<128x11xf32> -> vector<128x11xf32>
    %swap3A_256 = arith.constant 2432 : index
    %swap3A_257 = arith.constant 0 : index
    %swap3A_258 = vector.load %arg2[%swap3A_256, %swap3A_257] : memref<16384x11xf32, #tpu.memory_space<vmem>>, vector<128x11xf32>
    tpu.vector_store %arg2[%swap3A_256, %swap3A_257], %dot_general3A_255 {strides = array<i32>} : memref<16384x11xf32, #tpu.memory_space<vmem>>, vector<128x11xf32>,
    %slice3A_259 = vector.extract_strided_slice %get3A_1 {offsets = [20, 0], sizes = [1, 128], strides = [1, 1]} : vector<128x128xi32> to vector<1x128xi32>
    %eq3A_260 = vector.broadcast %slice3A_259 : vector<1x128xi32> to vector<11x128xi32>
    %eq3A_261 = arith.cmpi eq, %eq3A_260, %iota3A : vector<11x128xi32>
    %jit3A_262 = arith.constant 2.500000e-01 : f32
    %jit3A_263 = arith.constant 0.000000e+00 : f32
    %broadcast_in_dim3A_264 = vector.broadcast %jit3A_262 : f32 to vector<11x128xf32>
    %broadcast_in_dim3A_265 = vector.broadcast %jit3A_263 : f32 to vector<11x128xf32>
    %select_n3A_266 = arith.select %eq3A_261, %broadcast_in_dim3A_264, %broadcast_in_dim3A_265 : vector<11x128xi1>, vector<11x128xf32>
    %dot_general3A_267 = arith.constant dense<0.000000e+00> : vector<128x11xf32>
    %dot_general3A_268 = tpu.matmul %select_n3A_266, %convert_element_type3A_4, %dot_general3A_267 {dimension_numbers = #tpu.dot_dimension_numbers<[0], [0], [1], [1], [0, 1, 1, 1], [], []>, transpose_lhs_hint = false} : vector<11x128xf32>, vector<11x11xf32>, vector<128x11xf32> -> vector<128x11xf32>
    %swap3A_269 = arith.constant 2560 : index
    %swap3A_270 = arith.constant 0 : index
    %swap3A_271 = vector.load %arg2[%swap3A_269, %swap3A_270] : memref<16384x11xf32, #tpu.memory_space<vmem>>, vector<128x11xf32>
    tpu.vector_store %arg2[%swap3A_269, %swap3A_270], %dot_general3A_268 {strides = array<i32>} : memref<16384x11xf32, #tpu.memory_space<vmem>>, vector<128x11xf32>,
    %slice3A_272 = vector.extract_strided_slice %get3A_1 {offsets = [21, 0], sizes = [1, 128], strides = [1, 1]} : vector<128x128xi32> to vector<1x128xi32>
    %eq3A_273 = vector.broadcast %slice3A_272 : vector<1x128xi32> to vector<11x128xi32>
    %eq3A_274 = arith.cmpi eq, %eq3A_273, %iota3A : vector<11x128xi32>
    %jit3A_275 = arith.constant 2.500000e-01 : f32
    %jit3A_276 = arith.constant 0.000000e+00 : f32
    %broadcast_in_dim3A_277 = vector.broadcast %jit3A_275 : f32 to vector<11x128xf32>
    %broadcast_in_dim3A_278 = vector.broadcast %jit3A_276 : f32 to vector<11x128xf32>
    %select_n3A_279 = arith.select %eq3A_274, %broadcast_in_dim3A_277, %broadcast_in_dim3A_278 : vector<11x128xi1>, vector<11x128xf32>
    %dot_general3A_280 = arith.constant dense<0.000000e+00> : vector<128x11xf32>
    %dot_general3A_281 = tpu.matmul %select_n3A_279, %convert_element_type3A_4, %dot_general3A_280 {dimension_numbers = #tpu.dot_dimension_numbers<[0], [0], [1], [1], [0, 1, 1, 1], [], []>, transpose_lhs_hint = false} : vector<11x128xf32>, vector<11x11xf32>, vector<128x11xf32> -> vector<128x11xf32>
    %swap3A_282 = arith.constant 2688 : index
    %swap3A_283 = arith.constant 0 : index
    %swap3A_284 = vector.load %arg2[%swap3A_282, %swap3A_283] : memref<16384x11xf32, #tpu.memory_space<vmem>>, vector<128x11xf32>
    tpu.vector_store %arg2[%swap3A_282, %swap3A_283], %dot_general3A_281 {strides = array<i32>} : memref<16384x11xf32, #tpu.memory_space<vmem>>, vector<128x11xf32>,
    %slice3A_285 = vector.extract_strided_slice %get3A_1 {offsets = [22, 0], sizes = [1, 128], strides = [1, 1]} : vector<128x128xi32> to vector<1x128xi32>
    %eq3A_286 = vector.broadcast %slice3A_285 : vector<1x128xi32> to vector<11x128xi32>
    %eq3A_287 = arith.cmpi eq, %eq3A_286, %iota3A : vector<11x128xi32>
    %jit3A_288 = arith.constant 2.500000e-01 : f32
    %jit3A_289 = arith.constant 0.000000e+00 : f32
    %broadcast_in_dim3A_290 = vector.broadcast %jit3A_288 : f32 to vector<11x128xf32>
    %broadcast_in_dim3A_291 = vector.broadcast %jit3A_289 : f32 to vector<11x128xf32>
    %select_n3A_292 = arith.select %eq3A_287, %broadcast_in_dim3A_290, %broadcast_in_dim3A_291 : vector<11x128xi1>, vector<11x128xf32>
    %dot_general3A_293 = arith.constant dense<0.000000e+00> : vector<128x11xf32>
    %dot_general3A_294 = tpu.matmul %select_n3A_292, %convert_element_type3A_4, %dot_general3A_293 {dimension_numbers = #tpu.dot_dimension_numbers<[0], [0], [1], [1], [0, 1, 1, 1], [], []>, transpose_lhs_hint = false} : vector<11x128xf32>, vector<11x11xf32>, vector<128x11xf32> -> vector<128x11xf32>
    %swap3A_295 = arith.constant 2816 : index
    %swap3A_296 = arith.constant 0 : index
    %swap3A_297 = vector.load %arg2[%swap3A_295, %swap3A_296] : memref<16384x11xf32, #tpu.memory_space<vmem>>, vector<128x11xf32>
    tpu.vector_store %arg2[%swap3A_295, %swap3A_296], %dot_general3A_294 {strides = array<i32>} : memref<16384x11xf32, #tpu.memory_space<vmem>>, vector<128x11xf32>,
    %slice3A_298 = vector.extract_strided_slice %get3A_1 {offsets = [23, 0], sizes = [1, 128], strides = [1, 1]} : vector<128x128xi32> to vector<1x128xi32>
    %eq3A_299 = vector.broadcast %slice3A_298 : vector<1x128xi32> to vector<11x128xi32>
    %eq3A_300 = arith.cmpi eq, %eq3A_299, %iota3A : vector<11x128xi32>
    %jit3A_301 = arith.constant 2.500000e-01 : f32
    %jit3A_302 = arith.constant 0.000000e+00 : f32
    %broadcast_in_dim3A_303 = vector.broadcast %jit3A_301 : f32 to vector<11x128xf32>
    %broadcast_in_dim3A_304 = vector.broadcast %jit3A_302 : f32 to vector<11x128xf32>
    %select_n3A_305 = arith.select %eq3A_300, %broadcast_in_dim3A_303, %broadcast_in_dim3A_304 : vector<11x128xi1>, vector<11x128xf32>
    %dot_general3A_306 = arith.constant dense<0.000000e+00> : vector<128x11xf32>
    %dot_general3A_307 = tpu.matmul %select_n3A_305, %convert_element_type3A_4, %dot_general3A_306 {dimension_numbers = #tpu.dot_dimension_numbers<[0], [0], [1], [1], [0, 1, 1, 1], [], []>, transpose_lhs_hint = false} : vector<11x128xf32>, vector<11x11xf32>, vector<128x11xf32> -> vector<128x11xf32>
    %swap3A_308 = arith.constant 2944 : index
    %swap3A_309 = arith.constant 0 : index
    %swap3A_310 = vector.load %arg2[%swap3A_308, %swap3A_309] : memref<16384x11xf32, #tpu.memory_space<vmem>>, vector<128x11xf32>
    tpu.vector_store %arg2[%swap3A_308, %swap3A_309], %dot_general3A_307 {strides = array<i32>} : memref<16384x11xf32, #tpu.memory_space<vmem>>, vector<128x11xf32>,
    %slice3A_311 = vector.extract_strided_slice %get3A_1 {offsets = [24, 0], sizes = [1, 128], strides = [1, 1]} : vector<128x128xi32> to vector<1x128xi32>
    %eq3A_312 = vector.broadcast %slice3A_311 : vector<1x128xi32> to vector<11x128xi32>
    %eq3A_313 = arith.cmpi eq, %eq3A_312, %iota3A : vector<11x128xi32>
    %jit3A_314 = arith.constant 2.500000e-01 : f32
    %jit3A_315 = arith.constant 0.000000e+00 : f32
    %broadcast_in_dim3A_316 = vector.broadcast %jit3A_314 : f32 to vector<11x128xf32>
    %broadcast_in_dim3A_317 = vector.broadcast %jit3A_315 : f32 to vector<11x128xf32>
    %select_n3A_318 = arith.select %eq3A_313, %broadcast_in_dim3A_316, %broadcast_in_dim3A_317 : vector<11x128xi1>, vector<11x128xf32>
    %dot_general3A_319 = arith.constant dense<0.000000e+00> : vector<128x11xf32>
    %dot_general3A_320 = tpu.matmul %select_n3A_318, %convert_element_type3A_4, %dot_general3A_319 {dimension_numbers = #tpu.dot_dimension_numbers<[0], [0], [1], [1], [0, 1, 1, 1], [], []>, transpose_lhs_hint = false} : vector<11x128xf32>, vector<11x11xf32>, vector<128x11xf32> -> vector<128x11xf32>
    %swap3A_321 = arith.constant 3072 : index
    %swap3A_322 = arith.constant 0 : index
    %swap3A_323 = vector.load %arg2[%swap3A_321, %swap3A_322] : memref<16384x11xf32, #tpu.memory_space<vmem>>, vector<128x11xf32>
    tpu.vector_store %arg2[%swap3A_321, %swap3A_322], %dot_general3A_320 {strides = array<i32>} : memref<16384x11xf32, #tpu.memory_space<vmem>>, vector<128x11xf32>,
    %slice3A_324 = vector.extract_strided_slice %get3A_1 {offsets = [25, 0], sizes = [1, 128], strides = [1, 1]} : vector<128x128xi32> to vector<1x128xi32>
    %eq3A_325 = vector.broadcast %slice3A_324 : vector<1x128xi32> to vector<11x128xi32>
    %eq3A_326 = arith.cmpi eq, %eq3A_325, %iota3A : vector<11x128xi32>
    %jit3A_327 = arith.constant 2.500000e-01 : f32
    %jit3A_328 = arith.constant 0.000000e+00 : f32
    %broadcast_in_dim3A_329 = vector.broadcast %jit3A_327 : f32 to vector<11x128xf32>
    %broadcast_in_dim3A_330 = vector.broadcast %jit3A_328 : f32 to vector<11x128xf32>
    %select_n3A_331 = arith.select %eq3A_326, %broadcast_in_dim3A_329, %broadcast_in_dim3A_330 : vector<11x128xi1>, vector<11x128xf32>
    %dot_general3A_332 = arith.constant dense<0.000000e+00> : vector<128x11xf32>
    %dot_general3A_333 = tpu.matmul %select_n3A_331, %convert_element_type3A_4, %dot_general3A_332 {dimension_numbers = #tpu.dot_dimension_numbers<[0], [0], [1], [1], [0, 1, 1, 1], [], []>, transpose_lhs_hint = false} : vector<11x128xf32>, vector<11x11xf32>, vector<128x11xf32> -> vector<128x11xf32>
    %swap3A_334 = arith.constant 3200 : index
    %swap3A_335 = arith.constant 0 : index
    %swap3A_336 = vector.load %arg2[%swap3A_334, %swap3A_335] : memref<16384x11xf32, #tpu.memory_space<vmem>>, vector<128x11xf32>
    tpu.vector_store %arg2[%swap3A_334, %swap3A_335], %dot_general3A_333 {strides = array<i32>} : memref<16384x11xf32, #tpu.memory_space<vmem>>, vector<128x11xf32>,
    %slice3A_337 = vector.extract_strided_slice %get3A_1 {offsets = [26, 0], sizes = [1, 128], strides = [1, 1]} : vector<128x128xi32> to vector<1x128xi32>
    %eq3A_338 = vector.broadcast %slice3A_337 : vector<1x128xi32> to vector<11x128xi32>
    %eq3A_339 = arith.cmpi eq, %eq3A_338, %iota3A : vector<11x128xi32>
    %jit3A_340 = arith.constant 2.500000e-01 : f32
    %jit3A_341 = arith.constant 0.000000e+00 : f32
    %broadcast_in_dim3A_342 = vector.broadcast %jit3A_340 : f32 to vector<11x128xf32>
    %broadcast_in_dim3A_343 = vector.broadcast %jit3A_341 : f32 to vector<11x128xf32>
    %select_n3A_344 = arith.select %eq3A_339, %broadcast_in_dim3A_342, %broadcast_in_dim3A_343 : vector<11x128xi1>, vector<11x128xf32>
    %dot_general3A_345 = arith.constant dense<0.000000e+00> : vector<128x11xf32>
    %dot_general3A_346 = tpu.matmul %select_n3A_344, %convert_element_type3A_4, %dot_general3A_345 {dimension_numbers = #tpu.dot_dimension_numbers<[0], [0], [1], [1], [0, 1, 1, 1], [], []>, transpose_lhs_hint = false} : vector<11x128xf32>, vector<11x11xf32>, vector<128x11xf32> -> vector<128x11xf32>
    %swap3A_347 = arith.constant 3328 : index
    %swap3A_348 = arith.constant 0 : index
    %swap3A_349 = vector.load %arg2[%swap3A_347, %swap3A_348] : memref<16384x11xf32, #tpu.memory_space<vmem>>, vector<128x11xf32>
    tpu.vector_store %arg2[%swap3A_347, %swap3A_348], %dot_general3A_346 {strides = array<i32>} : memref<16384x11xf32, #tpu.memory_space<vmem>>, vector<128x11xf32>,
    %slice3A_350 = vector.extract_strided_slice %get3A_1 {offsets = [27, 0], sizes = [1, 128], strides = [1, 1]} : vector<128x128xi32> to vector<1x128xi32>
    %eq3A_351 = vector.broadcast %slice3A_350 : vector<1x128xi32> to vector<11x128xi32>
    %eq3A_352 = arith.cmpi eq, %eq3A_351, %iota3A : vector<11x128xi32>
    %jit3A_353 = arith.constant 2.500000e-01 : f32
    %jit3A_354 = arith.constant 0.000000e+00 : f32
    %broadcast_in_dim3A_355 = vector.broadcast %jit3A_353 : f32 to vector<11x128xf32>
    %broadcast_in_dim3A_356 = vector.broadcast %jit3A_354 : f32 to vector<11x128xf32>
    %select_n3A_357 = arith.select %eq3A_352, %broadcast_in_dim3A_355, %broadcast_in_dim3A_356 : vector<11x128xi1>, vector<11x128xf32>
    %dot_general3A_358 = arith.constant dense<0.000000e+00> : vector<128x11xf32>
    %dot_general3A_359 = tpu.matmul %select_n3A_357, %convert_element_type3A_4, %dot_general3A_358 {dimension_numbers = #tpu.dot_dimension_numbers<[0], [0], [1], [1], [0, 1, 1, 1], [], []>, transpose_lhs_hint = false} : vector<11x128xf32>, vector<11x11xf32>, vector<128x11xf32> -> vector<128x11xf32>
    %swap3A_360 = arith.constant 3456 : index
    %swap3A_361 = arith.constant 0 : index
    %swap3A_362 = vector.load %arg2[%swap3A_360, %swap3A_361] : memref<16384x11xf32, #tpu.memory_space<vmem>>, vector<128x11xf32>
    tpu.vector_store %arg2[%swap3A_360, %swap3A_361], %dot_general3A_359 {strides = array<i32>} : memref<16384x11xf32, #tpu.memory_space<vmem>>, vector<128x11xf32>,
    %slice3A_363 = vector.extract_strided_slice %get3A_1 {offsets = [28, 0], sizes = [1, 128], strides = [1, 1]} : vector<128x128xi32> to vector<1x128xi32>
    %eq3A_364 = vector.broadcast %slice3A_363 : vector<1x128xi32> to vector<11x128xi32>
    %eq3A_365 = arith.cmpi eq, %eq3A_364, %iota3A : vector<11x128xi32>
    %jit3A_366 = arith.constant 2.500000e-01 : f32
    %jit3A_367 = arith.constant 0.000000e+00 : f32
    %broadcast_in_dim3A_368 = vector.broadcast %jit3A_366 : f32 to vector<11x128xf32>
    %broadcast_in_dim3A_369 = vector.broadcast %jit3A_367 : f32 to vector<11x128xf32>
    %select_n3A_370 = arith.select %eq3A_365, %broadcast_in_dim3A_368, %broadcast_in_dim3A_369 : vector<11x128xi1>, vector<11x128xf32>
    %dot_general3A_371 = arith.constant dense<0.000000e+00> : vector<128x11xf32>
    %dot_general3A_372 = tpu.matmul %select_n3A_370, %convert_element_type3A_4, %dot_general3A_371 {dimension_numbers = #tpu.dot_dimension_numbers<[0], [0], [1], [1], [0, 1, 1, 1], [], []>, transpose_lhs_hint = false} : vector<11x128xf32>, vector<11x11xf32>, vector<128x11xf32> -> vector<128x11xf32>
    %swap3A_373 = arith.constant 3584 : index
    %swap3A_374 = arith.constant 0 : index
    %swap3A_375 = vector.load %arg2[%swap3A_373, %swap3A_374] : memref<16384x11xf32, #tpu.memory_space<vmem>>, vector<128x11xf32>
    tpu.vector_store %arg2[%swap3A_373, %swap3A_374], %dot_general3A_372 {strides = array<i32>} : memref<16384x11xf32, #tpu.memory_space<vmem>>, vector<128x11xf32>,
    %slice3A_376 = vector.extract_strided_slice %get3A_1 {offsets = [29, 0], sizes = [1, 128], strides = [1, 1]} : vector<128x128xi32> to vector<1x128xi32>
    %eq3A_377 = vector.broadcast %slice3A_376 : vector<1x128xi32> to vector<11x128xi32>
    %eq3A_378 = arith.cmpi eq, %eq3A_377, %iota3A : vector<11x128xi32>
    %jit3A_379 = arith.constant 2.500000e-01 : f32
    %jit3A_380 = arith.constant 0.000000e+00 : f32
    %broadcast_in_dim3A_381 = vector.broadcast %jit3A_379 : f32 to vector<11x128xf32>
    %broadcast_in_dim3A_382 = vector.broadcast %jit3A_380 : f32 to vector<11x128xf32>
    %select_n3A_383 = arith.select %eq3A_378, %broadcast_in_dim3A_381, %broadcast_in_dim3A_382 : vector<11x128xi1>, vector<11x128xf32>
    %dot_general3A_384 = arith.constant dense<0.000000e+00> : vector<128x11xf32>
    %dot_general3A_385 = tpu.matmul %select_n3A_383, %convert_element_type3A_4, %dot_general3A_384 {dimension_numbers = #tpu.dot_dimension_numbers<[0], [0], [1], [1], [0, 1, 1, 1], [], []>, transpose_lhs_hint = false} : vector<11x128xf32>, vector<11x11xf32>, vector<128x11xf32> -> vector<128x11xf32>
    %swap3A_386 = arith.constant 3712 : index
    %swap3A_387 = arith.constant 0 : index
    %swap3A_388 = vector.load %arg2[%swap3A_386, %swap3A_387] : memref<16384x11xf32, #tpu.memory_space<vmem>>, vector<128x11xf32>
    tpu.vector_store %arg2[%swap3A_386, %swap3A_387], %dot_general3A_385 {strides = array<i32>} : memref<16384x11xf32, #tpu.memory_space<vmem>>, vector<128x11xf32>,
    %slice3A_389 = vector.extract_strided_slice %get3A_1 {offsets = [30, 0], sizes = [1, 128], strides = [1, 1]} : vector<128x128xi32> to vector<1x128xi32>
    %eq3A_390 = vector.broadcast %slice3A_389 : vector<1x128xi32> to vector<11x128xi32>
    %eq3A_391 = arith.cmpi eq, %eq3A_390, %iota3A : vector<11x128xi32>
    %jit3A_392 = arith.constant 2.500000e-01 : f32
    %jit3A_393 = arith.constant 0.000000e+00 : f32
    %broadcast_in_dim3A_394 = vector.broadcast %jit3A_392 : f32 to vector<11x128xf32>
    %broadcast_in_dim3A_395 = vector.broadcast %jit3A_393 : f32 to vector<11x128xf32>
    %select_n3A_396 = arith.select %eq3A_391, %broadcast_in_dim3A_394, %broadcast_in_dim3A_395 : vector<11x128xi1>, vector<11x128xf32>
    %dot_general3A_397 = arith.constant dense<0.000000e+00> : vector<128x11xf32>
    %dot_general3A_398 = tpu.matmul %select_n3A_396, %convert_element_type3A_4, %dot_general3A_397 {dimension_numbers = #tpu.dot_dimension_numbers<[0], [0], [1], [1], [0, 1, 1, 1], [], []>, transpose_lhs_hint = false} : vector<11x128xf32>, vector<11x11xf32>, vector<128x11xf32> -> vector<128x11xf32>
    %swap3A_399 = arith.constant 3840 : index
    %swap3A_400 = arith.constant 0 : index
    %swap3A_401 = vector.load %arg2[%swap3A_399, %swap3A_400] : memref<16384x11xf32, #tpu.memory_space<vmem>>, vector<128x11xf32>
    tpu.vector_store %arg2[%swap3A_399, %swap3A_400], %dot_general3A_398 {strides = array<i32>} : memref<16384x11xf32, #tpu.memory_space<vmem>>, vector<128x11xf32>,
    %slice3A_402 = vector.extract_strided_slice %get3A_1 {offsets = [31, 0], sizes = [1, 128], strides = [1, 1]} : vector<128x128xi32> to vector<1x128xi32>
    %eq3A_403 = vector.broadcast %slice3A_402 : vector<1x128xi32> to vector<11x128xi32>
    %eq3A_404 = arith.cmpi eq, %eq3A_403, %iota3A : vector<11x128xi32>
    %jit3A_405 = arith.constant 2.500000e-01 : f32
    %jit3A_406 = arith.constant 0.000000e+00 : f32
    %broadcast_in_dim3A_407 = vector.broadcast %jit3A_405 : f32 to vector<11x128xf32>
    %broadcast_in_dim3A_408 = vector.broadcast %jit3A_406 : f32 to vector<11x128xf32>
    %select_n3A_409 = arith.select %eq3A_404, %broadcast_in_dim3A_407, %broadcast_in_dim3A_408 : vector<11x128xi1>, vector<11x128xf32>
    %dot_general3A_410 = arith.constant dense<0.000000e+00> : vector<128x11xf32>
    %dot_general3A_411 = tpu.matmul %select_n3A_409, %convert_element_type3A_4, %dot_general3A_410 {dimension_numbers = #tpu.dot_dimension_numbers<[0], [0], [1], [1], [0, 1, 1, 1], [], []>, transpose_lhs_hint = false} : vector<11x128xf32>, vector<11x11xf32>, vector<128x11xf32> -> vector<128x11xf32>
    %swap3A_412 = arith.constant 3968 : index
    %swap3A_413 = arith.constant 0 : index
    %swap3A_414 = vector.load %arg2[%swap3A_412, %swap3A_413] : memref<16384x11xf32, #tpu.memory_space<vmem>>, vector<128x11xf32>
    tpu.vector_store %arg2[%swap3A_412, %swap3A_413], %dot_general3A_411 {strides = array<i32>} : memref<16384x11xf32, #tpu.memory_space<vmem>>, vector<128x11xf32>,
    %slice3A_415 = vector.extract_strided_slice %get3A_1 {offsets = [32, 0], sizes = [1, 128], strides = [1, 1]} : vector<128x128xi32> to vector<1x128xi32>
    %eq3A_416 = vector.broadcast %slice3A_415 : vector<1x128xi32> to vector<11x128xi32>
    %eq3A_417 = arith.cmpi eq, %eq3A_416, %iota3A : vector<11x128xi32>
    %jit3A_418 = arith.constant 2.500000e-01 : f32
    %jit3A_419 = arith.constant 0.000000e+00 : f32
    %broadcast_in_dim3A_420 = vector.broadcast %jit3A_418 : f32 to vector<11x128xf32>
    %broadcast_in_dim3A_421 = vector.broadcast %jit3A_419 : f32 to vector<11x128xf32>
    %select_n3A_422 = arith.select %eq3A_417, %broadcast_in_dim3A_420, %broadcast_in_dim3A_421 : vector<11x128xi1>, vector<11x128xf32>
    %dot_general3A_423 = arith.constant dense<0.000000e+00> : vector<128x11xf32>
    %dot_general3A_424 = tpu.matmul %select_n3A_422, %convert_element_type3A_4, %dot_general3A_423 {dimension_numbers = #tpu.dot_dimension_numbers<[0], [0], [1], [1], [0, 1, 1, 1], [], []>, transpose_lhs_hint = false} : vector<11x128xf32>, vector<11x11xf32>, vector<128x11xf32> -> vector<128x11xf32>
    %swap3A_425 = arith.constant 4096 : index
    %swap3A_426 = arith.constant 0 : index
    %swap3A_427 = vector.load %arg2[%swap3A_425, %swap3A_426] : memref<16384x11xf32, #tpu.memory_space<vmem>>, vector<128x11xf32>
    tpu.vector_store %arg2[%swap3A_425, %swap3A_426], %dot_general3A_424 {strides = array<i32>} : memref<16384x11xf32, #tpu.memory_space<vmem>>, vector<128x11xf32>,
    %slice3A_428 = vector.extract_strided_slice %get3A_1 {offsets = [33, 0], sizes = [1, 128], strides = [1, 1]} : vector<128x128xi32> to vector<1x128xi32>
    %eq3A_429 = vector.broadcast %slice3A_428 : vector<1x128xi32> to vector<11x128xi32>
    %eq3A_430 = arith.cmpi eq, %eq3A_429, %iota3A : vector<11x128xi32>
    %jit3A_431 = arith.constant 2.500000e-01 : f32
    %jit3A_432 = arith.constant 0.000000e+00 : f32
    %broadcast_in_dim3A_433 = vector.broadcast %jit3A_431 : f32 to vector<11x128xf32>
    %broadcast_in_dim3A_434 = vector.broadcast %jit3A_432 : f32 to vector<11x128xf32>
    %select_n3A_435 = arith.select %eq3A_430, %broadcast_in_dim3A_433, %broadcast_in_dim3A_434 : vector<11x128xi1>, vector<11x128xf32>
    %dot_general3A_436 = arith.constant dense<0.000000e+00> : vector<128x11xf32>
    %dot_general3A_437 = tpu.matmul %select_n3A_435, %convert_element_type3A_4, %dot_general3A_436 {dimension_numbers = #tpu.dot_dimension_numbers<[0], [0], [1], [1], [0, 1, 1, 1], [], []>, transpose_lhs_hint = false} : vector<11x128xf32>, vector<11x11xf32>, vector<128x11xf32> -> vector<128x11xf32>
    %swap3A_438 = arith.constant 4224 : index
    %swap3A_439 = arith.constant 0 : index
    %swap3A_440 = vector.load %arg2[%swap3A_438, %swap3A_439] : memref<16384x11xf32, #tpu.memory_space<vmem>>, vector<128x11xf32>
    tpu.vector_store %arg2[%swap3A_438, %swap3A_439], %dot_general3A_437 {strides = array<i32>} : memref<16384x11xf32, #tpu.memory_space<vmem>>, vector<128x11xf32>,
    %slice3A_441 = vector.extract_strided_slice %get3A_1 {offsets = [34, 0], sizes = [1, 128], strides = [1, 1]} : vector<128x128xi32> to vector<1x128xi32>
    %eq3A_442 = vector.broadcast %slice3A_441 : vector<1x128xi32> to vector<11x128xi32>
    %eq3A_443 = arith.cmpi eq, %eq3A_442, %iota3A : vector<11x128xi32>
    %jit3A_444 = arith.constant 2.500000e-01 : f32
    %jit3A_445 = arith.constant 0.000000e+00 : f32
    %broadcast_in_dim3A_446 = vector.broadcast %jit3A_444 : f32 to vector<11x128xf32>
    %broadcast_in_dim3A_447 = vector.broadcast %jit3A_445 : f32 to vector<11x128xf32>
    %select_n3A_448 = arith.select %eq3A_443, %broadcast_in_dim3A_446, %broadcast_in_dim3A_447 : vector<11x128xi1>, vector<11x128xf32>
    %dot_general3A_449 = arith.constant dense<0.000000e+00> : vector<128x11xf32>
    %dot_general3A_450 = tpu.matmul %select_n3A_448, %convert_element_type3A_4, %dot_general3A_449 {dimension_numbers = #tpu.dot_dimension_numbers<[0], [0], [1], [1], [0, 1, 1, 1], [], []>, transpose_lhs_hint = false} : vector<11x128xf32>, vector<11x11xf32>, vector<128x11xf32> -> vector<128x11xf32>
    %swap3A_451 = arith.constant 4352 : index
    %swap3A_452 = arith.constant 0 : index
    %swap3A_453 = vector.load %arg2[%swap3A_451, %swap3A_452] : memref<16384x11xf32, #tpu.memory_space<vmem>>, vector<128x11xf32>
    tpu.vector_store %arg2[%swap3A_451, %swap3A_452], %dot_general3A_450 {strides = array<i32>} : memref<16384x11xf32, #tpu.memory_space<vmem>>, vector<128x11xf32>,
    %slice3A_454 = vector.extract_strided_slice %get3A_1 {offsets = [35, 0], sizes = [1, 128], strides = [1, 1]} : vector<128x128xi32> to vector<1x128xi32>
    %eq3A_455 = vector.broadcast %slice3A_454 : vector<1x128xi32> to vector<11x128xi32>
    %eq3A_456 = arith.cmpi eq, %eq3A_455, %iota3A : vector<11x128xi32>
    %jit3A_457 = arith.constant 2.500000e-01 : f32
    %jit3A_458 = arith.constant 0.000000e+00 : f32
    %broadcast_in_dim3A_459 = vector.broadcast %jit3A_457 : f32 to vector<11x128xf32>
    %broadcast_in_dim3A_460 = vector.broadcast %jit3A_458 : f32 to vector<11x128xf32>
    %select_n3A_461 = arith.select %eq3A_456, %broadcast_in_dim3A_459, %broadcast_in_dim3A_460 : vector<11x128xi1>, vector<11x128xf32>
    %dot_general3A_462 = arith.constant dense<0.000000e+00> : vector<128x11xf32>
    %dot_general3A_463 = tpu.matmul %select_n3A_461, %convert_element_type3A_4, %dot_general3A_462 {dimension_numbers = #tpu.dot_dimension_numbers<[0], [0], [1], [1], [0, 1, 1, 1], [], []>, transpose_lhs_hint = false} : vector<11x128xf32>, vector<11x11xf32>, vector<128x11xf32> -> vector<128x11xf32>
    %swap3A_464 = arith.constant 4480 : index
    %swap3A_465 = arith.constant 0 : index
    %swap3A_466 = vector.load %arg2[%swap3A_464, %swap3A_465] : memref<16384x11xf32, #tpu.memory_space<vmem>>, vector<128x11xf32>
    tpu.vector_store %arg2[%swap3A_464, %swap3A_465], %dot_general3A_463 {strides = array<i32>} : memref<16384x11xf32, #tpu.memory_space<vmem>>, vector<128x11xf32>,
    %slice3A_467 = vector.extract_strided_slice %get3A_1 {offsets = [36, 0], sizes = [1, 128], strides = [1, 1]} : vector<128x128xi32> to vector<1x128xi32>
    %eq3A_468 = vector.broadcast %slice3A_467 : vector<1x128xi32> to vector<11x128xi32>
    %eq3A_469 = arith.cmpi eq, %eq3A_468, %iota3A : vector<11x128xi32>
    %jit3A_470 = arith.constant 2.500000e-01 : f32
    %jit3A_471 = arith.constant 0.000000e+00 : f32
    %broadcast_in_dim3A_472 = vector.broadcast %jit3A_470 : f32 to vector<11x128xf32>
    %broadcast_in_dim3A_473 = vector.broadcast %jit3A_471 : f32 to vector<11x128xf32>
    %select_n3A_474 = arith.select %eq3A_469, %broadcast_in_dim3A_472, %broadcast_in_dim3A_473 : vector<11x128xi1>, vector<11x128xf32>
    %dot_general3A_475 = arith.constant dense<0.000000e+00> : vector<128x11xf32>
    %dot_general3A_476 = tpu.matmul %select_n3A_474, %convert_element_type3A_4, %dot_general3A_475 {dimension_numbers = #tpu.dot_dimension_numbers<[0], [0], [1], [1], [0, 1, 1, 1], [], []>, transpose_lhs_hint = false} : vector<11x128xf32>, vector<11x11xf32>, vector<128x11xf32> -> vector<128x11xf32>
    %swap3A_477 = arith.constant 4608 : index
    %swap3A_478 = arith.constant 0 : index
    %swap3A_479 = vector.load %arg2[%swap3A_477, %swap3A_478] : memref<16384x11xf32, #tpu.memory_space<vmem>>, vector<128x11xf32>
    tpu.vector_store %arg2[%swap3A_477, %swap3A_478], %dot_general3A_476 {strides = array<i32>} : memref<16384x11xf32, #tpu.memory_space<vmem>>, vector<128x11xf32>,
    %slice3A_480 = vector.extract_strided_slice %get3A_1 {offsets = [37, 0], sizes = [1, 128], strides = [1, 1]} : vector<128x128xi32> to vector<1x128xi32>
    %eq3A_481 = vector.broadcast %slice3A_480 : vector<1x128xi32> to vector<11x128xi32>
    %eq3A_482 = arith.cmpi eq, %eq3A_481, %iota3A : vector<11x128xi32>
    %jit3A_483 = arith.constant 2.500000e-01 : f32
    %jit3A_484 = arith.constant 0.000000e+00 : f32
    %broadcast_in_dim3A_485 = vector.broadcast %jit3A_483 : f32 to vector<11x128xf32>
    %broadcast_in_dim3A_486 = vector.broadcast %jit3A_484 : f32 to vector<11x128xf32>
    %select_n3A_487 = arith.select %eq3A_482, %broadcast_in_dim3A_485, %broadcast_in_dim3A_486 : vector<11x128xi1>, vector<11x128xf32>
    %dot_general3A_488 = arith.constant dense<0.000000e+00> : vector<128x11xf32>
    %dot_general3A_489 = tpu.matmul %select_n3A_487, %convert_element_type3A_4, %dot_general3A_488 {dimension_numbers = #tpu.dot_dimension_numbers<[0], [0], [1], [1], [0, 1, 1, 1], [], []>, transpose_lhs_hint = false} : vector<11x128xf32>, vector<11x11xf32>, vector<128x11xf32> -> vector<128x11xf32>
    %swap3A_490 = arith.constant 4736 : index
    %swap3A_491 = arith.constant 0 : index
    %swap3A_492 = vector.load %arg2[%swap3A_490, %swap3A_491] : memref<16384x11xf32, #tpu.memory_space<vmem>>, vector<128x11xf32>
    tpu.vector_store %arg2[%swap3A_490, %swap3A_491], %dot_general3A_489 {strides = array<i32>} : memref<16384x11xf32, #tpu.memory_space<vmem>>, vector<128x11xf32>,
    %slice3A_493 = vector.extract_strided_slice %get3A_1 {offsets = [38, 0], sizes = [1, 128], strides = [1, 1]} : vector<128x128xi32> to vector<1x128xi32>
    %eq3A_494 = vector.broadcast %slice3A_493 : vector<1x128xi32> to vector<11x128xi32>
    %eq3A_495 = arith.cmpi eq, %eq3A_494, %iota3A : vector<11x128xi32>
    %jit3A_496 = arith.constant 2.500000e-01 : f32
    %jit3A_497 = arith.constant 0.000000e+00 : f32
    %broadcast_in_dim3A_498 = vector.broadcast %jit3A_496 : f32 to vector<11x128xf32>
    %broadcast_in_dim3A_499 = vector.broadcast %jit3A_497 : f32 to vector<11x128xf32>
    %select_n3A_500 = arith.select %eq3A_495, %broadcast_in_dim3A_498, %broadcast_in_dim3A_499 : vector<11x128xi1>, vector<11x128xf32>
    %dot_general3A_501 = arith.constant dense<0.000000e+00> : vector<128x11xf32>
    %dot_general3A_502 = tpu.matmul %select_n3A_500, %convert_element_type3A_4, %dot_general3A_501 {dimension_numbers = #tpu.dot_dimension_numbers<[0], [0], [1], [1], [0, 1, 1, 1], [], []>, transpose_lhs_hint = false} : vector<11x128xf32>, vector<11x11xf32>, vector<128x11xf32> -> vector<128x11xf32>
    %swap3A_503 = arith.constant 4864 : index
    %swap3A_504 = arith.constant 0 : index
    %swap3A_505 = vector.load %arg2[%swap3A_503, %swap3A_504] : memref<16384x11xf32, #tpu.memory_space<vmem>>, vector<128x11xf32>
    tpu.vector_store %arg2[%swap3A_503, %swap3A_504], %dot_general3A_502 {strides = array<i32>} : memref<16384x11xf32, #tpu.memory_space<vmem>>, vector<128x11xf32>,
    %slice3A_506 = vector.extract_strided_slice %get3A_1 {offsets = [39, 0], sizes = [1, 128], strides = [1, 1]} : vector<128x128xi32> to vector<1x128xi32>
    %eq3A_507 = vector.broadcast %slice3A_506 : vector<1x128xi32> to vector<11x128xi32>
    %eq3A_508 = arith.cmpi eq, %eq3A_507, %iota3A : vector<11x128xi32>
    %jit3A_509 = arith.constant 2.500000e-01 : f32
    %jit3A_510 = arith.constant 0.000000e+00 : f32
    %broadcast_in_dim3A_511 = vector.broadcast %jit3A_509 : f32 to vector<11x128xf32>
    %broadcast_in_dim3A_512 = vector.broadcast %jit3A_510 : f32 to vector<11x128xf32>
    %select_n3A_513 = arith.select %eq3A_508, %broadcast_in_dim3A_511, %broadcast_in_dim3A_512 : vector<11x128xi1>, vector<11x128xf32>
    %dot_general3A_514 = arith.constant dense<0.000000e+00> : vector<128x11xf32>
    %dot_general3A_515 = tpu.matmul %select_n3A_513, %convert_element_type3A_4, %dot_general3A_514 {dimension_numbers = #tpu.dot_dimension_numbers<[0], [0], [1], [1], [0, 1, 1, 1], [], []>, transpose_lhs_hint = false} : vector<11x128xf32>, vector<11x11xf32>, vector<128x11xf32> -> vector<128x11xf32>
    %swap3A_516 = arith.constant 4992 : index
    %swap3A_517 = arith.constant 0 : index
    %swap3A_518 = vector.load %arg2[%swap3A_516, %swap3A_517] : memref<16384x11xf32, #tpu.memory_space<vmem>>, vector<128x11xf32>
    tpu.vector_store %arg2[%swap3A_516, %swap3A_517], %dot_general3A_515 {strides = array<i32>} : memref<16384x11xf32, #tpu.memory_space<vmem>>, vector<128x11xf32>,
    %slice3A_519 = vector.extract_strided_slice %get3A_1 {offsets = [40, 0], sizes = [1, 128], strides = [1, 1]} : vector<128x128xi32> to vector<1x128xi32>
    %eq3A_520 = vector.broadcast %slice3A_519 : vector<1x128xi32> to vector<11x128xi32>
    %eq3A_521 = arith.cmpi eq, %eq3A_520, %iota3A : vector<11x128xi32>
    %jit3A_522 = arith.constant 2.500000e-01 : f32
    %jit3A_523 = arith.constant 0.000000e+00 : f32
    %broadcast_in_dim3A_524 = vector.broadcast %jit3A_522 : f32 to vector<11x128xf32>
    %broadcast_in_dim3A_525 = vector.broadcast %jit3A_523 : f32 to vector<11x128xf32>
    %select_n3A_526 = arith.select %eq3A_521, %broadcast_in_dim3A_524, %broadcast_in_dim3A_525 : vector<11x128xi1>, vector<11x128xf32>
    %dot_general3A_527 = arith.constant dense<0.000000e+00> : vector<128x11xf32>
    %dot_general3A_528 = tpu.matmul %select_n3A_526, %convert_element_type3A_4, %dot_general3A_527 {dimension_numbers = #tpu.dot_dimension_numbers<[0], [0], [1], [1], [0, 1, 1, 1], [], []>, transpose_lhs_hint = false} : vector<11x128xf32>, vector<11x11xf32>, vector<128x11xf32> -> vector<128x11xf32>
    %swap3A_529 = arith.constant 5120 : index
    %swap3A_530 = arith.constant 0 : index
    %swap3A_531 = vector.load %arg2[%swap3A_529, %swap3A_530] : memref<16384x11xf32, #tpu.memory_space<vmem>>, vector<128x11xf32>
    tpu.vector_store %arg2[%swap3A_529, %swap3A_530], %dot_general3A_528 {strides = array<i32>} : memref<16384x11xf32, #tpu.memory_space<vmem>>, vector<128x11xf32>,
    %slice3A_532 = vector.extract_strided_slice %get3A_1 {offsets = [41, 0], sizes = [1, 128], strides = [1, 1]} : vector<128x128xi32> to vector<1x128xi32>
    %eq3A_533 = vector.broadcast %slice3A_532 : vector<1x128xi32> to vector<11x128xi32>
    %eq3A_534 = arith.cmpi eq, %eq3A_533, %iota3A : vector<11x128xi32>
    %jit3A_535 = arith.constant 2.500000e-01 : f32
    %jit3A_536 = arith.constant 0.000000e+00 : f32
    %broadcast_in_dim3A_537 = vector.broadcast %jit3A_535 : f32 to vector<11x128xf32>
    %broadcast_in_dim3A_538 = vector.broadcast %jit3A_536 : f32 to vector<11x128xf32>
    %select_n3A_539 = arith.select %eq3A_534, %broadcast_in_dim3A_537, %broadcast_in_dim3A_538 : vector<11x128xi1>, vector<11x128xf32>
    %dot_general3A_540 = arith.constant dense<0.000000e+00> : vector<128x11xf32>
    %dot_general3A_541 = tpu.matmul %select_n3A_539, %convert_element_type3A_4, %dot_general3A_540 {dimension_numbers = #tpu.dot_dimension_numbers<[0], [0], [1], [1], [0, 1, 1, 1], [], []>, transpose_lhs_hint = false} : vector<11x128xf32>, vector<11x11xf32>, vector<128x11xf32> -> vector<128x11xf32>
    %swap3A_542 = arith.constant 5248 : index
    %swap3A_543 = arith.constant 0 : index
    %swap3A_544 = vector.load %arg2[%swap3A_542, %swap3A_543] : memref<16384x11xf32, #tpu.memory_space<vmem>>, vector<128x11xf32>
    tpu.vector_store %arg2[%swap3A_542, %swap3A_543], %dot_general3A_541 {strides = array<i32>} : memref<16384x11xf32, #tpu.memory_space<vmem>>, vector<128x11xf32>,
    %slice3A_545 = vector.extract_strided_slice %get3A_1 {offsets = [42, 0], sizes = [1, 128], strides = [1, 1]} : vector<128x128xi32> to vector<1x128xi32>
    %eq3A_546 = vector.broadcast %slice3A_545 : vector<1x128xi32> to vector<11x128xi32>
    %eq3A_547 = arith.cmpi eq, %eq3A_546, %iota3A : vector<11x128xi32>
    %jit3A_548 = arith.constant 2.500000e-01 : f32
    %jit3A_549 = arith.constant 0.000000e+00 : f32
    %broadcast_in_dim3A_550 = vector.broadcast %jit3A_548 : f32 to vector<11x128xf32>
    %broadcast_in_dim3A_551 = vector.broadcast %jit3A_549 : f32 to vector<11x128xf32>
    %select_n3A_552 = arith.select %eq3A_547, %broadcast_in_dim3A_550, %broadcast_in_dim3A_551 : vector<11x128xi1>, vector<11x128xf32>
    %dot_general3A_553 = arith.constant dense<0.000000e+00> : vector<128x11xf32>
    %dot_general3A_554 = tpu.matmul %select_n3A_552, %convert_element_type3A_4, %dot_general3A_553 {dimension_numbers = #tpu.dot_dimension_numbers<[0], [0], [1], [1], [0, 1, 1, 1], [], []>, transpose_lhs_hint = false} : vector<11x128xf32>, vector<11x11xf32>, vector<128x11xf32> -> vector<128x11xf32>
    %swap3A_555 = arith.constant 5376 : index
    %swap3A_556 = arith.constant 0 : index
    %swap3A_557 = vector.load %arg2[%swap3A_555, %swap3A_556] : memref<16384x11xf32, #tpu.memory_space<vmem>>, vector<128x11xf32>
    tpu.vector_store %arg2[%swap3A_555, %swap3A_556], %dot_general3A_554 {strides = array<i32>} : memref<16384x11xf32, #tpu.memory_space<vmem>>, vector<128x11xf32>,
    %slice3A_558 = vector.extract_strided_slice %get3A_1 {offsets = [43, 0], sizes = [1, 128], strides = [1, 1]} : vector<128x128xi32> to vector<1x128xi32>
    %eq3A_559 = vector.broadcast %slice3A_558 : vector<1x128xi32> to vector<11x128xi32>
    %eq3A_560 = arith.cmpi eq, %eq3A_559, %iota3A : vector<11x128xi32>
    %jit3A_561 = arith.constant 2.500000e-01 : f32
    %jit3A_562 = arith.constant 0.000000e+00 : f32
    %broadcast_in_dim3A_563 = vector.broadcast %jit3A_561 : f32 to vector<11x128xf32>
    %broadcast_in_dim3A_564 = vector.broadcast %jit3A_562 : f32 to vector<11x128xf32>
    %select_n3A_565 = arith.select %eq3A_560, %broadcast_in_dim3A_563, %broadcast_in_dim3A_564 : vector<11x128xi1>, vector<11x128xf32>
    %dot_general3A_566 = arith.constant dense<0.000000e+00> : vector<128x11xf32>
    %dot_general3A_567 = tpu.matmul %select_n3A_565, %convert_element_type3A_4, %dot_general3A_566 {dimension_numbers = #tpu.dot_dimension_numbers<[0], [0], [1], [1], [0, 1, 1, 1], [], []>, transpose_lhs_hint = false} : vector<11x128xf32>, vector<11x11xf32>, vector<128x11xf32> -> vector<128x11xf32>
    %swap3A_568 = arith.constant 5504 : index
    %swap3A_569 = arith.constant 0 : index
    %swap3A_570 = vector.load %arg2[%swap3A_568, %swap3A_569] : memref<16384x11xf32, #tpu.memory_space<vmem>>, vector<128x11xf32>
    tpu.vector_store %arg2[%swap3A_568, %swap3A_569], %dot_general3A_567 {strides = array<i32>} : memref<16384x11xf32, #tpu.memory_space<vmem>>, vector<128x11xf32>,
    %slice3A_571 = vector.extract_strided_slice %get3A_1 {offsets = [44, 0], sizes = [1, 128], strides = [1, 1]} : vector<128x128xi32> to vector<1x128xi32>
    %eq3A_572 = vector.broadcast %slice3A_571 : vector<1x128xi32> to vector<11x128xi32>
    %eq3A_573 = arith.cmpi eq, %eq3A_572, %iota3A : vector<11x128xi32>
    %jit3A_574 = arith.constant 2.500000e-01 : f32
    %jit3A_575 = arith.constant 0.000000e+00 : f32
    %broadcast_in_dim3A_576 = vector.broadcast %jit3A_574 : f32 to vector<11x128xf32>
    %broadcast_in_dim3A_577 = vector.broadcast %jit3A_575 : f32 to vector<11x128xf32>
    %select_n3A_578 = arith.select %eq3A_573, %broadcast_in_dim3A_576, %broadcast_in_dim3A_577 : vector<11x128xi1>, vector<11x128xf32>
    %dot_general3A_579 = arith.constant dense<0.000000e+00> : vector<128x11xf32>
    %dot_general3A_580 = tpu.matmul %select_n3A_578, %convert_element_type3A_4, %dot_general3A_579 {dimension_numbers = #tpu.dot_dimension_numbers<[0], [0], [1], [1], [0, 1, 1, 1], [], []>, transpose_lhs_hint = false} : vector<11x128xf32>, vector<11x11xf32>, vector<128x11xf32> -> vector<128x11xf32>
    %swap3A_581 = arith.constant 5632 : index
    %swap3A_582 = arith.constant 0 : index
    %swap3A_583 = vector.load %arg2[%swap3A_581, %swap3A_582] : memref<16384x11xf32, #tpu.memory_space<vmem>>, vector<128x11xf32>
    tpu.vector_store %arg2[%swap3A_581, %swap3A_582], %dot_general3A_580 {strides = array<i32>} : memref<16384x11xf32, #tpu.memory_space<vmem>>, vector<128x11xf32>,
    %slice3A_584 = vector.extract_strided_slice %get3A_1 {offsets = [45, 0], sizes = [1, 128], strides = [1, 1]} : vector<128x128xi32> to vector<1x128xi32>
    %eq3A_585 = vector.broadcast %slice3A_584 : vector<1x128xi32> to vector<11x128xi32>
    %eq3A_586 = arith.cmpi eq, %eq3A_585, %iota3A : vector<11x128xi32>
    %jit3A_587 = arith.constant 2.500000e-01 : f32
    %jit3A_588 = arith.constant 0.000000e+00 : f32
    %broadcast_in_dim3A_589 = vector.broadcast %jit3A_587 : f32 to vector<11x128xf32>
    %broadcast_in_dim3A_590 = vector.broadcast %jit3A_588 : f32 to vector<11x128xf32>
    %select_n3A_591 = arith.select %eq3A_586, %broadcast_in_dim3A_589, %broadcast_in_dim3A_590 : vector<11x128xi1>, vector<11x128xf32>
    %dot_general3A_592 = arith.constant dense<0.000000e+00> : vector<128x11xf32>
    %dot_general3A_593 = tpu.matmul %select_n3A_591, %convert_element_type3A_4, %dot_general3A_592 {dimension_numbers = #tpu.dot_dimension_numbers<[0], [0], [1], [1], [0, 1, 1, 1], [], []>, transpose_lhs_hint = false} : vector<11x128xf32>, vector<11x11xf32>, vector<128x11xf32> -> vector<128x11xf32>
    %swap3A_594 = arith.constant 5760 : index
    %swap3A_595 = arith.constant 0 : index
    %swap3A_596 = vector.load %arg2[%swap3A_594, %swap3A_595] : memref<16384x11xf32, #tpu.memory_space<vmem>>, vector<128x11xf32>
    tpu.vector_store %arg2[%swap3A_594, %swap3A_595], %dot_general3A_593 {strides = array<i32>} : memref<16384x11xf32, #tpu.memory_space<vmem>>, vector<128x11xf32>,
    %slice3A_597 = vector.extract_strided_slice %get3A_1 {offsets = [46, 0], sizes = [1, 128], strides = [1, 1]} : vector<128x128xi32> to vector<1x128xi32>
    %eq3A_598 = vector.broadcast %slice3A_597 : vector<1x128xi32> to vector<11x128xi32>
    %eq3A_599 = arith.cmpi eq, %eq3A_598, %iota3A : vector<11x128xi32>
    %jit3A_600 = arith.constant 2.500000e-01 : f32
    %jit3A_601 = arith.constant 0.000000e+00 : f32
    %broadcast_in_dim3A_602 = vector.broadcast %jit3A_600 : f32 to vector<11x128xf32>
    %broadcast_in_dim3A_603 = vector.broadcast %jit3A_601 : f32 to vector<11x128xf32>
    %select_n3A_604 = arith.select %eq3A_599, %broadcast_in_dim3A_602, %broadcast_in_dim3A_603 : vector<11x128xi1>, vector<11x128xf32>
    %dot_general3A_605 = arith.constant dense<0.000000e+00> : vector<128x11xf32>
    %dot_general3A_606 = tpu.matmul %select_n3A_604, %convert_element_type3A_4, %dot_general3A_605 {dimension_numbers = #tpu.dot_dimension_numbers<[0], [0], [1], [1], [0, 1, 1, 1], [], []>, transpose_lhs_hint = false} : vector<11x128xf32>, vector<11x11xf32>, vector<128x11xf32> -> vector<128x11xf32>
    %swap3A_607 = arith.constant 5888 : index
    %swap3A_608 = arith.constant 0 : index
    %swap3A_609 = vector.load %arg2[%swap3A_607, %swap3A_608] : memref<16384x11xf32, #tpu.memory_space<vmem>>, vector<128x11xf32>
    tpu.vector_store %arg2[%swap3A_607, %swap3A_608], %dot_general3A_606 {strides = array<i32>} : memref<16384x11xf32, #tpu.memory_space<vmem>>, vector<128x11xf32>,
    %slice3A_610 = vector.extract_strided_slice %get3A_1 {offsets = [47, 0], sizes = [1, 128], strides = [1, 1]} : vector<128x128xi32> to vector<1x128xi32>
    %eq3A_611 = vector.broadcast %slice3A_610 : vector<1x128xi32> to vector<11x128xi32>
    %eq3A_612 = arith.cmpi eq, %eq3A_611, %iota3A : vector<11x128xi32>
    %jit3A_613 = arith.constant 2.500000e-01 : f32
    %jit3A_614 = arith.constant 0.000000e+00 : f32
    %broadcast_in_dim3A_615 = vector.broadcast %jit3A_613 : f32 to vector<11x128xf32>
    %broadcast_in_dim3A_616 = vector.broadcast %jit3A_614 : f32 to vector<11x128xf32>
    %select_n3A_617 = arith.select %eq3A_612, %broadcast_in_dim3A_615, %broadcast_in_dim3A_616 : vector<11x128xi1>, vector<11x128xf32>
    %dot_general3A_618 = arith.constant dense<0.000000e+00> : vector<128x11xf32>
    %dot_general3A_619 = tpu.matmul %select_n3A_617, %convert_element_type3A_4, %dot_general3A_618 {dimension_numbers = #tpu.dot_dimension_numbers<[0], [0], [1], [1], [0, 1, 1, 1], [], []>, transpose_lhs_hint = false} : vector<11x128xf32>, vector<11x11xf32>, vector<128x11xf32> -> vector<128x11xf32>
    %swap3A_620 = arith.constant 6016 : index
    %swap3A_621 = arith.constant 0 : index
    %swap3A_622 = vector.load %arg2[%swap3A_620, %swap3A_621] : memref<16384x11xf32, #tpu.memory_space<vmem>>, vector<128x11xf32>
    tpu.vector_store %arg2[%swap3A_620, %swap3A_621], %dot_general3A_619 {strides = array<i32>} : memref<16384x11xf32, #tpu.memory_space<vmem>>, vector<128x11xf32>,
    %slice3A_623 = vector.extract_strided_slice %get3A_1 {offsets = [48, 0], sizes = [1, 128], strides = [1, 1]} : vector<128x128xi32> to vector<1x128xi32>
    %eq3A_624 = vector.broadcast %slice3A_623 : vector<1x128xi32> to vector<11x128xi32>
    %eq3A_625 = arith.cmpi eq, %eq3A_624, %iota3A : vector<11x128xi32>
    %jit3A_626 = arith.constant 2.500000e-01 : f32
    %jit3A_627 = arith.constant 0.000000e+00 : f32
    %broadcast_in_dim3A_628 = vector.broadcast %jit3A_626 : f32 to vector<11x128xf32>
    %broadcast_in_dim3A_629 = vector.broadcast %jit3A_627 : f32 to vector<11x128xf32>
    %select_n3A_630 = arith.select %eq3A_625, %broadcast_in_dim3A_628, %broadcast_in_dim3A_629 : vector<11x128xi1>, vector<11x128xf32>
    %dot_general3A_631 = arith.constant dense<0.000000e+00> : vector<128x11xf32>
    %dot_general3A_632 = tpu.matmul %select_n3A_630, %convert_element_type3A_4, %dot_general3A_631 {dimension_numbers = #tpu.dot_dimension_numbers<[0], [0], [1], [1], [0, 1, 1, 1], [], []>, transpose_lhs_hint = false} : vector<11x128xf32>, vector<11x11xf32>, vector<128x11xf32> -> vector<128x11xf32>
    %swap3A_633 = arith.constant 6144 : index
    %swap3A_634 = arith.constant 0 : index
    %swap3A_635 = vector.load %arg2[%swap3A_633, %swap3A_634] : memref<16384x11xf32, #tpu.memory_space<vmem>>, vector<128x11xf32>
    tpu.vector_store %arg2[%swap3A_633, %swap3A_634], %dot_general3A_632 {strides = array<i32>} : memref<16384x11xf32, #tpu.memory_space<vmem>>, vector<128x11xf32>,
    %slice3A_636 = vector.extract_strided_slice %get3A_1 {offsets = [49, 0], sizes = [1, 128], strides = [1, 1]} : vector<128x128xi32> to vector<1x128xi32>
    %eq3A_637 = vector.broadcast %slice3A_636 : vector<1x128xi32> to vector<11x128xi32>
    %eq3A_638 = arith.cmpi eq, %eq3A_637, %iota3A : vector<11x128xi32>
    %jit3A_639 = arith.constant 2.500000e-01 : f32
    %jit3A_640 = arith.constant 0.000000e+00 : f32
    %broadcast_in_dim3A_641 = vector.broadcast %jit3A_639 : f32 to vector<11x128xf32>
    %broadcast_in_dim3A_642 = vector.broadcast %jit3A_640 : f32 to vector<11x128xf32>
    %select_n3A_643 = arith.select %eq3A_638, %broadcast_in_dim3A_641, %broadcast_in_dim3A_642 : vector<11x128xi1>, vector<11x128xf32>
    %dot_general3A_644 = arith.constant dense<0.000000e+00> : vector<128x11xf32>
    %dot_general3A_645 = tpu.matmul %select_n3A_643, %convert_element_type3A_4, %dot_general3A_644 {dimension_numbers = #tpu.dot_dimension_numbers<[0], [0], [1], [1], [0, 1, 1, 1], [], []>, transpose_lhs_hint = false} : vector<11x128xf32>, vector<11x11xf32>, vector<128x11xf32> -> vector<128x11xf32>
    %swap3A_646 = arith.constant 6272 : index
    %swap3A_647 = arith.constant 0 : index
    %swap3A_648 = vector.load %arg2[%swap3A_646, %swap3A_647] : memref<16384x11xf32, #tpu.memory_space<vmem>>, vector<128x11xf32>
    tpu.vector_store %arg2[%swap3A_646, %swap3A_647], %dot_general3A_645 {strides = array<i32>} : memref<16384x11xf32, #tpu.memory_space<vmem>>, vector<128x11xf32>,
    %slice3A_649 = vector.extract_strided_slice %get3A_1 {offsets = [50, 0], sizes = [1, 128], strides = [1, 1]} : vector<128x128xi32> to vector<1x128xi32>
    %eq3A_650 = vector.broadcast %slice3A_649 : vector<1x128xi32> to vector<11x128xi32>
    %eq3A_651 = arith.cmpi eq, %eq3A_650, %iota3A : vector<11x128xi32>
    %jit3A_652 = arith.constant 2.500000e-01 : f32
    %jit3A_653 = arith.constant 0.000000e+00 : f32
    %broadcast_in_dim3A_654 = vector.broadcast %jit3A_652 : f32 to vector<11x128xf32>
    %broadcast_in_dim3A_655 = vector.broadcast %jit3A_653 : f32 to vector<11x128xf32>
    %select_n3A_656 = arith.select %eq3A_651, %broadcast_in_dim3A_654, %broadcast_in_dim3A_655 : vector<11x128xi1>, vector<11x128xf32>
    %dot_general3A_657 = arith.constant dense<0.000000e+00> : vector<128x11xf32>
    %dot_general3A_658 = tpu.matmul %select_n3A_656, %convert_element_type3A_4, %dot_general3A_657 {dimension_numbers = #tpu.dot_dimension_numbers<[0], [0], [1], [1], [0, 1, 1, 1], [], []>, transpose_lhs_hint = false} : vector<11x128xf32>, vector<11x11xf32>, vector<128x11xf32> -> vector<128x11xf32>
    %swap3A_659 = arith.constant 6400 : index
    %swap3A_660 = arith.constant 0 : index
    %swap3A_661 = vector.load %arg2[%swap3A_659, %swap3A_660] : memref<16384x11xf32, #tpu.memory_space<vmem>>, vector<128x11xf32>
    tpu.vector_store %arg2[%swap3A_659, %swap3A_660], %dot_general3A_658 {strides = array<i32>} : memref<16384x11xf32, #tpu.memory_space<vmem>>, vector<128x11xf32>,
    %slice3A_662 = vector.extract_strided_slice %get3A_1 {offsets = [51, 0], sizes = [1, 128], strides = [1, 1]} : vector<128x128xi32> to vector<1x128xi32>
    %eq3A_663 = vector.broadcast %slice3A_662 : vector<1x128xi32> to vector<11x128xi32>
    %eq3A_664 = arith.cmpi eq, %eq3A_663, %iota3A : vector<11x128xi32>
    %jit3A_665 = arith.constant 2.500000e-01 : f32
    %jit3A_666 = arith.constant 0.000000e+00 : f32
    %broadcast_in_dim3A_667 = vector.broadcast %jit3A_665 : f32 to vector<11x128xf32>
    %broadcast_in_dim3A_668 = vector.broadcast %jit3A_666 : f32 to vector<11x128xf32>
    %select_n3A_669 = arith.select %eq3A_664, %broadcast_in_dim3A_667, %broadcast_in_dim3A_668 : vector<11x128xi1>, vector<11x128xf32>
    %dot_general3A_670 = arith.constant dense<0.000000e+00> : vector<128x11xf32>
    %dot_general3A_671 = tpu.matmul %select_n3A_669, %convert_element_type3A_4, %dot_general3A_670 {dimension_numbers = #tpu.dot_dimension_numbers<[0], [0], [1], [1], [0, 1, 1, 1], [], []>, transpose_lhs_hint = false} : vector<11x128xf32>, vector<11x11xf32>, vector<128x11xf32> -> vector<128x11xf32>
    %swap3A_672 = arith.constant 6528 : index
    %swap3A_673 = arith.constant 0 : index
    %swap3A_674 = vector.load %arg2[%swap3A_672, %swap3A_673] : memref<16384x11xf32, #tpu.memory_space<vmem>>, vector<128x11xf32>
    tpu.vector_store %arg2[%swap3A_672, %swap3A_673], %dot_general3A_671 {strides = array<i32>} : memref<16384x11xf32, #tpu.memory_space<vmem>>, vector<128x11xf32>,
    %slice3A_675 = vector.extract_strided_slice %get3A_1 {offsets = [52, 0], sizes = [1, 128], strides = [1, 1]} : vector<128x128xi32> to vector<1x128xi32>
    %eq3A_676 = vector.broadcast %slice3A_675 : vector<1x128xi32> to vector<11x128xi32>
    %eq3A_677 = arith.cmpi eq, %eq3A_676, %iota3A : vector<11x128xi32>
    %jit3A_678 = arith.constant 2.500000e-01 : f32
    %jit3A_679 = arith.constant 0.000000e+00 : f32
    %broadcast_in_dim3A_680 = vector.broadcast %jit3A_678 : f32 to vector<11x128xf32>
    %broadcast_in_dim3A_681 = vector.broadcast %jit3A_679 : f32 to vector<11x128xf32>
    %select_n3A_682 = arith.select %eq3A_677, %broadcast_in_dim3A_680, %broadcast_in_dim3A_681 : vector<11x128xi1>, vector<11x128xf32>
    %dot_general3A_683 = arith.constant dense<0.000000e+00> : vector<128x11xf32>
    %dot_general3A_684 = tpu.matmul %select_n3A_682, %convert_element_type3A_4, %dot_general3A_683 {dimension_numbers = #tpu.dot_dimension_numbers<[0], [0], [1], [1], [0, 1, 1, 1], [], []>, transpose_lhs_hint = false} : vector<11x128xf32>, vector<11x11xf32>, vector<128x11xf32> -> vector<128x11xf32>
    %swap3A_685 = arith.constant 6656 : index
    %swap3A_686 = arith.constant 0 : index
    %swap3A_687 = vector.load %arg2[%swap3A_685, %swap3A_686] : memref<16384x11xf32, #tpu.memory_space<vmem>>, vector<128x11xf32>
    tpu.vector_store %arg2[%swap3A_685, %swap3A_686], %dot_general3A_684 {strides = array<i32>} : memref<16384x11xf32, #tpu.memory_space<vmem>>, vector<128x11xf32>,
    %slice3A_688 = vector.extract_strided_slice %get3A_1 {offsets = [53, 0], sizes = [1, 128], strides = [1, 1]} : vector<128x128xi32> to vector<1x128xi32>
    %eq3A_689 = vector.broadcast %slice3A_688 : vector<1x128xi32> to vector<11x128xi32>
    %eq3A_690 = arith.cmpi eq, %eq3A_689, %iota3A : vector<11x128xi32>
    %jit3A_691 = arith.constant 2.500000e-01 : f32
    %jit3A_692 = arith.constant 0.000000e+00 : f32
    %broadcast_in_dim3A_693 = vector.broadcast %jit3A_691 : f32 to vector<11x128xf32>
    %broadcast_in_dim3A_694 = vector.broadcast %jit3A_692 : f32 to vector<11x128xf32>
    %select_n3A_695 = arith.select %eq3A_690, %broadcast_in_dim3A_693, %broadcast_in_dim3A_694 : vector<11x128xi1>, vector<11x128xf32>
    %dot_general3A_696 = arith.constant dense<0.000000e+00> : vector<128x11xf32>
    %dot_general3A_697 = tpu.matmul %select_n3A_695, %convert_element_type3A_4, %dot_general3A_696 {dimension_numbers = #tpu.dot_dimension_numbers<[0], [0], [1], [1], [0, 1, 1, 1], [], []>, transpose_lhs_hint = false} : vector<11x128xf32>, vector<11x11xf32>, vector<128x11xf32> -> vector<128x11xf32>
    %swap3A_698 = arith.constant 6784 : index
    %swap3A_699 = arith.constant 0 : index
    %swap3A_700 = vector.load %arg2[%swap3A_698, %swap3A_699] : memref<16384x11xf32, #tpu.memory_space<vmem>>, vector<128x11xf32>
    tpu.vector_store %arg2[%swap3A_698, %swap3A_699], %dot_general3A_697 {strides = array<i32>} : memref<16384x11xf32, #tpu.memory_space<vmem>>, vector<128x11xf32>,
    %slice3A_701 = vector.extract_strided_slice %get3A_1 {offsets = [54, 0], sizes = [1, 128], strides = [1, 1]} : vector<128x128xi32> to vector<1x128xi32>
    %eq3A_702 = vector.broadcast %slice3A_701 : vector<1x128xi32> to vector<11x128xi32>
    %eq3A_703 = arith.cmpi eq, %eq3A_702, %iota3A : vector<11x128xi32>
    %jit3A_704 = arith.constant 2.500000e-01 : f32
    %jit3A_705 = arith.constant 0.000000e+00 : f32
    %broadcast_in_dim3A_706 = vector.broadcast %jit3A_704 : f32 to vector<11x128xf32>
    %broadcast_in_dim3A_707 = vector.broadcast %jit3A_705 : f32 to vector<11x128xf32>
    %select_n3A_708 = arith.select %eq3A_703, %broadcast_in_dim3A_706, %broadcast_in_dim3A_707 : vector<11x128xi1>, vector<11x128xf32>
    %dot_general3A_709 = arith.constant dense<0.000000e+00> : vector<128x11xf32>
    %dot_general3A_710 = tpu.matmul %select_n3A_708, %convert_element_type3A_4, %dot_general3A_709 {dimension_numbers = #tpu.dot_dimension_numbers<[0], [0], [1], [1], [0, 1, 1, 1], [], []>, transpose_lhs_hint = false} : vector<11x128xf32>, vector<11x11xf32>, vector<128x11xf32> -> vector<128x11xf32>
    %swap3A_711 = arith.constant 6912 : index
    %swap3A_712 = arith.constant 0 : index
    %swap3A_713 = vector.load %arg2[%swap3A_711, %swap3A_712] : memref<16384x11xf32, #tpu.memory_space<vmem>>, vector<128x11xf32>
    tpu.vector_store %arg2[%swap3A_711, %swap3A_712], %dot_general3A_710 {strides = array<i32>} : memref<16384x11xf32, #tpu.memory_space<vmem>>, vector<128x11xf32>,
    %slice3A_714 = vector.extract_strided_slice %get3A_1 {offsets = [55, 0], sizes = [1, 128], strides = [1, 1]} : vector<128x128xi32> to vector<1x128xi32>
    %eq3A_715 = vector.broadcast %slice3A_714 : vector<1x128xi32> to vector<11x128xi32>
    %eq3A_716 = arith.cmpi eq, %eq3A_715, %iota3A : vector<11x128xi32>
    %jit3A_717 = arith.constant 2.500000e-01 : f32
    %jit3A_718 = arith.constant 0.000000e+00 : f32
    %broadcast_in_dim3A_719 = vector.broadcast %jit3A_717 : f32 to vector<11x128xf32>
    %broadcast_in_dim3A_720 = vector.broadcast %jit3A_718 : f32 to vector<11x128xf32>
    %select_n3A_721 = arith.select %eq3A_716, %broadcast_in_dim3A_719, %broadcast_in_dim3A_720 : vector<11x128xi1>, vector<11x128xf32>
    %dot_general3A_722 = arith.constant dense<0.000000e+00> : vector<128x11xf32>
    %dot_general3A_723 = tpu.matmul %select_n3A_721, %convert_element_type3A_4, %dot_general3A_722 {dimension_numbers = #tpu.dot_dimension_numbers<[0], [0], [1], [1], [0, 1, 1, 1], [], []>, transpose_lhs_hint = false} : vector<11x128xf32>, vector<11x11xf32>, vector<128x11xf32> -> vector<128x11xf32>
    %swap3A_724 = arith.constant 7040 : index
    %swap3A_725 = arith.constant 0 : index
    %swap3A_726 = vector.load %arg2[%swap3A_724, %swap3A_725] : memref<16384x11xf32, #tpu.memory_space<vmem>>, vector<128x11xf32>
    tpu.vector_store %arg2[%swap3A_724, %swap3A_725], %dot_general3A_723 {strides = array<i32>} : memref<16384x11xf32, #tpu.memory_space<vmem>>, vector<128x11xf32>,
    %slice3A_727 = vector.extract_strided_slice %get3A_1 {offsets = [56, 0], sizes = [1, 128], strides = [1, 1]} : vector<128x128xi32> to vector<1x128xi32>
    %eq3A_728 = vector.broadcast %slice3A_727 : vector<1x128xi32> to vector<11x128xi32>
    %eq3A_729 = arith.cmpi eq, %eq3A_728, %iota3A : vector<11x128xi32>
    %jit3A_730 = arith.constant 2.500000e-01 : f32
    %jit3A_731 = arith.constant 0.000000e+00 : f32
    %broadcast_in_dim3A_732 = vector.broadcast %jit3A_730 : f32 to vector<11x128xf32>
    %broadcast_in_dim3A_733 = vector.broadcast %jit3A_731 : f32 to vector<11x128xf32>
    %select_n3A_734 = arith.select %eq3A_729, %broadcast_in_dim3A_732, %broadcast_in_dim3A_733 : vector<11x128xi1>, vector<11x128xf32>
    %dot_general3A_735 = arith.constant dense<0.000000e+00> : vector<128x11xf32>
    %dot_general3A_736 = tpu.matmul %select_n3A_734, %convert_element_type3A_4, %dot_general3A_735 {dimension_numbers = #tpu.dot_dimension_numbers<[0], [0], [1], [1], [0, 1, 1, 1], [], []>, transpose_lhs_hint = false} : vector<11x128xf32>, vector<11x11xf32>, vector<128x11xf32> -> vector<128x11xf32>
    %swap3A_737 = arith.constant 7168 : index
    %swap3A_738 = arith.constant 0 : index
    %swap3A_739 = vector.load %arg2[%swap3A_737, %swap3A_738] : memref<16384x11xf32, #tpu.memory_space<vmem>>, vector<128x11xf32>
    tpu.vector_store %arg2[%swap3A_737, %swap3A_738], %dot_general3A_736 {strides = array<i32>} : memref<16384x11xf32, #tpu.memory_space<vmem>>, vector<128x11xf32>,
    %slice3A_740 = vector.extract_strided_slice %get3A_1 {offsets = [57, 0], sizes = [1, 128], strides = [1, 1]} : vector<128x128xi32> to vector<1x128xi32>
    %eq3A_741 = vector.broadcast %slice3A_740 : vector<1x128xi32> to vector<11x128xi32>
    %eq3A_742 = arith.cmpi eq, %eq3A_741, %iota3A : vector<11x128xi32>
    %jit3A_743 = arith.constant 2.500000e-01 : f32
    %jit3A_744 = arith.constant 0.000000e+00 : f32
    %broadcast_in_dim3A_745 = vector.broadcast %jit3A_743 : f32 to vector<11x128xf32>
    %broadcast_in_dim3A_746 = vector.broadcast %jit3A_744 : f32 to vector<11x128xf32>
    %select_n3A_747 = arith.select %eq3A_742, %broadcast_in_dim3A_745, %broadcast_in_dim3A_746 : vector<11x128xi1>, vector<11x128xf32>
    %dot_general3A_748 = arith.constant dense<0.000000e+00> : vector<128x11xf32>
    %dot_general3A_749 = tpu.matmul %select_n3A_747, %convert_element_type3A_4, %dot_general3A_748 {dimension_numbers = #tpu.dot_dimension_numbers<[0], [0], [1], [1], [0, 1, 1, 1], [], []>, transpose_lhs_hint = false} : vector<11x128xf32>, vector<11x11xf32>, vector<128x11xf32> -> vector<128x11xf32>
    %swap3A_750 = arith.constant 7296 : index
    %swap3A_751 = arith.constant 0 : index
    %swap3A_752 = vector.load %arg2[%swap3A_750, %swap3A_751] : memref<16384x11xf32, #tpu.memory_space<vmem>>, vector<128x11xf32>
    tpu.vector_store %arg2[%swap3A_750, %swap3A_751], %dot_general3A_749 {strides = array<i32>} : memref<16384x11xf32, #tpu.memory_space<vmem>>, vector<128x11xf32>,
    %slice3A_753 = vector.extract_strided_slice %get3A_1 {offsets = [58, 0], sizes = [1, 128], strides = [1, 1]} : vector<128x128xi32> to vector<1x128xi32>
    %eq3A_754 = vector.broadcast %slice3A_753 : vector<1x128xi32> to vector<11x128xi32>
    %eq3A_755 = arith.cmpi eq, %eq3A_754, %iota3A : vector<11x128xi32>
    %jit3A_756 = arith.constant 2.500000e-01 : f32
    %jit3A_757 = arith.constant 0.000000e+00 : f32
    %broadcast_in_dim3A_758 = vector.broadcast %jit3A_756 : f32 to vector<11x128xf32>
    %broadcast_in_dim3A_759 = vector.broadcast %jit3A_757 : f32 to vector<11x128xf32>
    %select_n3A_760 = arith.select %eq3A_755, %broadcast_in_dim3A_758, %broadcast_in_dim3A_759 : vector<11x128xi1>, vector<11x128xf32>
    %dot_general3A_761 = arith.constant dense<0.000000e+00> : vector<128x11xf32>
    %dot_general3A_762 = tpu.matmul %select_n3A_760, %convert_element_type3A_4, %dot_general3A_761 {dimension_numbers = #tpu.dot_dimension_numbers<[0], [0], [1], [1], [0, 1, 1, 1], [], []>, transpose_lhs_hint = false} : vector<11x128xf32>, vector<11x11xf32>, vector<128x11xf32> -> vector<128x11xf32>
    %swap3A_763 = arith.constant 7424 : index
    %swap3A_764 = arith.constant 0 : index
    %swap3A_765 = vector.load %arg2[%swap3A_763, %swap3A_764] : memref<16384x11xf32, #tpu.memory_space<vmem>>, vector<128x11xf32>
    tpu.vector_store %arg2[%swap3A_763, %swap3A_764], %dot_general3A_762 {strides = array<i32>} : memref<16384x11xf32, #tpu.memory_space<vmem>>, vector<128x11xf32>,
    %slice3A_766 = vector.extract_strided_slice %get3A_1 {offsets = [59, 0], sizes = [1, 128], strides = [1, 1]} : vector<128x128xi32> to vector<1x128xi32>
    %eq3A_767 = vector.broadcast %slice3A_766 : vector<1x128xi32> to vector<11x128xi32>
    %eq3A_768 = arith.cmpi eq, %eq3A_767, %iota3A : vector<11x128xi32>
    %jit3A_769 = arith.constant 2.500000e-01 : f32
    %jit3A_770 = arith.constant 0.000000e+00 : f32
    %broadcast_in_dim3A_771 = vector.broadcast %jit3A_769 : f32 to vector<11x128xf32>
    %broadcast_in_dim3A_772 = vector.broadcast %jit3A_770 : f32 to vector<11x128xf32>
    %select_n3A_773 = arith.select %eq3A_768, %broadcast_in_dim3A_771, %broadcast_in_dim3A_772 : vector<11x128xi1>, vector<11x128xf32>
    %dot_general3A_774 = arith.constant dense<0.000000e+00> : vector<128x11xf32>
    %dot_general3A_775 = tpu.matmul %select_n3A_773, %convert_element_type3A_4, %dot_general3A_774 {dimension_numbers = #tpu.dot_dimension_numbers<[0], [0], [1], [1], [0, 1, 1, 1], [], []>, transpose_lhs_hint = false} : vector<11x128xf32>, vector<11x11xf32>, vector<128x11xf32> -> vector<128x11xf32>
    %swap3A_776 = arith.constant 7552 : index
    %swap3A_777 = arith.constant 0 : index
    %swap3A_778 = vector.load %arg2[%swap3A_776, %swap3A_777] : memref<16384x11xf32, #tpu.memory_space<vmem>>, vector<128x11xf32>
    tpu.vector_store %arg2[%swap3A_776, %swap3A_777], %dot_general3A_775 {strides = array<i32>} : memref<16384x11xf32, #tpu.memory_space<vmem>>, vector<128x11xf32>,
    %slice3A_779 = vector.extract_strided_slice %get3A_1 {offsets = [60, 0], sizes = [1, 128], strides = [1, 1]} : vector<128x128xi32> to vector<1x128xi32>
    %eq3A_780 = vector.broadcast %slice3A_779 : vector<1x128xi32> to vector<11x128xi32>
    %eq3A_781 = arith.cmpi eq, %eq3A_780, %iota3A : vector<11x128xi32>
    %jit3A_782 = arith.constant 2.500000e-01 : f32
    %jit3A_783 = arith.constant 0.000000e+00 : f32
    %broadcast_in_dim3A_784 = vector.broadcast %jit3A_782 : f32 to vector<11x128xf32>
    %broadcast_in_dim3A_785 = vector.broadcast %jit3A_783 : f32 to vector<11x128xf32>
    %select_n3A_786 = arith.select %eq3A_781, %broadcast_in_dim3A_784, %broadcast_in_dim3A_785 : vector<11x128xi1>, vector<11x128xf32>
    %dot_general3A_787 = arith.constant dense<0.000000e+00> : vector<128x11xf32>
    %dot_general3A_788 = tpu.matmul %select_n3A_786, %convert_element_type3A_4, %dot_general3A_787 {dimension_numbers = #tpu.dot_dimension_numbers<[0], [0], [1], [1], [0, 1, 1, 1], [], []>, transpose_lhs_hint = false} : vector<11x128xf32>, vector<11x11xf32>, vector<128x11xf32> -> vector<128x11xf32>
    %swap3A_789 = arith.constant 7680 : index
    %swap3A_790 = arith.constant 0 : index
    %swap3A_791 = vector.load %arg2[%swap3A_789, %swap3A_790] : memref<16384x11xf32, #tpu.memory_space<vmem>>, vector<128x11xf32>
    tpu.vector_store %arg2[%swap3A_789, %swap3A_790], %dot_general3A_788 {strides = array<i32>} : memref<16384x11xf32, #tpu.memory_space<vmem>>, vector<128x11xf32>,
    %slice3A_792 = vector.extract_strided_slice %get3A_1 {offsets = [61, 0], sizes = [1, 128], strides = [1, 1]} : vector<128x128xi32> to vector<1x128xi32>
    %eq3A_793 = vector.broadcast %slice3A_792 : vector<1x128xi32> to vector<11x128xi32>
    %eq3A_794 = arith.cmpi eq, %eq3A_793, %iota3A : vector<11x128xi32>
    %jit3A_795 = arith.constant 2.500000e-01 : f32
    %jit3A_796 = arith.constant 0.000000e+00 : f32
    %broadcast_in_dim3A_797 = vector.broadcast %jit3A_795 : f32 to vector<11x128xf32>
    %broadcast_in_dim3A_798 = vector.broadcast %jit3A_796 : f32 to vector<11x128xf32>
    %select_n3A_799 = arith.select %eq3A_794, %broadcast_in_dim3A_797, %broadcast_in_dim3A_798 : vector<11x128xi1>, vector<11x128xf32>
    %dot_general3A_800 = arith.constant dense<0.000000e+00> : vector<128x11xf32>
    %dot_general3A_801 = tpu.matmul %select_n3A_799, %convert_element_type3A_4, %dot_general3A_800 {dimension_numbers = #tpu.dot_dimension_numbers<[0], [0], [1], [1], [0, 1, 1, 1], [], []>, transpose_lhs_hint = false} : vector<11x128xf32>, vector<11x11xf32>, vector<128x11xf32> -> vector<128x11xf32>
    %swap3A_802 = arith.constant 7808 : index
    %swap3A_803 = arith.constant 0 : index
    %swap3A_804 = vector.load %arg2[%swap3A_802, %swap3A_803] : memref<16384x11xf32, #tpu.memory_space<vmem>>, vector<128x11xf32>
    tpu.vector_store %arg2[%swap3A_802, %swap3A_803], %dot_general3A_801 {strides = array<i32>} : memref<16384x11xf32, #tpu.memory_space<vmem>>, vector<128x11xf32>,
    %slice3A_805 = vector.extract_strided_slice %get3A_1 {offsets = [62, 0], sizes = [1, 128], strides = [1, 1]} : vector<128x128xi32> to vector<1x128xi32>
    %eq3A_806 = vector.broadcast %slice3A_805 : vector<1x128xi32> to vector<11x128xi32>
    %eq3A_807 = arith.cmpi eq, %eq3A_806, %iota3A : vector<11x128xi32>
    %jit3A_808 = arith.constant 2.500000e-01 : f32
    %jit3A_809 = arith.constant 0.000000e+00 : f32
    %broadcast_in_dim3A_810 = vector.broadcast %jit3A_808 : f32 to vector<11x128xf32>
    %broadcast_in_dim3A_811 = vector.broadcast %jit3A_809 : f32 to vector<11x128xf32>
    %select_n3A_812 = arith.select %eq3A_807, %broadcast_in_dim3A_810, %broadcast_in_dim3A_811 : vector<11x128xi1>, vector<11x128xf32>
    %dot_general3A_813 = arith.constant dense<0.000000e+00> : vector<128x11xf32>
    %dot_general3A_814 = tpu.matmul %select_n3A_812, %convert_element_type3A_4, %dot_general3A_813 {dimension_numbers = #tpu.dot_dimension_numbers<[0], [0], [1], [1], [0, 1, 1, 1], [], []>, transpose_lhs_hint = false} : vector<11x128xf32>, vector<11x11xf32>, vector<128x11xf32> -> vector<128x11xf32>
    %swap3A_815 = arith.constant 7936 : index
    %swap3A_816 = arith.constant 0 : index
    %swap3A_817 = vector.load %arg2[%swap3A_815, %swap3A_816] : memref<16384x11xf32, #tpu.memory_space<vmem>>, vector<128x11xf32>
    tpu.vector_store %arg2[%swap3A_815, %swap3A_816], %dot_general3A_814 {strides = array<i32>} : memref<16384x11xf32, #tpu.memory_space<vmem>>, vector<128x11xf32>,
    %slice3A_818 = vector.extract_strided_slice %get3A_1 {offsets = [63, 0], sizes = [1, 128], strides = [1, 1]} : vector<128x128xi32> to vector<1x128xi32>
    %eq3A_819 = vector.broadcast %slice3A_818 : vector<1x128xi32> to vector<11x128xi32>
    %eq3A_820 = arith.cmpi eq, %eq3A_819, %iota3A : vector<11x128xi32>
    %jit3A_821 = arith.constant 2.500000e-01 : f32
    %jit3A_822 = arith.constant 0.000000e+00 : f32
    %broadcast_in_dim3A_823 = vector.broadcast %jit3A_821 : f32 to vector<11x128xf32>
    %broadcast_in_dim3A_824 = vector.broadcast %jit3A_822 : f32 to vector<11x128xf32>
    %select_n3A_825 = arith.select %eq3A_820, %broadcast_in_dim3A_823, %broadcast_in_dim3A_824 : vector<11x128xi1>, vector<11x128xf32>
    %dot_general3A_826 = arith.constant dense<0.000000e+00> : vector<128x11xf32>
    %dot_general3A_827 = tpu.matmul %select_n3A_825, %convert_element_type3A_4, %dot_general3A_826 {dimension_numbers = #tpu.dot_dimension_numbers<[0], [0], [1], [1], [0, 1, 1, 1], [], []>, transpose_lhs_hint = false} : vector<11x128xf32>, vector<11x11xf32>, vector<128x11xf32> -> vector<128x11xf32>
    %swap3A_828 = arith.constant 8064 : index
    %swap3A_829 = arith.constant 0 : index
    %swap3A_830 = vector.load %arg2[%swap3A_828, %swap3A_829] : memref<16384x11xf32, #tpu.memory_space<vmem>>, vector<128x11xf32>
    tpu.vector_store %arg2[%swap3A_828, %swap3A_829], %dot_general3A_827 {strides = array<i32>} : memref<16384x11xf32, #tpu.memory_space<vmem>>, vector<128x11xf32>,
    %slice3A_831 = vector.extract_strided_slice %get3A_1 {offsets = [64, 0], sizes = [1, 128], strides = [1, 1]} : vector<128x128xi32> to vector<1x128xi32>
    %eq3A_832 = vector.broadcast %slice3A_831 : vector<1x128xi32> to vector<11x128xi32>
    %eq3A_833 = arith.cmpi eq, %eq3A_832, %iota3A : vector<11x128xi32>
    %jit3A_834 = arith.constant 2.500000e-01 : f32
    %jit3A_835 = arith.constant 0.000000e+00 : f32
    %broadcast_in_dim3A_836 = vector.broadcast %jit3A_834 : f32 to vector<11x128xf32>
    %broadcast_in_dim3A_837 = vector.broadcast %jit3A_835 : f32 to vector<11x128xf32>
    %select_n3A_838 = arith.select %eq3A_833, %broadcast_in_dim3A_836, %broadcast_in_dim3A_837 : vector<11x128xi1>, vector<11x128xf32>
    %dot_general3A_839 = arith.constant dense<0.000000e+00> : vector<128x11xf32>
    %dot_general3A_840 = tpu.matmul %select_n3A_838, %convert_element_type3A_4, %dot_general3A_839 {dimension_numbers = #tpu.dot_dimension_numbers<[0], [0], [1], [1], [0, 1, 1, 1], [], []>, transpose_lhs_hint = false} : vector<11x128xf32>, vector<11x11xf32>, vector<128x11xf32> -> vector<128x11xf32>
    %swap3A_841 = arith.constant 8192 : index
    %swap3A_842 = arith.constant 0 : index
    %swap3A_843 = vector.load %arg2[%swap3A_841, %swap3A_842] : memref<16384x11xf32, #tpu.memory_space<vmem>>, vector<128x11xf32>
    tpu.vector_store %arg2[%swap3A_841, %swap3A_842], %dot_general3A_840 {strides = array<i32>} : memref<16384x11xf32, #tpu.memory_space<vmem>>, vector<128x11xf32>,
    %slice3A_844 = vector.extract_strided_slice %get3A_1 {offsets = [65, 0], sizes = [1, 128], strides = [1, 1]} : vector<128x128xi32> to vector<1x128xi32>
    %eq3A_845 = vector.broadcast %slice3A_844 : vector<1x128xi32> to vector<11x128xi32>
    %eq3A_846 = arith.cmpi eq, %eq3A_845, %iota3A : vector<11x128xi32>
    %jit3A_847 = arith.constant 2.500000e-01 : f32
    %jit3A_848 = arith.constant 0.000000e+00 : f32
    %broadcast_in_dim3A_849 = vector.broadcast %jit3A_847 : f32 to vector<11x128xf32>
    %broadcast_in_dim3A_850 = vector.broadcast %jit3A_848 : f32 to vector<11x128xf32>
    %select_n3A_851 = arith.select %eq3A_846, %broadcast_in_dim3A_849, %broadcast_in_dim3A_850 : vector<11x128xi1>, vector<11x128xf32>
    %dot_general3A_852 = arith.constant dense<0.000000e+00> : vector<128x11xf32>
    %dot_general3A_853 = tpu.matmul %select_n3A_851, %convert_element_type3A_4, %dot_general3A_852 {dimension_numbers = #tpu.dot_dimension_numbers<[0], [0], [1], [1], [0, 1, 1, 1], [], []>, transpose_lhs_hint = false} : vector<11x128xf32>, vector<11x11xf32>, vector<128x11xf32> -> vector<128x11xf32>
    %swap3A_854 = arith.constant 8320 : index
    %swap3A_855 = arith.constant 0 : index
    %swap3A_856 = vector.load %arg2[%swap3A_854, %swap3A_855] : memref<16384x11xf32, #tpu.memory_space<vmem>>, vector<128x11xf32>
    tpu.vector_store %arg2[%swap3A_854, %swap3A_855], %dot_general3A_853 {strides = array<i32>} : memref<16384x11xf32, #tpu.memory_space<vmem>>, vector<128x11xf32>,
    %slice3A_857 = vector.extract_strided_slice %get3A_1 {offsets = [66, 0], sizes = [1, 128], strides = [1, 1]} : vector<128x128xi32> to vector<1x128xi32>
    %eq3A_858 = vector.broadcast %slice3A_857 : vector<1x128xi32> to vector<11x128xi32>
    %eq3A_859 = arith.cmpi eq, %eq3A_858, %iota3A : vector<11x128xi32>
    %jit3A_860 = arith.constant 2.500000e-01 : f32
    %jit3A_861 = arith.constant 0.000000e+00 : f32
    %broadcast_in_dim3A_862 = vector.broadcast %jit3A_860 : f32 to vector<11x128xf32>
    %broadcast_in_dim3A_863 = vector.broadcast %jit3A_861 : f32 to vector<11x128xf32>
    %select_n3A_864 = arith.select %eq3A_859, %broadcast_in_dim3A_862, %broadcast_in_dim3A_863 : vector<11x128xi1>, vector<11x128xf32>
    %dot_general3A_865 = arith.constant dense<0.000000e+00> : vector<128x11xf32>
    %dot_general3A_866 = tpu.matmul %select_n3A_864, %convert_element_type3A_4, %dot_general3A_865 {dimension_numbers = #tpu.dot_dimension_numbers<[0], [0], [1], [1], [0, 1, 1, 1], [], []>, transpose_lhs_hint = false} : vector<11x128xf32>, vector<11x11xf32>, vector<128x11xf32> -> vector<128x11xf32>
    %swap3A_867 = arith.constant 8448 : index
    %swap3A_868 = arith.constant 0 : index
    %swap3A_869 = vector.load %arg2[%swap3A_867, %swap3A_868] : memref<16384x11xf32, #tpu.memory_space<vmem>>, vector<128x11xf32>
    tpu.vector_store %arg2[%swap3A_867, %swap3A_868], %dot_general3A_866 {strides = array<i32>} : memref<16384x11xf32, #tpu.memory_space<vmem>>, vector<128x11xf32>,
    %slice3A_870 = vector.extract_strided_slice %get3A_1 {offsets = [67, 0], sizes = [1, 128], strides = [1, 1]} : vector<128x128xi32> to vector<1x128xi32>
    %eq3A_871 = vector.broadcast %slice3A_870 : vector<1x128xi32> to vector<11x128xi32>
    %eq3A_872 = arith.cmpi eq, %eq3A_871, %iota3A : vector<11x128xi32>
    %jit3A_873 = arith.constant 2.500000e-01 : f32
    %jit3A_874 = arith.constant 0.000000e+00 : f32
    %broadcast_in_dim3A_875 = vector.broadcast %jit3A_873 : f32 to vector<11x128xf32>
    %broadcast_in_dim3A_876 = vector.broadcast %jit3A_874 : f32 to vector<11x128xf32>
    %select_n3A_877 = arith.select %eq3A_872, %broadcast_in_dim3A_875, %broadcast_in_dim3A_876 : vector<11x128xi1>, vector<11x128xf32>
    %dot_general3A_878 = arith.constant dense<0.000000e+00> : vector<128x11xf32>
    %dot_general3A_879 = tpu.matmul %select_n3A_877, %convert_element_type3A_4, %dot_general3A_878 {dimension_numbers = #tpu.dot_dimension_numbers<[0], [0], [1], [1], [0, 1, 1, 1], [], []>, transpose_lhs_hint = false} : vector<11x128xf32>, vector<11x11xf32>, vector<128x11xf32> -> vector<128x11xf32>
    %swap3A_880 = arith.constant 8576 : index
    %swap3A_881 = arith.constant 0 : index
    %swap3A_882 = vector.load %arg2[%swap3A_880, %swap3A_881] : memref<16384x11xf32, #tpu.memory_space<vmem>>, vector<128x11xf32>
    tpu.vector_store %arg2[%swap3A_880, %swap3A_881], %dot_general3A_879 {strides = array<i32>} : memref<16384x11xf32, #tpu.memory_space<vmem>>, vector<128x11xf32>,
    %slice3A_883 = vector.extract_strided_slice %get3A_1 {offsets = [68, 0], sizes = [1, 128], strides = [1, 1]} : vector<128x128xi32> to vector<1x128xi32>
    %eq3A_884 = vector.broadcast %slice3A_883 : vector<1x128xi32> to vector<11x128xi32>
    %eq3A_885 = arith.cmpi eq, %eq3A_884, %iota3A : vector<11x128xi32>
    %jit3A_886 = arith.constant 2.500000e-01 : f32
    %jit3A_887 = arith.constant 0.000000e+00 : f32
    %broadcast_in_dim3A_888 = vector.broadcast %jit3A_886 : f32 to vector<11x128xf32>
    %broadcast_in_dim3A_889 = vector.broadcast %jit3A_887 : f32 to vector<11x128xf32>
    %select_n3A_890 = arith.select %eq3A_885, %broadcast_in_dim3A_888, %broadcast_in_dim3A_889 : vector<11x128xi1>, vector<11x128xf32>
    %dot_general3A_891 = arith.constant dense<0.000000e+00> : vector<128x11xf32>
    %dot_general3A_892 = tpu.matmul %select_n3A_890, %convert_element_type3A_4, %dot_general3A_891 {dimension_numbers = #tpu.dot_dimension_numbers<[0], [0], [1], [1], [0, 1, 1, 1], [], []>, transpose_lhs_hint = false} : vector<11x128xf32>, vector<11x11xf32>, vector<128x11xf32> -> vector<128x11xf32>
    %swap3A_893 = arith.constant 8704 : index
    %swap3A_894 = arith.constant 0 : index
    %swap3A_895 = vector.load %arg2[%swap3A_893, %swap3A_894] : memref<16384x11xf32, #tpu.memory_space<vmem>>, vector<128x11xf32>
    tpu.vector_store %arg2[%swap3A_893, %swap3A_894], %dot_general3A_892 {strides = array<i32>} : memref<16384x11xf32, #tpu.memory_space<vmem>>, vector<128x11xf32>,
    %slice3A_896 = vector.extract_strided_slice %get3A_1 {offsets = [69, 0], sizes = [1, 128], strides = [1, 1]} : vector<128x128xi32> to vector<1x128xi32>
    %eq3A_897 = vector.broadcast %slice3A_896 : vector<1x128xi32> to vector<11x128xi32>
    %eq3A_898 = arith.cmpi eq, %eq3A_897, %iota3A : vector<11x128xi32>
    %jit3A_899 = arith.constant 2.500000e-01 : f32
    %jit3A_900 = arith.constant 0.000000e+00 : f32
    %broadcast_in_dim3A_901 = vector.broadcast %jit3A_899 : f32 to vector<11x128xf32>
    %broadcast_in_dim3A_902 = vector.broadcast %jit3A_900 : f32 to vector<11x128xf32>
    %select_n3A_903 = arith.select %eq3A_898, %broadcast_in_dim3A_901, %broadcast_in_dim3A_902 : vector<11x128xi1>, vector<11x128xf32>
    %dot_general3A_904 = arith.constant dense<0.000000e+00> : vector<128x11xf32>
    %dot_general3A_905 = tpu.matmul %select_n3A_903, %convert_element_type3A_4, %dot_general3A_904 {dimension_numbers = #tpu.dot_dimension_numbers<[0], [0], [1], [1], [0, 1, 1, 1], [], []>, transpose_lhs_hint = false} : vector<11x128xf32>, vector<11x11xf32>, vector<128x11xf32> -> vector<128x11xf32>
    %swap3A_906 = arith.constant 8832 : index
    %swap3A_907 = arith.constant 0 : index
    %swap3A_908 = vector.load %arg2[%swap3A_906, %swap3A_907] : memref<16384x11xf32, #tpu.memory_space<vmem>>, vector<128x11xf32>
    tpu.vector_store %arg2[%swap3A_906, %swap3A_907], %dot_general3A_905 {strides = array<i32>} : memref<16384x11xf32, #tpu.memory_space<vmem>>, vector<128x11xf32>,
    %slice3A_909 = vector.extract_strided_slice %get3A_1 {offsets = [70, 0], sizes = [1, 128], strides = [1, 1]} : vector<128x128xi32> to vector<1x128xi32>
    %eq3A_910 = vector.broadcast %slice3A_909 : vector<1x128xi32> to vector<11x128xi32>
    %eq3A_911 = arith.cmpi eq, %eq3A_910, %iota3A : vector<11x128xi32>
    %jit3A_912 = arith.constant 2.500000e-01 : f32
    %jit3A_913 = arith.constant 0.000000e+00 : f32
    %broadcast_in_dim3A_914 = vector.broadcast %jit3A_912 : f32 to vector<11x128xf32>
    %broadcast_in_dim3A_915 = vector.broadcast %jit3A_913 : f32 to vector<11x128xf32>
    %select_n3A_916 = arith.select %eq3A_911, %broadcast_in_dim3A_914, %broadcast_in_dim3A_915 : vector<11x128xi1>, vector<11x128xf32>
    %dot_general3A_917 = arith.constant dense<0.000000e+00> : vector<128x11xf32>
    %dot_general3A_918 = tpu.matmul %select_n3A_916, %convert_element_type3A_4, %dot_general3A_917 {dimension_numbers = #tpu.dot_dimension_numbers<[0], [0], [1], [1], [0, 1, 1, 1], [], []>, transpose_lhs_hint = false} : vector<11x128xf32>, vector<11x11xf32>, vector<128x11xf32> -> vector<128x11xf32>
    %swap3A_919 = arith.constant 8960 : index
    %swap3A_920 = arith.constant 0 : index
    %swap3A_921 = vector.load %arg2[%swap3A_919, %swap3A_920] : memref<16384x11xf32, #tpu.memory_space<vmem>>, vector<128x11xf32>
    tpu.vector_store %arg2[%swap3A_919, %swap3A_920], %dot_general3A_918 {strides = array<i32>} : memref<16384x11xf32, #tpu.memory_space<vmem>>, vector<128x11xf32>,
    %slice3A_922 = vector.extract_strided_slice %get3A_1 {offsets = [71, 0], sizes = [1, 128], strides = [1, 1]} : vector<128x128xi32> to vector<1x128xi32>
    %eq3A_923 = vector.broadcast %slice3A_922 : vector<1x128xi32> to vector<11x128xi32>
    %eq3A_924 = arith.cmpi eq, %eq3A_923, %iota3A : vector<11x128xi32>
    %jit3A_925 = arith.constant 2.500000e-01 : f32
    %jit3A_926 = arith.constant 0.000000e+00 : f32
    %broadcast_in_dim3A_927 = vector.broadcast %jit3A_925 : f32 to vector<11x128xf32>
    %broadcast_in_dim3A_928 = vector.broadcast %jit3A_926 : f32 to vector<11x128xf32>
    %select_n3A_929 = arith.select %eq3A_924, %broadcast_in_dim3A_927, %broadcast_in_dim3A_928 : vector<11x128xi1>, vector<11x128xf32>
    %dot_general3A_930 = arith.constant dense<0.000000e+00> : vector<128x11xf32>
    %dot_general3A_931 = tpu.matmul %select_n3A_929, %convert_element_type3A_4, %dot_general3A_930 {dimension_numbers = #tpu.dot_dimension_numbers<[0], [0], [1], [1], [0, 1, 1, 1], [], []>, transpose_lhs_hint = false} : vector<11x128xf32>, vector<11x11xf32>, vector<128x11xf32> -> vector<128x11xf32>
    %swap3A_932 = arith.constant 9088 : index
    %swap3A_933 = arith.constant 0 : index
    %swap3A_934 = vector.load %arg2[%swap3A_932, %swap3A_933] : memref<16384x11xf32, #tpu.memory_space<vmem>>, vector<128x11xf32>
    tpu.vector_store %arg2[%swap3A_932, %swap3A_933], %dot_general3A_931 {strides = array<i32>} : memref<16384x11xf32, #tpu.memory_space<vmem>>, vector<128x11xf32>,
    %slice3A_935 = vector.extract_strided_slice %get3A_1 {offsets = [72, 0], sizes = [1, 128], strides = [1, 1]} : vector<128x128xi32> to vector<1x128xi32>
    %eq3A_936 = vector.broadcast %slice3A_935 : vector<1x128xi32> to vector<11x128xi32>
    %eq3A_937 = arith.cmpi eq, %eq3A_936, %iota3A : vector<11x128xi32>
    %jit3A_938 = arith.constant 2.500000e-01 : f32
    %jit3A_939 = arith.constant 0.000000e+00 : f32
    %broadcast_in_dim3A_940 = vector.broadcast %jit3A_938 : f32 to vector<11x128xf32>
    %broadcast_in_dim3A_941 = vector.broadcast %jit3A_939 : f32 to vector<11x128xf32>
    %select_n3A_942 = arith.select %eq3A_937, %broadcast_in_dim3A_940, %broadcast_in_dim3A_941 : vector<11x128xi1>, vector<11x128xf32>
    %dot_general3A_943 = arith.constant dense<0.000000e+00> : vector<128x11xf32>
    %dot_general3A_944 = tpu.matmul %select_n3A_942, %convert_element_type3A_4, %dot_general3A_943 {dimension_numbers = #tpu.dot_dimension_numbers<[0], [0], [1], [1], [0, 1, 1, 1], [], []>, transpose_lhs_hint = false} : vector<11x128xf32>, vector<11x11xf32>, vector<128x11xf32> -> vector<128x11xf32>
    %swap3A_945 = arith.constant 9216 : index
    %swap3A_946 = arith.constant 0 : index
    %swap3A_947 = vector.load %arg2[%swap3A_945, %swap3A_946] : memref<16384x11xf32, #tpu.memory_space<vmem>>, vector<128x11xf32>
    tpu.vector_store %arg2[%swap3A_945, %swap3A_946], %dot_general3A_944 {strides = array<i32>} : memref<16384x11xf32, #tpu.memory_space<vmem>>, vector<128x11xf32>,
    %slice3A_948 = vector.extract_strided_slice %get3A_1 {offsets = [73, 0], sizes = [1, 128], strides = [1, 1]} : vector<128x128xi32> to vector<1x128xi32>
    %eq3A_949 = vector.broadcast %slice3A_948 : vector<1x128xi32> to vector<11x128xi32>
    %eq3A_950 = arith.cmpi eq, %eq3A_949, %iota3A : vector<11x128xi32>
    %jit3A_951 = arith.constant 2.500000e-01 : f32
    %jit3A_952 = arith.constant 0.000000e+00 : f32
    %broadcast_in_dim3A_953 = vector.broadcast %jit3A_951 : f32 to vector<11x128xf32>
    %broadcast_in_dim3A_954 = vector.broadcast %jit3A_952 : f32 to vector<11x128xf32>
    %select_n3A_955 = arith.select %eq3A_950, %broadcast_in_dim3A_953, %broadcast_in_dim3A_954 : vector<11x128xi1>, vector<11x128xf32>
    %dot_general3A_956 = arith.constant dense<0.000000e+00> : vector<128x11xf32>
    %dot_general3A_957 = tpu.matmul %select_n3A_955, %convert_element_type3A_4, %dot_general3A_956 {dimension_numbers = #tpu.dot_dimension_numbers<[0], [0], [1], [1], [0, 1, 1, 1], [], []>, transpose_lhs_hint = false} : vector<11x128xf32>, vector<11x11xf32>, vector<128x11xf32> -> vector<128x11xf32>
    %swap3A_958 = arith.constant 9344 : index
    %swap3A_959 = arith.constant 0 : index
    %swap3A_960 = vector.load %arg2[%swap3A_958, %swap3A_959] : memref<16384x11xf32, #tpu.memory_space<vmem>>, vector<128x11xf32>
    tpu.vector_store %arg2[%swap3A_958, %swap3A_959], %dot_general3A_957 {strides = array<i32>} : memref<16384x11xf32, #tpu.memory_space<vmem>>, vector<128x11xf32>,
    %slice3A_961 = vector.extract_strided_slice %get3A_1 {offsets = [74, 0], sizes = [1, 128], strides = [1, 1]} : vector<128x128xi32> to vector<1x128xi32>
    %eq3A_962 = vector.broadcast %slice3A_961 : vector<1x128xi32> to vector<11x128xi32>
    %eq3A_963 = arith.cmpi eq, %eq3A_962, %iota3A : vector<11x128xi32>
    %jit3A_964 = arith.constant 2.500000e-01 : f32
    %jit3A_965 = arith.constant 0.000000e+00 : f32
    %broadcast_in_dim3A_966 = vector.broadcast %jit3A_964 : f32 to vector<11x128xf32>
    %broadcast_in_dim3A_967 = vector.broadcast %jit3A_965 : f32 to vector<11x128xf32>
    %select_n3A_968 = arith.select %eq3A_963, %broadcast_in_dim3A_966, %broadcast_in_dim3A_967 : vector<11x128xi1>, vector<11x128xf32>
    %dot_general3A_969 = arith.constant dense<0.000000e+00> : vector<128x11xf32>
    %dot_general3A_970 = tpu.matmul %select_n3A_968, %convert_element_type3A_4, %dot_general3A_969 {dimension_numbers = #tpu.dot_dimension_numbers<[0], [0], [1], [1], [0, 1, 1, 1], [], []>, transpose_lhs_hint = false} : vector<11x128xf32>, vector<11x11xf32>, vector<128x11xf32> -> vector<128x11xf32>
    %swap3A_971 = arith.constant 9472 : index
    %swap3A_972 = arith.constant 0 : index
    %swap3A_973 = vector.load %arg2[%swap3A_971, %swap3A_972] : memref<16384x11xf32, #tpu.memory_space<vmem>>, vector<128x11xf32>
    tpu.vector_store %arg2[%swap3A_971, %swap3A_972], %dot_general3A_970 {strides = array<i32>} : memref<16384x11xf32, #tpu.memory_space<vmem>>, vector<128x11xf32>,
    %slice3A_974 = vector.extract_strided_slice %get3A_1 {offsets = [75, 0], sizes = [1, 128], strides = [1, 1]} : vector<128x128xi32> to vector<1x128xi32>
    %eq3A_975 = vector.broadcast %slice3A_974 : vector<1x128xi32> to vector<11x128xi32>
    %eq3A_976 = arith.cmpi eq, %eq3A_975, %iota3A : vector<11x128xi32>
    %jit3A_977 = arith.constant 2.500000e-01 : f32
    %jit3A_978 = arith.constant 0.000000e+00 : f32
    %broadcast_in_dim3A_979 = vector.broadcast %jit3A_977 : f32 to vector<11x128xf32>
    %broadcast_in_dim3A_980 = vector.broadcast %jit3A_978 : f32 to vector<11x128xf32>
    %select_n3A_981 = arith.select %eq3A_976, %broadcast_in_dim3A_979, %broadcast_in_dim3A_980 : vector<11x128xi1>, vector<11x128xf32>
    %dot_general3A_982 = arith.constant dense<0.000000e+00> : vector<128x11xf32>
    %dot_general3A_983 = tpu.matmul %select_n3A_981, %convert_element_type3A_4, %dot_general3A_982 {dimension_numbers = #tpu.dot_dimension_numbers<[0], [0], [1], [1], [0, 1, 1, 1], [], []>, transpose_lhs_hint = false} : vector<11x128xf32>, vector<11x11xf32>, vector<128x11xf32> -> vector<128x11xf32>
    %swap3A_984 = arith.constant 9600 : index
    %swap3A_985 = arith.constant 0 : index
    %swap3A_986 = vector.load %arg2[%swap3A_984, %swap3A_985] : memref<16384x11xf32, #tpu.memory_space<vmem>>, vector<128x11xf32>
    tpu.vector_store %arg2[%swap3A_984, %swap3A_985], %dot_general3A_983 {strides = array<i32>} : memref<16384x11xf32, #tpu.memory_space<vmem>>, vector<128x11xf32>,
    %slice3A_987 = vector.extract_strided_slice %get3A_1 {offsets = [76, 0], sizes = [1, 128], strides = [1, 1]} : vector<128x128xi32> to vector<1x128xi32>
    %eq3A_988 = vector.broadcast %slice3A_987 : vector<1x128xi32> to vector<11x128xi32>
    %eq3A_989 = arith.cmpi eq, %eq3A_988, %iota3A : vector<11x128xi32>
    %jit3A_990 = arith.constant 2.500000e-01 : f32
    %jit3A_991 = arith.constant 0.000000e+00 : f32
    %broadcast_in_dim3A_992 = vector.broadcast %jit3A_990 : f32 to vector<11x128xf32>
    %broadcast_in_dim3A_993 = vector.broadcast %jit3A_991 : f32 to vector<11x128xf32>
    %select_n3A_994 = arith.select %eq3A_989, %broadcast_in_dim3A_992, %broadcast_in_dim3A_993 : vector<11x128xi1>, vector<11x128xf32>
    %dot_general3A_995 = arith.constant dense<0.000000e+00> : vector<128x11xf32>
    %dot_general3A_996 = tpu.matmul %select_n3A_994, %convert_element_type3A_4, %dot_general3A_995 {dimension_numbers = #tpu.dot_dimension_numbers<[0], [0], [1], [1], [0, 1, 1, 1], [], []>, transpose_lhs_hint = false} : vector<11x128xf32>, vector<11x11xf32>, vector<128x11xf32> -> vector<128x11xf32>
    %swap3A_997 = arith.constant 9728 : index
    %swap3A_998 = arith.constant 0 : index
    %swap3A_999 = vector.load %arg2[%swap3A_997, %swap3A_998] : memref<16384x11xf32, #tpu.memory_space<vmem>>, vector<128x11xf32>
    tpu.vector_store %arg2[%swap3A_997, %swap3A_998], %dot_general3A_996 {strides = array<i32>} : memref<16384x11xf32, #tpu.memory_space<vmem>>, vector<128x11xf32>,
    %slice3A_1000 = vector.extract_strided_slice %get3A_1 {offsets = [77, 0], sizes = [1, 128], strides = [1, 1]} : vector<128x128xi32> to vector<1x128xi32>
    %eq3A_1001 = vector.broadcast %slice3A_1000 : vector<1x128xi32> to vector<11x128xi32>
    %eq3A_1002 = arith.cmpi eq, %eq3A_1001, %iota3A : vector<11x128xi32>
    %jit3A_1003 = arith.constant 2.500000e-01 : f32
    %jit3A_1004 = arith.constant 0.000000e+00 : f32
    %broadcast_in_dim3A_1005 = vector.broadcast %jit3A_1003 : f32 to vector<11x128xf32>
    %broadcast_in_dim3A_1006 = vector.broadcast %jit3A_1004 : f32 to vector<11x128xf32>
    %select_n3A_1007 = arith.select %eq3A_1002, %broadcast_in_dim3A_1005, %broadcast_in_dim3A_1006 : vector<11x128xi1>, vector<11x128xf32>
    %dot_general3A_1008 = arith.constant dense<0.000000e+00> : vector<128x11xf32>
    %dot_general3A_1009 = tpu.matmul %select_n3A_1007, %convert_element_type3A_4, %dot_general3A_1008 {dimension_numbers = #tpu.dot_dimension_numbers<[0], [0], [1], [1], [0, 1, 1, 1], [], []>, transpose_lhs_hint = false} : vector<11x128xf32>, vector<11x11xf32>, vector<128x11xf32> -> vector<128x11xf32>
    %swap3A_1010 = arith.constant 9856 : index
    %swap3A_1011 = arith.constant 0 : index
    %swap3A_1012 = vector.load %arg2[%swap3A_1010, %swap3A_1011] : memref<16384x11xf32, #tpu.memory_space<vmem>>, vector<128x11xf32>
    tpu.vector_store %arg2[%swap3A_1010, %swap3A_1011], %dot_general3A_1009 {strides = array<i32>} : memref<16384x11xf32, #tpu.memory_space<vmem>>, vector<128x11xf32>,
    %slice3A_1013 = vector.extract_strided_slice %get3A_1 {offsets = [78, 0], sizes = [1, 128], strides = [1, 1]} : vector<128x128xi32> to vector<1x128xi32>
    %eq3A_1014 = vector.broadcast %slice3A_1013 : vector<1x128xi32> to vector<11x128xi32>
    %eq3A_1015 = arith.cmpi eq, %eq3A_1014, %iota3A : vector<11x128xi32>
    %jit3A_1016 = arith.constant 2.500000e-01 : f32
    %jit3A_1017 = arith.constant 0.000000e+00 : f32
    %broadcast_in_dim3A_1018 = vector.broadcast %jit3A_1016 : f32 to vector<11x128xf32>
    %broadcast_in_dim3A_1019 = vector.broadcast %jit3A_1017 : f32 to vector<11x128xf32>
    %select_n3A_1020 = arith.select %eq3A_1015, %broadcast_in_dim3A_1018, %broadcast_in_dim3A_1019 : vector<11x128xi1>, vector<11x128xf32>
    %dot_general3A_1021 = arith.constant dense<0.000000e+00> : vector<128x11xf32>
    %dot_general3A_1022 = tpu.matmul %select_n3A_1020, %convert_element_type3A_4, %dot_general3A_1021 {dimension_numbers = #tpu.dot_dimension_numbers<[0], [0], [1], [1], [0, 1, 1, 1], [], []>, transpose_lhs_hint = false} : vector<11x128xf32>, vector<11x11xf32>, vector<128x11xf32> -> vector<128x11xf32>
    %swap3A_1023 = arith.constant 9984 : index
    %swap3A_1024 = arith.constant 0 : index
    %swap3A_1025 = vector.load %arg2[%swap3A_1023, %swap3A_1024] : memref<16384x11xf32, #tpu.memory_space<vmem>>, vector<128x11xf32>
    tpu.vector_store %arg2[%swap3A_1023, %swap3A_1024], %dot_general3A_1022 {strides = array<i32>} : memref<16384x11xf32, #tpu.memory_space<vmem>>, vector<128x11xf32>,
    %slice3A_1026 = vector.extract_strided_slice %get3A_1 {offsets = [79, 0], sizes = [1, 128], strides = [1, 1]} : vector<128x128xi32> to vector<1x128xi32>
    %eq3A_1027 = vector.broadcast %slice3A_1026 : vector<1x128xi32> to vector<11x128xi32>
    %eq3A_1028 = arith.cmpi eq, %eq3A_1027, %iota3A : vector<11x128xi32>
    %jit3A_1029 = arith.constant 2.500000e-01 : f32
    %jit3A_1030 = arith.constant 0.000000e+00 : f32
    %broadcast_in_dim3A_1031 = vector.broadcast %jit3A_1029 : f32 to vector<11x128xf32>
    %broadcast_in_dim3A_1032 = vector.broadcast %jit3A_1030 : f32 to vector<11x128xf32>
    %select_n3A_1033 = arith.select %eq3A_1028, %broadcast_in_dim3A_1031, %broadcast_in_dim3A_1032 : vector<11x128xi1>, vector<11x128xf32>
    %dot_general3A_1034 = arith.constant dense<0.000000e+00> : vector<128x11xf32>
    %dot_general3A_1035 = tpu.matmul %select_n3A_1033, %convert_element_type3A_4, %dot_general3A_1034 {dimension_numbers = #tpu.dot_dimension_numbers<[0], [0], [1], [1], [0, 1, 1, 1], [], []>, transpose_lhs_hint = false} : vector<11x128xf32>, vector<11x11xf32>, vector<128x11xf32> -> vector<128x11xf32>
    %swap3A_1036 = arith.constant 10112 : index
    %swap3A_1037 = arith.constant 0 : index
    %swap3A_1038 = vector.load %arg2[%swap3A_1036, %swap3A_1037] : memref<16384x11xf32, #tpu.memory_space<vmem>>, vector<128x11xf32>
    tpu.vector_store %arg2[%swap3A_1036, %swap3A_1037], %dot_general3A_1035 {strides = array<i32>} : memref<16384x11xf32, #tpu.memory_space<vmem>>, vector<128x11xf32>,
    %slice3A_1039 = vector.extract_strided_slice %get3A_1 {offsets = [80, 0], sizes = [1, 128], strides = [1, 1]} : vector<128x128xi32> to vector<1x128xi32>
    %eq3A_1040 = vector.broadcast %slice3A_1039 : vector<1x128xi32> to vector<11x128xi32>
    %eq3A_1041 = arith.cmpi eq, %eq3A_1040, %iota3A : vector<11x128xi32>
    %jit3A_1042 = arith.constant 2.500000e-01 : f32
    %jit3A_1043 = arith.constant 0.000000e+00 : f32
    %broadcast_in_dim3A_1044 = vector.broadcast %jit3A_1042 : f32 to vector<11x128xf32>
    %broadcast_in_dim3A_1045 = vector.broadcast %jit3A_1043 : f32 to vector<11x128xf32>
    %select_n3A_1046 = arith.select %eq3A_1041, %broadcast_in_dim3A_1044, %broadcast_in_dim3A_1045 : vector<11x128xi1>, vector<11x128xf32>
    %dot_general3A_1047 = arith.constant dense<0.000000e+00> : vector<128x11xf32>
    %dot_general3A_1048 = tpu.matmul %select_n3A_1046, %convert_element_type3A_4, %dot_general3A_1047 {dimension_numbers = #tpu.dot_dimension_numbers<[0], [0], [1], [1], [0, 1, 1, 1], [], []>, transpose_lhs_hint = false} : vector<11x128xf32>, vector<11x11xf32>, vector<128x11xf32> -> vector<128x11xf32>
    %swap3A_1049 = arith.constant 10240 : index
    %swap3A_1050 = arith.constant 0 : index
    %swap3A_1051 = vector.load %arg2[%swap3A_1049, %swap3A_1050] : memref<16384x11xf32, #tpu.memory_space<vmem>>, vector<128x11xf32>
    tpu.vector_store %arg2[%swap3A_1049, %swap3A_1050], %dot_general3A_1048 {strides = array<i32>} : memref<16384x11xf32, #tpu.memory_space<vmem>>, vector<128x11xf32>,
    %slice3A_1052 = vector.extract_strided_slice %get3A_1 {offsets = [81, 0], sizes = [1, 128], strides = [1, 1]} : vector<128x128xi32> to vector<1x128xi32>
    %eq3A_1053 = vector.broadcast %slice3A_1052 : vector<1x128xi32> to vector<11x128xi32>
    %eq3A_1054 = arith.cmpi eq, %eq3A_1053, %iota3A : vector<11x128xi32>
    %jit3A_1055 = arith.constant 2.500000e-01 : f32
    %jit3A_1056 = arith.constant 0.000000e+00 : f32
    %broadcast_in_dim3A_1057 = vector.broadcast %jit3A_1055 : f32 to vector<11x128xf32>
    %broadcast_in_dim3A_1058 = vector.broadcast %jit3A_1056 : f32 to vector<11x128xf32>
    %select_n3A_1059 = arith.select %eq3A_1054, %broadcast_in_dim3A_1057, %broadcast_in_dim3A_1058 : vector<11x128xi1>, vector<11x128xf32>
    %dot_general3A_1060 = arith.constant dense<0.000000e+00> : vector<128x11xf32>
    %dot_general3A_1061 = tpu.matmul %select_n3A_1059, %convert_element_type3A_4, %dot_general3A_1060 {dimension_numbers = #tpu.dot_dimension_numbers<[0], [0], [1], [1], [0, 1, 1, 1], [], []>, transpose_lhs_hint = false} : vector<11x128xf32>, vector<11x11xf32>, vector<128x11xf32> -> vector<128x11xf32>
    %swap3A_1062 = arith.constant 10368 : index
    %swap3A_1063 = arith.constant 0 : index
    %swap3A_1064 = vector.load %arg2[%swap3A_1062, %swap3A_1063] : memref<16384x11xf32, #tpu.memory_space<vmem>>, vector<128x11xf32>
    tpu.vector_store %arg2[%swap3A_1062, %swap3A_1063], %dot_general3A_1061 {strides = array<i32>} : memref<16384x11xf32, #tpu.memory_space<vmem>>, vector<128x11xf32>,
    %slice3A_1065 = vector.extract_strided_slice %get3A_1 {offsets = [82, 0], sizes = [1, 128], strides = [1, 1]} : vector<128x128xi32> to vector<1x128xi32>
    %eq3A_1066 = vector.broadcast %slice3A_1065 : vector<1x128xi32> to vector<11x128xi32>
    %eq3A_1067 = arith.cmpi eq, %eq3A_1066, %iota3A : vector<11x128xi32>
    %jit3A_1068 = arith.constant 2.500000e-01 : f32
    %jit3A_1069 = arith.constant 0.000000e+00 : f32
    %broadcast_in_dim3A_1070 = vector.broadcast %jit3A_1068 : f32 to vector<11x128xf32>
    %broadcast_in_dim3A_1071 = vector.broadcast %jit3A_1069 : f32 to vector<11x128xf32>
    %select_n3A_1072 = arith.select %eq3A_1067, %broadcast_in_dim3A_1070, %broadcast_in_dim3A_1071 : vector<11x128xi1>, vector<11x128xf32>
    %dot_general3A_1073 = arith.constant dense<0.000000e+00> : vector<128x11xf32>
    %dot_general3A_1074 = tpu.matmul %select_n3A_1072, %convert_element_type3A_4, %dot_general3A_1073 {dimension_numbers = #tpu.dot_dimension_numbers<[0], [0], [1], [1], [0, 1, 1, 1], [], []>, transpose_lhs_hint = false} : vector<11x128xf32>, vector<11x11xf32>, vector<128x11xf32> -> vector<128x11xf32>
    %swap3A_1075 = arith.constant 10496 : index
    %swap3A_1076 = arith.constant 0 : index
    %swap3A_1077 = vector.load %arg2[%swap3A_1075, %swap3A_1076] : memref<16384x11xf32, #tpu.memory_space<vmem>>, vector<128x11xf32>
    tpu.vector_store %arg2[%swap3A_1075, %swap3A_1076], %dot_general3A_1074 {strides = array<i32>} : memref<16384x11xf32, #tpu.memory_space<vmem>>, vector<128x11xf32>,
    %slice3A_1078 = vector.extract_strided_slice %get3A_1 {offsets = [83, 0], sizes = [1, 128], strides = [1, 1]} : vector<128x128xi32> to vector<1x128xi32>
    %eq3A_1079 = vector.broadcast %slice3A_1078 : vector<1x128xi32> to vector<11x128xi32>
    %eq3A_1080 = arith.cmpi eq, %eq3A_1079, %iota3A : vector<11x128xi32>
    %jit3A_1081 = arith.constant 2.500000e-01 : f32
    %jit3A_1082 = arith.constant 0.000000e+00 : f32
    %broadcast_in_dim3A_1083 = vector.broadcast %jit3A_1081 : f32 to vector<11x128xf32>
    %broadcast_in_dim3A_1084 = vector.broadcast %jit3A_1082 : f32 to vector<11x128xf32>
    %select_n3A_1085 = arith.select %eq3A_1080, %broadcast_in_dim3A_1083, %broadcast_in_dim3A_1084 : vector<11x128xi1>, vector<11x128xf32>
    %dot_general3A_1086 = arith.constant dense<0.000000e+00> : vector<128x11xf32>
    %dot_general3A_1087 = tpu.matmul %select_n3A_1085, %convert_element_type3A_4, %dot_general3A_1086 {dimension_numbers = #tpu.dot_dimension_numbers<[0], [0], [1], [1], [0, 1, 1, 1], [], []>, transpose_lhs_hint = false} : vector<11x128xf32>, vector<11x11xf32>, vector<128x11xf32> -> vector<128x11xf32>
    %swap3A_1088 = arith.constant 10624 : index
    %swap3A_1089 = arith.constant 0 : index
    %swap3A_1090 = vector.load %arg2[%swap3A_1088, %swap3A_1089] : memref<16384x11xf32, #tpu.memory_space<vmem>>, vector<128x11xf32>
    tpu.vector_store %arg2[%swap3A_1088, %swap3A_1089], %dot_general3A_1087 {strides = array<i32>} : memref<16384x11xf32, #tpu.memory_space<vmem>>, vector<128x11xf32>,
    %slice3A_1091 = vector.extract_strided_slice %get3A_1 {offsets = [84, 0], sizes = [1, 128], strides = [1, 1]} : vector<128x128xi32> to vector<1x128xi32>
    %eq3A_1092 = vector.broadcast %slice3A_1091 : vector<1x128xi32> to vector<11x128xi32>
    %eq3A_1093 = arith.cmpi eq, %eq3A_1092, %iota3A : vector<11x128xi32>
    %jit3A_1094 = arith.constant 2.500000e-01 : f32
    %jit3A_1095 = arith.constant 0.000000e+00 : f32
    %broadcast_in_dim3A_1096 = vector.broadcast %jit3A_1094 : f32 to vector<11x128xf32>
    %broadcast_in_dim3A_1097 = vector.broadcast %jit3A_1095 : f32 to vector<11x128xf32>
    %select_n3A_1098 = arith.select %eq3A_1093, %broadcast_in_dim3A_1096, %broadcast_in_dim3A_1097 : vector<11x128xi1>, vector<11x128xf32>
    %dot_general3A_1099 = arith.constant dense<0.000000e+00> : vector<128x11xf32>
    %dot_general3A_1100 = tpu.matmul %select_n3A_1098, %convert_element_type3A_4, %dot_general3A_1099 {dimension_numbers = #tpu.dot_dimension_numbers<[0], [0], [1], [1], [0, 1, 1, 1], [], []>, transpose_lhs_hint = false} : vector<11x128xf32>, vector<11x11xf32>, vector<128x11xf32> -> vector<128x11xf32>
    %swap3A_1101 = arith.constant 10752 : index
    %swap3A_1102 = arith.constant 0 : index
    %swap3A_1103 = vector.load %arg2[%swap3A_1101, %swap3A_1102] : memref<16384x11xf32, #tpu.memory_space<vmem>>, vector<128x11xf32>
    tpu.vector_store %arg2[%swap3A_1101, %swap3A_1102], %dot_general3A_1100 {strides = array<i32>} : memref<16384x11xf32, #tpu.memory_space<vmem>>, vector<128x11xf32>,
    %slice3A_1104 = vector.extract_strided_slice %get3A_1 {offsets = [85, 0], sizes = [1, 128], strides = [1, 1]} : vector<128x128xi32> to vector<1x128xi32>
    %eq3A_1105 = vector.broadcast %slice3A_1104 : vector<1x128xi32> to vector<11x128xi32>
    %eq3A_1106 = arith.cmpi eq, %eq3A_1105, %iota3A : vector<11x128xi32>
    %jit3A_1107 = arith.constant 2.500000e-01 : f32
    %jit3A_1108 = arith.constant 0.000000e+00 : f32
    %broadcast_in_dim3A_1109 = vector.broadcast %jit3A_1107 : f32 to vector<11x128xf32>
    %broadcast_in_dim3A_1110 = vector.broadcast %jit3A_1108 : f32 to vector<11x128xf32>
    %select_n3A_1111 = arith.select %eq3A_1106, %broadcast_in_dim3A_1109, %broadcast_in_dim3A_1110 : vector<11x128xi1>, vector<11x128xf32>
    %dot_general3A_1112 = arith.constant dense<0.000000e+00> : vector<128x11xf32>
    %dot_general3A_1113 = tpu.matmul %select_n3A_1111, %convert_element_type3A_4, %dot_general3A_1112 {dimension_numbers = #tpu.dot_dimension_numbers<[0], [0], [1], [1], [0, 1, 1, 1], [], []>, transpose_lhs_hint = false} : vector<11x128xf32>, vector<11x11xf32>, vector<128x11xf32> -> vector<128x11xf32>
    %swap3A_1114 = arith.constant 10880 : index
    %swap3A_1115 = arith.constant 0 : index
    %swap3A_1116 = vector.load %arg2[%swap3A_1114, %swap3A_1115] : memref<16384x11xf32, #tpu.memory_space<vmem>>, vector<128x11xf32>
    tpu.vector_store %arg2[%swap3A_1114, %swap3A_1115], %dot_general3A_1113 {strides = array<i32>} : memref<16384x11xf32, #tpu.memory_space<vmem>>, vector<128x11xf32>,
    %slice3A_1117 = vector.extract_strided_slice %get3A_1 {offsets = [86, 0], sizes = [1, 128], strides = [1, 1]} : vector<128x128xi32> to vector<1x128xi32>
    %eq3A_1118 = vector.broadcast %slice3A_1117 : vector<1x128xi32> to vector<11x128xi32>
    %eq3A_1119 = arith.cmpi eq, %eq3A_1118, %iota3A : vector<11x128xi32>
    %jit3A_1120 = arith.constant 2.500000e-01 : f32
    %jit3A_1121 = arith.constant 0.000000e+00 : f32
    %broadcast_in_dim3A_1122 = vector.broadcast %jit3A_1120 : f32 to vector<11x128xf32>
    %broadcast_in_dim3A_1123 = vector.broadcast %jit3A_1121 : f32 to vector<11x128xf32>
    %select_n3A_1124 = arith.select %eq3A_1119, %broadcast_in_dim3A_1122, %broadcast_in_dim3A_1123 : vector<11x128xi1>, vector<11x128xf32>
    %dot_general3A_1125 = arith.constant dense<0.000000e+00> : vector<128x11xf32>
    %dot_general3A_1126 = tpu.matmul %select_n3A_1124, %convert_element_type3A_4, %dot_general3A_1125 {dimension_numbers = #tpu.dot_dimension_numbers<[0], [0], [1], [1], [0, 1, 1, 1], [], []>, transpose_lhs_hint = false} : vector<11x128xf32>, vector<11x11xf32>, vector<128x11xf32> -> vector<128x11xf32>
    %swap3A_1127 = arith.constant 11008 : index
    %swap3A_1128 = arith.constant 0 : index
    %swap3A_1129 = vector.load %arg2[%swap3A_1127, %swap3A_1128] : memref<16384x11xf32, #tpu.memory_space<vmem>>, vector<128x11xf32>
    tpu.vector_store %arg2[%swap3A_1127, %swap3A_1128], %dot_general3A_1126 {strides = array<i32>} : memref<16384x11xf32, #tpu.memory_space<vmem>>, vector<128x11xf32>,
    %slice3A_1130 = vector.extract_strided_slice %get3A_1 {offsets = [87, 0], sizes = [1, 128], strides = [1, 1]} : vector<128x128xi32> to vector<1x128xi32>
    %eq3A_1131 = vector.broadcast %slice3A_1130 : vector<1x128xi32> to vector<11x128xi32>
    %eq3A_1132 = arith.cmpi eq, %eq3A_1131, %iota3A : vector<11x128xi32>
    %jit3A_1133 = arith.constant 2.500000e-01 : f32
    %jit3A_1134 = arith.constant 0.000000e+00 : f32
    %broadcast_in_dim3A_1135 = vector.broadcast %jit3A_1133 : f32 to vector<11x128xf32>
    %broadcast_in_dim3A_1136 = vector.broadcast %jit3A_1134 : f32 to vector<11x128xf32>
    %select_n3A_1137 = arith.select %eq3A_1132, %broadcast_in_dim3A_1135, %broadcast_in_dim3A_1136 : vector<11x128xi1>, vector<11x128xf32>
    %dot_general3A_1138 = arith.constant dense<0.000000e+00> : vector<128x11xf32>
    %dot_general3A_1139 = tpu.matmul %select_n3A_1137, %convert_element_type3A_4, %dot_general3A_1138 {dimension_numbers = #tpu.dot_dimension_numbers<[0], [0], [1], [1], [0, 1, 1, 1], [], []>, transpose_lhs_hint = false} : vector<11x128xf32>, vector<11x11xf32>, vector<128x11xf32> -> vector<128x11xf32>
    %swap3A_1140 = arith.constant 11136 : index
    %swap3A_1141 = arith.constant 0 : index
    %swap3A_1142 = vector.load %arg2[%swap3A_1140, %swap3A_1141] : memref<16384x11xf32, #tpu.memory_space<vmem>>, vector<128x11xf32>
    tpu.vector_store %arg2[%swap3A_1140, %swap3A_1141], %dot_general3A_1139 {strides = array<i32>} : memref<16384x11xf32, #tpu.memory_space<vmem>>, vector<128x11xf32>,
    %slice3A_1143 = vector.extract_strided_slice %get3A_1 {offsets = [88, 0], sizes = [1, 128], strides = [1, 1]} : vector<128x128xi32> to vector<1x128xi32>
    %eq3A_1144 = vector.broadcast %slice3A_1143 : vector<1x128xi32> to vector<11x128xi32>
    %eq3A_1145 = arith.cmpi eq, %eq3A_1144, %iota3A : vector<11x128xi32>
    %jit3A_1146 = arith.constant 2.500000e-01 : f32
    %jit3A_1147 = arith.constant 0.000000e+00 : f32
    %broadcast_in_dim3A_1148 = vector.broadcast %jit3A_1146 : f32 to vector<11x128xf32>
    %broadcast_in_dim3A_1149 = vector.broadcast %jit3A_1147 : f32 to vector<11x128xf32>
    %select_n3A_1150 = arith.select %eq3A_1145, %broadcast_in_dim3A_1148, %broadcast_in_dim3A_1149 : vector<11x128xi1>, vector<11x128xf32>
    %dot_general3A_1151 = arith.constant dense<0.000000e+00> : vector<128x11xf32>
    %dot_general3A_1152 = tpu.matmul %select_n3A_1150, %convert_element_type3A_4, %dot_general3A_1151 {dimension_numbers = #tpu.dot_dimension_numbers<[0], [0], [1], [1], [0, 1, 1, 1], [], []>, transpose_lhs_hint = false} : vector<11x128xf32>, vector<11x11xf32>, vector<128x11xf32> -> vector<128x11xf32>
    %swap3A_1153 = arith.constant 11264 : index
    %swap3A_1154 = arith.constant 0 : index
    %swap3A_1155 = vector.load %arg2[%swap3A_1153, %swap3A_1154] : memref<16384x11xf32, #tpu.memory_space<vmem>>, vector<128x11xf32>
    tpu.vector_store %arg2[%swap3A_1153, %swap3A_1154], %dot_general3A_1152 {strides = array<i32>} : memref<16384x11xf32, #tpu.memory_space<vmem>>, vector<128x11xf32>,
    %slice3A_1156 = vector.extract_strided_slice %get3A_1 {offsets = [89, 0], sizes = [1, 128], strides = [1, 1]} : vector<128x128xi32> to vector<1x128xi32>
    %eq3A_1157 = vector.broadcast %slice3A_1156 : vector<1x128xi32> to vector<11x128xi32>
    %eq3A_1158 = arith.cmpi eq, %eq3A_1157, %iota3A : vector<11x128xi32>
    %jit3A_1159 = arith.constant 2.500000e-01 : f32
    %jit3A_1160 = arith.constant 0.000000e+00 : f32
    %broadcast_in_dim3A_1161 = vector.broadcast %jit3A_1159 : f32 to vector<11x128xf32>
    %broadcast_in_dim3A_1162 = vector.broadcast %jit3A_1160 : f32 to vector<11x128xf32>
    %select_n3A_1163 = arith.select %eq3A_1158, %broadcast_in_dim3A_1161, %broadcast_in_dim3A_1162 : vector<11x128xi1>, vector<11x128xf32>
    %dot_general3A_1164 = arith.constant dense<0.000000e+00> : vector<128x11xf32>
    %dot_general3A_1165 = tpu.matmul %select_n3A_1163, %convert_element_type3A_4, %dot_general3A_1164 {dimension_numbers = #tpu.dot_dimension_numbers<[0], [0], [1], [1], [0, 1, 1, 1], [], []>, transpose_lhs_hint = false} : vector<11x128xf32>, vector<11x11xf32>, vector<128x11xf32> -> vector<128x11xf32>
    %swap3A_1166 = arith.constant 11392 : index
    %swap3A_1167 = arith.constant 0 : index
    %swap3A_1168 = vector.load %arg2[%swap3A_1166, %swap3A_1167] : memref<16384x11xf32, #tpu.memory_space<vmem>>, vector<128x11xf32>
    tpu.vector_store %arg2[%swap3A_1166, %swap3A_1167], %dot_general3A_1165 {strides = array<i32>} : memref<16384x11xf32, #tpu.memory_space<vmem>>, vector<128x11xf32>,
    %slice3A_1169 = vector.extract_strided_slice %get3A_1 {offsets = [90, 0], sizes = [1, 128], strides = [1, 1]} : vector<128x128xi32> to vector<1x128xi32>
    %eq3A_1170 = vector.broadcast %slice3A_1169 : vector<1x128xi32> to vector<11x128xi32>
    %eq3A_1171 = arith.cmpi eq, %eq3A_1170, %iota3A : vector<11x128xi32>
    %jit3A_1172 = arith.constant 2.500000e-01 : f32
    %jit3A_1173 = arith.constant 0.000000e+00 : f32
    %broadcast_in_dim3A_1174 = vector.broadcast %jit3A_1172 : f32 to vector<11x128xf32>
    %broadcast_in_dim3A_1175 = vector.broadcast %jit3A_1173 : f32 to vector<11x128xf32>
    %select_n3A_1176 = arith.select %eq3A_1171, %broadcast_in_dim3A_1174, %broadcast_in_dim3A_1175 : vector<11x128xi1>, vector<11x128xf32>
    %dot_general3A_1177 = arith.constant dense<0.000000e+00> : vector<128x11xf32>
    %dot_general3A_1178 = tpu.matmul %select_n3A_1176, %convert_element_type3A_4, %dot_general3A_1177 {dimension_numbers = #tpu.dot_dimension_numbers<[0], [0], [1], [1], [0, 1, 1, 1], [], []>, transpose_lhs_hint = false} : vector<11x128xf32>, vector<11x11xf32>, vector<128x11xf32> -> vector<128x11xf32>
    %swap3A_1179 = arith.constant 11520 : index
    %swap3A_1180 = arith.constant 0 : index
    %swap3A_1181 = vector.load %arg2[%swap3A_1179, %swap3A_1180] : memref<16384x11xf32, #tpu.memory_space<vmem>>, vector<128x11xf32>
    tpu.vector_store %arg2[%swap3A_1179, %swap3A_1180], %dot_general3A_1178 {strides = array<i32>} : memref<16384x11xf32, #tpu.memory_space<vmem>>, vector<128x11xf32>,
    %slice3A_1182 = vector.extract_strided_slice %get3A_1 {offsets = [91, 0], sizes = [1, 128], strides = [1, 1]} : vector<128x128xi32> to vector<1x128xi32>
    %eq3A_1183 = vector.broadcast %slice3A_1182 : vector<1x128xi32> to vector<11x128xi32>
    %eq3A_1184 = arith.cmpi eq, %eq3A_1183, %iota3A : vector<11x128xi32>
    %jit3A_1185 = arith.constant 2.500000e-01 : f32
    %jit3A_1186 = arith.constant 0.000000e+00 : f32
    %broadcast_in_dim3A_1187 = vector.broadcast %jit3A_1185 : f32 to vector<11x128xf32>
    %broadcast_in_dim3A_1188 = vector.broadcast %jit3A_1186 : f32 to vector<11x128xf32>
    %select_n3A_1189 = arith.select %eq3A_1184, %broadcast_in_dim3A_1187, %broadcast_in_dim3A_1188 : vector<11x128xi1>, vector<11x128xf32>
    %dot_general3A_1190 = arith.constant dense<0.000000e+00> : vector<128x11xf32>
    %dot_general3A_1191 = tpu.matmul %select_n3A_1189, %convert_element_type3A_4, %dot_general3A_1190 {dimension_numbers = #tpu.dot_dimension_numbers<[0], [0], [1], [1], [0, 1, 1, 1], [], []>, transpose_lhs_hint = false} : vector<11x128xf32>, vector<11x11xf32>, vector<128x11xf32> -> vector<128x11xf32>
    %swap3A_1192 = arith.constant 11648 : index
    %swap3A_1193 = arith.constant 0 : index
    %swap3A_1194 = vector.load %arg2[%swap3A_1192, %swap3A_1193] : memref<16384x11xf32, #tpu.memory_space<vmem>>, vector<128x11xf32>
    tpu.vector_store %arg2[%swap3A_1192, %swap3A_1193], %dot_general3A_1191 {strides = array<i32>} : memref<16384x11xf32, #tpu.memory_space<vmem>>, vector<128x11xf32>,
    %slice3A_1195 = vector.extract_strided_slice %get3A_1 {offsets = [92, 0], sizes = [1, 128], strides = [1, 1]} : vector<128x128xi32> to vector<1x128xi32>
    %eq3A_1196 = vector.broadcast %slice3A_1195 : vector<1x128xi32> to vector<11x128xi32>
    %eq3A_1197 = arith.cmpi eq, %eq3A_1196, %iota3A : vector<11x128xi32>
    %jit3A_1198 = arith.constant 2.500000e-01 : f32
    %jit3A_1199 = arith.constant 0.000000e+00 : f32
    %broadcast_in_dim3A_1200 = vector.broadcast %jit3A_1198 : f32 to vector<11x128xf32>
    %broadcast_in_dim3A_1201 = vector.broadcast %jit3A_1199 : f32 to vector<11x128xf32>
    %select_n3A_1202 = arith.select %eq3A_1197, %broadcast_in_dim3A_1200, %broadcast_in_dim3A_1201 : vector<11x128xi1>, vector<11x128xf32>
    %dot_general3A_1203 = arith.constant dense<0.000000e+00> : vector<128x11xf32>
    %dot_general3A_1204 = tpu.matmul %select_n3A_1202, %convert_element_type3A_4, %dot_general3A_1203 {dimension_numbers = #tpu.dot_dimension_numbers<[0], [0], [1], [1], [0, 1, 1, 1], [], []>, transpose_lhs_hint = false} : vector<11x128xf32>, vector<11x11xf32>, vector<128x11xf32> -> vector<128x11xf32>
    %swap3A_1205 = arith.constant 11776 : index
    %swap3A_1206 = arith.constant 0 : index
    %swap3A_1207 = vector.load %arg2[%swap3A_1205, %swap3A_1206] : memref<16384x11xf32, #tpu.memory_space<vmem>>, vector<128x11xf32>
    tpu.vector_store %arg2[%swap3A_1205, %swap3A_1206], %dot_general3A_1204 {strides = array<i32>} : memref<16384x11xf32, #tpu.memory_space<vmem>>, vector<128x11xf32>,
    %slice3A_1208 = vector.extract_strided_slice %get3A_1 {offsets = [93, 0], sizes = [1, 128], strides = [1, 1]} : vector<128x128xi32> to vector<1x128xi32>
    %eq3A_1209 = vector.broadcast %slice3A_1208 : vector<1x128xi32> to vector<11x128xi32>
    %eq3A_1210 = arith.cmpi eq, %eq3A_1209, %iota3A : vector<11x128xi32>
    %jit3A_1211 = arith.constant 2.500000e-01 : f32
    %jit3A_1212 = arith.constant 0.000000e+00 : f32
    %broadcast_in_dim3A_1213 = vector.broadcast %jit3A_1211 : f32 to vector<11x128xf32>
    %broadcast_in_dim3A_1214 = vector.broadcast %jit3A_1212 : f32 to vector<11x128xf32>
    %select_n3A_1215 = arith.select %eq3A_1210, %broadcast_in_dim3A_1213, %broadcast_in_dim3A_1214 : vector<11x128xi1>, vector<11x128xf32>
    %dot_general3A_1216 = arith.constant dense<0.000000e+00> : vector<128x11xf32>
    %dot_general3A_1217 = tpu.matmul %select_n3A_1215, %convert_element_type3A_4, %dot_general3A_1216 {dimension_numbers = #tpu.dot_dimension_numbers<[0], [0], [1], [1], [0, 1, 1, 1], [], []>, transpose_lhs_hint = false} : vector<11x128xf32>, vector<11x11xf32>, vector<128x11xf32> -> vector<128x11xf32>
    %swap3A_1218 = arith.constant 11904 : index
    %swap3A_1219 = arith.constant 0 : index
    %swap3A_1220 = vector.load %arg2[%swap3A_1218, %swap3A_1219] : memref<16384x11xf32, #tpu.memory_space<vmem>>, vector<128x11xf32>
    tpu.vector_store %arg2[%swap3A_1218, %swap3A_1219], %dot_general3A_1217 {strides = array<i32>} : memref<16384x11xf32, #tpu.memory_space<vmem>>, vector<128x11xf32>,
    %slice3A_1221 = vector.extract_strided_slice %get3A_1 {offsets = [94, 0], sizes = [1, 128], strides = [1, 1]} : vector<128x128xi32> to vector<1x128xi32>
    %eq3A_1222 = vector.broadcast %slice3A_1221 : vector<1x128xi32> to vector<11x128xi32>
    %eq3A_1223 = arith.cmpi eq, %eq3A_1222, %iota3A : vector<11x128xi32>
    %jit3A_1224 = arith.constant 2.500000e-01 : f32
    %jit3A_1225 = arith.constant 0.000000e+00 : f32
    %broadcast_in_dim3A_1226 = vector.broadcast %jit3A_1224 : f32 to vector<11x128xf32>
    %broadcast_in_dim3A_1227 = vector.broadcast %jit3A_1225 : f32 to vector<11x128xf32>
    %select_n3A_1228 = arith.select %eq3A_1223, %broadcast_in_dim3A_1226, %broadcast_in_dim3A_1227 : vector<11x128xi1>, vector<11x128xf32>
    %dot_general3A_1229 = arith.constant dense<0.000000e+00> : vector<128x11xf32>
    %dot_general3A_1230 = tpu.matmul %select_n3A_1228, %convert_element_type3A_4, %dot_general3A_1229 {dimension_numbers = #tpu.dot_dimension_numbers<[0], [0], [1], [1], [0, 1, 1, 1], [], []>, transpose_lhs_hint = false} : vector<11x128xf32>, vector<11x11xf32>, vector<128x11xf32> -> vector<128x11xf32>
    %swap3A_1231 = arith.constant 12032 : index
    %swap3A_1232 = arith.constant 0 : index
    %swap3A_1233 = vector.load %arg2[%swap3A_1231, %swap3A_1232] : memref<16384x11xf32, #tpu.memory_space<vmem>>, vector<128x11xf32>
    tpu.vector_store %arg2[%swap3A_1231, %swap3A_1232], %dot_general3A_1230 {strides = array<i32>} : memref<16384x11xf32, #tpu.memory_space<vmem>>, vector<128x11xf32>,
    %slice3A_1234 = vector.extract_strided_slice %get3A_1 {offsets = [95, 0], sizes = [1, 128], strides = [1, 1]} : vector<128x128xi32> to vector<1x128xi32>
    %eq3A_1235 = vector.broadcast %slice3A_1234 : vector<1x128xi32> to vector<11x128xi32>
    %eq3A_1236 = arith.cmpi eq, %eq3A_1235, %iota3A : vector<11x128xi32>
    %jit3A_1237 = arith.constant 2.500000e-01 : f32
    %jit3A_1238 = arith.constant 0.000000e+00 : f32
    %broadcast_in_dim3A_1239 = vector.broadcast %jit3A_1237 : f32 to vector<11x128xf32>
    %broadcast_in_dim3A_1240 = vector.broadcast %jit3A_1238 : f32 to vector<11x128xf32>
    %select_n3A_1241 = arith.select %eq3A_1236, %broadcast_in_dim3A_1239, %broadcast_in_dim3A_1240 : vector<11x128xi1>, vector<11x128xf32>
    %dot_general3A_1242 = arith.constant dense<0.000000e+00> : vector<128x11xf32>
    %dot_general3A_1243 = tpu.matmul %select_n3A_1241, %convert_element_type3A_4, %dot_general3A_1242 {dimension_numbers = #tpu.dot_dimension_numbers<[0], [0], [1], [1], [0, 1, 1, 1], [], []>, transpose_lhs_hint = false} : vector<11x128xf32>, vector<11x11xf32>, vector<128x11xf32> -> vector<128x11xf32>
    %swap3A_1244 = arith.constant 12160 : index
    %swap3A_1245 = arith.constant 0 : index
    %swap3A_1246 = vector.load %arg2[%swap3A_1244, %swap3A_1245] : memref<16384x11xf32, #tpu.memory_space<vmem>>, vector<128x11xf32>
    tpu.vector_store %arg2[%swap3A_1244, %swap3A_1245], %dot_general3A_1243 {strides = array<i32>} : memref<16384x11xf32, #tpu.memory_space<vmem>>, vector<128x11xf32>,
    %slice3A_1247 = vector.extract_strided_slice %get3A_1 {offsets = [96, 0], sizes = [1, 128], strides = [1, 1]} : vector<128x128xi32> to vector<1x128xi32>
    %eq3A_1248 = vector.broadcast %slice3A_1247 : vector<1x128xi32> to vector<11x128xi32>
    %eq3A_1249 = arith.cmpi eq, %eq3A_1248, %iota3A : vector<11x128xi32>
    %jit3A_1250 = arith.constant 2.500000e-01 : f32
    %jit3A_1251 = arith.constant 0.000000e+00 : f32
    %broadcast_in_dim3A_1252 = vector.broadcast %jit3A_1250 : f32 to vector<11x128xf32>
    %broadcast_in_dim3A_1253 = vector.broadcast %jit3A_1251 : f32 to vector<11x128xf32>
    %select_n3A_1254 = arith.select %eq3A_1249, %broadcast_in_dim3A_1252, %broadcast_in_dim3A_1253 : vector<11x128xi1>, vector<11x128xf32>
    %dot_general3A_1255 = arith.constant dense<0.000000e+00> : vector<128x11xf32>
    %dot_general3A_1256 = tpu.matmul %select_n3A_1254, %convert_element_type3A_4, %dot_general3A_1255 {dimension_numbers = #tpu.dot_dimension_numbers<[0], [0], [1], [1], [0, 1, 1, 1], [], []>, transpose_lhs_hint = false} : vector<11x128xf32>, vector<11x11xf32>, vector<128x11xf32> -> vector<128x11xf32>
    %swap3A_1257 = arith.constant 12288 : index
    %swap3A_1258 = arith.constant 0 : index
    %swap3A_1259 = vector.load %arg2[%swap3A_1257, %swap3A_1258] : memref<16384x11xf32, #tpu.memory_space<vmem>>, vector<128x11xf32>
    tpu.vector_store %arg2[%swap3A_1257, %swap3A_1258], %dot_general3A_1256 {strides = array<i32>} : memref<16384x11xf32, #tpu.memory_space<vmem>>, vector<128x11xf32>,
    %slice3A_1260 = vector.extract_strided_slice %get3A_1 {offsets = [97, 0], sizes = [1, 128], strides = [1, 1]} : vector<128x128xi32> to vector<1x128xi32>
    %eq3A_1261 = vector.broadcast %slice3A_1260 : vector<1x128xi32> to vector<11x128xi32>
    %eq3A_1262 = arith.cmpi eq, %eq3A_1261, %iota3A : vector<11x128xi32>
    %jit3A_1263 = arith.constant 2.500000e-01 : f32
    %jit3A_1264 = arith.constant 0.000000e+00 : f32
    %broadcast_in_dim3A_1265 = vector.broadcast %jit3A_1263 : f32 to vector<11x128xf32>
    %broadcast_in_dim3A_1266 = vector.broadcast %jit3A_1264 : f32 to vector<11x128xf32>
    %select_n3A_1267 = arith.select %eq3A_1262, %broadcast_in_dim3A_1265, %broadcast_in_dim3A_1266 : vector<11x128xi1>, vector<11x128xf32>
    %dot_general3A_1268 = arith.constant dense<0.000000e+00> : vector<128x11xf32>
    %dot_general3A_1269 = tpu.matmul %select_n3A_1267, %convert_element_type3A_4, %dot_general3A_1268 {dimension_numbers = #tpu.dot_dimension_numbers<[0], [0], [1], [1], [0, 1, 1, 1], [], []>, transpose_lhs_hint = false} : vector<11x128xf32>, vector<11x11xf32>, vector<128x11xf32> -> vector<128x11xf32>
    %swap3A_1270 = arith.constant 12416 : index
    %swap3A_1271 = arith.constant 0 : index
    %swap3A_1272 = vector.load %arg2[%swap3A_1270, %swap3A_1271] : memref<16384x11xf32, #tpu.memory_space<vmem>>, vector<128x11xf32>
    tpu.vector_store %arg2[%swap3A_1270, %swap3A_1271], %dot_general3A_1269 {strides = array<i32>} : memref<16384x11xf32, #tpu.memory_space<vmem>>, vector<128x11xf32>,
    %slice3A_1273 = vector.extract_strided_slice %get3A_1 {offsets = [98, 0], sizes = [1, 128], strides = [1, 1]} : vector<128x128xi32> to vector<1x128xi32>
    %eq3A_1274 = vector.broadcast %slice3A_1273 : vector<1x128xi32> to vector<11x128xi32>
    %eq3A_1275 = arith.cmpi eq, %eq3A_1274, %iota3A : vector<11x128xi32>
    %jit3A_1276 = arith.constant 2.500000e-01 : f32
    %jit3A_1277 = arith.constant 0.000000e+00 : f32
    %broadcast_in_dim3A_1278 = vector.broadcast %jit3A_1276 : f32 to vector<11x128xf32>
    %broadcast_in_dim3A_1279 = vector.broadcast %jit3A_1277 : f32 to vector<11x128xf32>
    %select_n3A_1280 = arith.select %eq3A_1275, %broadcast_in_dim3A_1278, %broadcast_in_dim3A_1279 : vector<11x128xi1>, vector<11x128xf32>
    %dot_general3A_1281 = arith.constant dense<0.000000e+00> : vector<128x11xf32>
    %dot_general3A_1282 = tpu.matmul %select_n3A_1280, %convert_element_type3A_4, %dot_general3A_1281 {dimension_numbers = #tpu.dot_dimension_numbers<[0], [0], [1], [1], [0, 1, 1, 1], [], []>, transpose_lhs_hint = false} : vector<11x128xf32>, vector<11x11xf32>, vector<128x11xf32> -> vector<128x11xf32>
    %swap3A_1283 = arith.constant 12544 : index
    %swap3A_1284 = arith.constant 0 : index
    %swap3A_1285 = vector.load %arg2[%swap3A_1283, %swap3A_1284] : memref<16384x11xf32, #tpu.memory_space<vmem>>, vector<128x11xf32>
    tpu.vector_store %arg2[%swap3A_1283, %swap3A_1284], %dot_general3A_1282 {strides = array<i32>} : memref<16384x11xf32, #tpu.memory_space<vmem>>, vector<128x11xf32>,
    %slice3A_1286 = vector.extract_strided_slice %get3A_1 {offsets = [99, 0], sizes = [1, 128], strides = [1, 1]} : vector<128x128xi32> to vector<1x128xi32>
    %eq3A_1287 = vector.broadcast %slice3A_1286 : vector<1x128xi32> to vector<11x128xi32>
    %eq3A_1288 = arith.cmpi eq, %eq3A_1287, %iota3A : vector<11x128xi32>
    %jit3A_1289 = arith.constant 2.500000e-01 : f32
    %jit3A_1290 = arith.constant 0.000000e+00 : f32
    %broadcast_in_dim3A_1291 = vector.broadcast %jit3A_1289 : f32 to vector<11x128xf32>
    %broadcast_in_dim3A_1292 = vector.broadcast %jit3A_1290 : f32 to vector<11x128xf32>
    %select_n3A_1293 = arith.select %eq3A_1288, %broadcast_in_dim3A_1291, %broadcast_in_dim3A_1292 : vector<11x128xi1>, vector<11x128xf32>
    %dot_general3A_1294 = arith.constant dense<0.000000e+00> : vector<128x11xf32>
    %dot_general3A_1295 = tpu.matmul %select_n3A_1293, %convert_element_type3A_4, %dot_general3A_1294 {dimension_numbers = #tpu.dot_dimension_numbers<[0], [0], [1], [1], [0, 1, 1, 1], [], []>, transpose_lhs_hint = false} : vector<11x128xf32>, vector<11x11xf32>, vector<128x11xf32> -> vector<128x11xf32>
    %swap3A_1296 = arith.constant 12672 : index
    %swap3A_1297 = arith.constant 0 : index
    %swap3A_1298 = vector.load %arg2[%swap3A_1296, %swap3A_1297] : memref<16384x11xf32, #tpu.memory_space<vmem>>, vector<128x11xf32>
    tpu.vector_store %arg2[%swap3A_1296, %swap3A_1297], %dot_general3A_1295 {strides = array<i32>} : memref<16384x11xf32, #tpu.memory_space<vmem>>, vector<128x11xf32>,
    %slice3A_1299 = vector.extract_strided_slice %get3A_1 {offsets = [100, 0], sizes = [1, 128], strides = [1, 1]} : vector<128x128xi32> to vector<1x128xi32>
    %eq3A_1300 = vector.broadcast %slice3A_1299 : vector<1x128xi32> to vector<11x128xi32>
    %eq3A_1301 = arith.cmpi eq, %eq3A_1300, %iota3A : vector<11x128xi32>
    %jit3A_1302 = arith.constant 2.500000e-01 : f32
    %jit3A_1303 = arith.constant 0.000000e+00 : f32
    %broadcast_in_dim3A_1304 = vector.broadcast %jit3A_1302 : f32 to vector<11x128xf32>
    %broadcast_in_dim3A_1305 = vector.broadcast %jit3A_1303 : f32 to vector<11x128xf32>
    %select_n3A_1306 = arith.select %eq3A_1301, %broadcast_in_dim3A_1304, %broadcast_in_dim3A_1305 : vector<11x128xi1>, vector<11x128xf32>
    %dot_general3A_1307 = arith.constant dense<0.000000e+00> : vector<128x11xf32>
    %dot_general3A_1308 = tpu.matmul %select_n3A_1306, %convert_element_type3A_4, %dot_general3A_1307 {dimension_numbers = #tpu.dot_dimension_numbers<[0], [0], [1], [1], [0, 1, 1, 1], [], []>, transpose_lhs_hint = false} : vector<11x128xf32>, vector<11x11xf32>, vector<128x11xf32> -> vector<128x11xf32>
    %swap3A_1309 = arith.constant 12800 : index
    %swap3A_1310 = arith.constant 0 : index
    %swap3A_1311 = vector.load %arg2[%swap3A_1309, %swap3A_1310] : memref<16384x11xf32, #tpu.memory_space<vmem>>, vector<128x11xf32>
    tpu.vector_store %arg2[%swap3A_1309, %swap3A_1310], %dot_general3A_1308 {strides = array<i32>} : memref<16384x11xf32, #tpu.memory_space<vmem>>, vector<128x11xf32>,
    %slice3A_1312 = vector.extract_strided_slice %get3A_1 {offsets = [101, 0], sizes = [1, 128], strides = [1, 1]} : vector<128x128xi32> to vector<1x128xi32>
    %eq3A_1313 = vector.broadcast %slice3A_1312 : vector<1x128xi32> to vector<11x128xi32>
    %eq3A_1314 = arith.cmpi eq, %eq3A_1313, %iota3A : vector<11x128xi32>
    %jit3A_1315 = arith.constant 2.500000e-01 : f32
    %jit3A_1316 = arith.constant 0.000000e+00 : f32
    %broadcast_in_dim3A_1317 = vector.broadcast %jit3A_1315 : f32 to vector<11x128xf32>
    %broadcast_in_dim3A_1318 = vector.broadcast %jit3A_1316 : f32 to vector<11x128xf32>
    %select_n3A_1319 = arith.select %eq3A_1314, %broadcast_in_dim3A_1317, %broadcast_in_dim3A_1318 : vector<11x128xi1>, vector<11x128xf32>
    %dot_general3A_1320 = arith.constant dense<0.000000e+00> : vector<128x11xf32>
    %dot_general3A_1321 = tpu.matmul %select_n3A_1319, %convert_element_type3A_4, %dot_general3A_1320 {dimension_numbers = #tpu.dot_dimension_numbers<[0], [0], [1], [1], [0, 1, 1, 1], [], []>, transpose_lhs_hint = false} : vector<11x128xf32>, vector<11x11xf32>, vector<128x11xf32> -> vector<128x11xf32>
    %swap3A_1322 = arith.constant 12928 : index
    %swap3A_1323 = arith.constant 0 : index
    %swap3A_1324 = vector.load %arg2[%swap3A_1322, %swap3A_1323] : memref<16384x11xf32, #tpu.memory_space<vmem>>, vector<128x11xf32>
    tpu.vector_store %arg2[%swap3A_1322, %swap3A_1323], %dot_general3A_1321 {strides = array<i32>} : memref<16384x11xf32, #tpu.memory_space<vmem>>, vector<128x11xf32>,
    %slice3A_1325 = vector.extract_strided_slice %get3A_1 {offsets = [102, 0], sizes = [1, 128], strides = [1, 1]} : vector<128x128xi32> to vector<1x128xi32>
    %eq3A_1326 = vector.broadcast %slice3A_1325 : vector<1x128xi32> to vector<11x128xi32>
    %eq3A_1327 = arith.cmpi eq, %eq3A_1326, %iota3A : vector<11x128xi32>
    %jit3A_1328 = arith.constant 2.500000e-01 : f32
    %jit3A_1329 = arith.constant 0.000000e+00 : f32
    %broadcast_in_dim3A_1330 = vector.broadcast %jit3A_1328 : f32 to vector<11x128xf32>
    %broadcast_in_dim3A_1331 = vector.broadcast %jit3A_1329 : f32 to vector<11x128xf32>
    %select_n3A_1332 = arith.select %eq3A_1327, %broadcast_in_dim3A_1330, %broadcast_in_dim3A_1331 : vector<11x128xi1>, vector<11x128xf32>
    %dot_general3A_1333 = arith.constant dense<0.000000e+00> : vector<128x11xf32>
    %dot_general3A_1334 = tpu.matmul %select_n3A_1332, %convert_element_type3A_4, %dot_general3A_1333 {dimension_numbers = #tpu.dot_dimension_numbers<[0], [0], [1], [1], [0, 1, 1, 1], [], []>, transpose_lhs_hint = false} : vector<11x128xf32>, vector<11x11xf32>, vector<128x11xf32> -> vector<128x11xf32>
    %swap3A_1335 = arith.constant 13056 : index
    %swap3A_1336 = arith.constant 0 : index
    %swap3A_1337 = vector.load %arg2[%swap3A_1335, %swap3A_1336] : memref<16384x11xf32, #tpu.memory_space<vmem>>, vector<128x11xf32>
    tpu.vector_store %arg2[%swap3A_1335, %swap3A_1336], %dot_general3A_1334 {strides = array<i32>} : memref<16384x11xf32, #tpu.memory_space<vmem>>, vector<128x11xf32>,
    %slice3A_1338 = vector.extract_strided_slice %get3A_1 {offsets = [103, 0], sizes = [1, 128], strides = [1, 1]} : vector<128x128xi32> to vector<1x128xi32>
    %eq3A_1339 = vector.broadcast %slice3A_1338 : vector<1x128xi32> to vector<11x128xi32>
    %eq3A_1340 = arith.cmpi eq, %eq3A_1339, %iota3A : vector<11x128xi32>
    %jit3A_1341 = arith.constant 2.500000e-01 : f32
    %jit3A_1342 = arith.constant 0.000000e+00 : f32
    %broadcast_in_dim3A_1343 = vector.broadcast %jit3A_1341 : f32 to vector<11x128xf32>
    %broadcast_in_dim3A_1344 = vector.broadcast %jit3A_1342 : f32 to vector<11x128xf32>
    %select_n3A_1345 = arith.select %eq3A_1340, %broadcast_in_dim3A_1343, %broadcast_in_dim3A_1344 : vector<11x128xi1>, vector<11x128xf32>
    %dot_general3A_1346 = arith.constant dense<0.000000e+00> : vector<128x11xf32>
    %dot_general3A_1347 = tpu.matmul %select_n3A_1345, %convert_element_type3A_4, %dot_general3A_1346 {dimension_numbers = #tpu.dot_dimension_numbers<[0], [0], [1], [1], [0, 1, 1, 1], [], []>, transpose_lhs_hint = false} : vector<11x128xf32>, vector<11x11xf32>, vector<128x11xf32> -> vector<128x11xf32>
    %swap3A_1348 = arith.constant 13184 : index
    %swap3A_1349 = arith.constant 0 : index
    %swap3A_1350 = vector.load %arg2[%swap3A_1348, %swap3A_1349] : memref<16384x11xf32, #tpu.memory_space<vmem>>, vector<128x11xf32>
    tpu.vector_store %arg2[%swap3A_1348, %swap3A_1349], %dot_general3A_1347 {strides = array<i32>} : memref<16384x11xf32, #tpu.memory_space<vmem>>, vector<128x11xf32>,
    %slice3A_1351 = vector.extract_strided_slice %get3A_1 {offsets = [104, 0], sizes = [1, 128], strides = [1, 1]} : vector<128x128xi32> to vector<1x128xi32>
    %eq3A_1352 = vector.broadcast %slice3A_1351 : vector<1x128xi32> to vector<11x128xi32>
    %eq3A_1353 = arith.cmpi eq, %eq3A_1352, %iota3A : vector<11x128xi32>
    %jit3A_1354 = arith.constant 2.500000e-01 : f32
    %jit3A_1355 = arith.constant 0.000000e+00 : f32
    %broadcast_in_dim3A_1356 = vector.broadcast %jit3A_1354 : f32 to vector<11x128xf32>
    %broadcast_in_dim3A_1357 = vector.broadcast %jit3A_1355 : f32 to vector<11x128xf32>
    %select_n3A_1358 = arith.select %eq3A_1353, %broadcast_in_dim3A_1356, %broadcast_in_dim3A_1357 : vector<11x128xi1>, vector<11x128xf32>
    %dot_general3A_1359 = arith.constant dense<0.000000e+00> : vector<128x11xf32>
    %dot_general3A_1360 = tpu.matmul %select_n3A_1358, %convert_element_type3A_4, %dot_general3A_1359 {dimension_numbers = #tpu.dot_dimension_numbers<[0], [0], [1], [1], [0, 1, 1, 1], [], []>, transpose_lhs_hint = false} : vector<11x128xf32>, vector<11x11xf32>, vector<128x11xf32> -> vector<128x11xf32>
    %swap3A_1361 = arith.constant 13312 : index
    %swap3A_1362 = arith.constant 0 : index
    %swap3A_1363 = vector.load %arg2[%swap3A_1361, %swap3A_1362] : memref<16384x11xf32, #tpu.memory_space<vmem>>, vector<128x11xf32>
    tpu.vector_store %arg2[%swap3A_1361, %swap3A_1362], %dot_general3A_1360 {strides = array<i32>} : memref<16384x11xf32, #tpu.memory_space<vmem>>, vector<128x11xf32>,
    %slice3A_1364 = vector.extract_strided_slice %get3A_1 {offsets = [105, 0], sizes = [1, 128], strides = [1, 1]} : vector<128x128xi32> to vector<1x128xi32>
    %eq3A_1365 = vector.broadcast %slice3A_1364 : vector<1x128xi32> to vector<11x128xi32>
    %eq3A_1366 = arith.cmpi eq, %eq3A_1365, %iota3A : vector<11x128xi32>
    %jit3A_1367 = arith.constant 2.500000e-01 : f32
    %jit3A_1368 = arith.constant 0.000000e+00 : f32
    %broadcast_in_dim3A_1369 = vector.broadcast %jit3A_1367 : f32 to vector<11x128xf32>
    %broadcast_in_dim3A_1370 = vector.broadcast %jit3A_1368 : f32 to vector<11x128xf32>
    %select_n3A_1371 = arith.select %eq3A_1366, %broadcast_in_dim3A_1369, %broadcast_in_dim3A_1370 : vector<11x128xi1>, vector<11x128xf32>
    %dot_general3A_1372 = arith.constant dense<0.000000e+00> : vector<128x11xf32>
    %dot_general3A_1373 = tpu.matmul %select_n3A_1371, %convert_element_type3A_4, %dot_general3A_1372 {dimension_numbers = #tpu.dot_dimension_numbers<[0], [0], [1], [1], [0, 1, 1, 1], [], []>, transpose_lhs_hint = false} : vector<11x128xf32>, vector<11x11xf32>, vector<128x11xf32> -> vector<128x11xf32>
    %swap3A_1374 = arith.constant 13440 : index
    %swap3A_1375 = arith.constant 0 : index
    %swap3A_1376 = vector.load %arg2[%swap3A_1374, %swap3A_1375] : memref<16384x11xf32, #tpu.memory_space<vmem>>, vector<128x11xf32>
    tpu.vector_store %arg2[%swap3A_1374, %swap3A_1375], %dot_general3A_1373 {strides = array<i32>} : memref<16384x11xf32, #tpu.memory_space<vmem>>, vector<128x11xf32>,
    %slice3A_1377 = vector.extract_strided_slice %get3A_1 {offsets = [106, 0], sizes = [1, 128], strides = [1, 1]} : vector<128x128xi32> to vector<1x128xi32>
    %eq3A_1378 = vector.broadcast %slice3A_1377 : vector<1x128xi32> to vector<11x128xi32>
    %eq3A_1379 = arith.cmpi eq, %eq3A_1378, %iota3A : vector<11x128xi32>
    %jit3A_1380 = arith.constant 2.500000e-01 : f32
    %jit3A_1381 = arith.constant 0.000000e+00 : f32
    %broadcast_in_dim3A_1382 = vector.broadcast %jit3A_1380 : f32 to vector<11x128xf32>
    %broadcast_in_dim3A_1383 = vector.broadcast %jit3A_1381 : f32 to vector<11x128xf32>
    %select_n3A_1384 = arith.select %eq3A_1379, %broadcast_in_dim3A_1382, %broadcast_in_dim3A_1383 : vector<11x128xi1>, vector<11x128xf32>
    %dot_general3A_1385 = arith.constant dense<0.000000e+00> : vector<128x11xf32>
    %dot_general3A_1386 = tpu.matmul %select_n3A_1384, %convert_element_type3A_4, %dot_general3A_1385 {dimension_numbers = #tpu.dot_dimension_numbers<[0], [0], [1], [1], [0, 1, 1, 1], [], []>, transpose_lhs_hint = false} : vector<11x128xf32>, vector<11x11xf32>, vector<128x11xf32> -> vector<128x11xf32>
    %swap3A_1387 = arith.constant 13568 : index
    %swap3A_1388 = arith.constant 0 : index
    %swap3A_1389 = vector.load %arg2[%swap3A_1387, %swap3A_1388] : memref<16384x11xf32, #tpu.memory_space<vmem>>, vector<128x11xf32>
    tpu.vector_store %arg2[%swap3A_1387, %swap3A_1388], %dot_general3A_1386 {strides = array<i32>} : memref<16384x11xf32, #tpu.memory_space<vmem>>, vector<128x11xf32>,
    %slice3A_1390 = vector.extract_strided_slice %get3A_1 {offsets = [107, 0], sizes = [1, 128], strides = [1, 1]} : vector<128x128xi32> to vector<1x128xi32>
    %eq3A_1391 = vector.broadcast %slice3A_1390 : vector<1x128xi32> to vector<11x128xi32>
    %eq3A_1392 = arith.cmpi eq, %eq3A_1391, %iota3A : vector<11x128xi32>
    %jit3A_1393 = arith.constant 2.500000e-01 : f32
    %jit3A_1394 = arith.constant 0.000000e+00 : f32
    %broadcast_in_dim3A_1395 = vector.broadcast %jit3A_1393 : f32 to vector<11x128xf32>
    %broadcast_in_dim3A_1396 = vector.broadcast %jit3A_1394 : f32 to vector<11x128xf32>
    %select_n3A_1397 = arith.select %eq3A_1392, %broadcast_in_dim3A_1395, %broadcast_in_dim3A_1396 : vector<11x128xi1>, vector<11x128xf32>
    %dot_general3A_1398 = arith.constant dense<0.000000e+00> : vector<128x11xf32>
    %dot_general3A_1399 = tpu.matmul %select_n3A_1397, %convert_element_type3A_4, %dot_general3A_1398 {dimension_numbers = #tpu.dot_dimension_numbers<[0], [0], [1], [1], [0, 1, 1, 1], [], []>, transpose_lhs_hint = false} : vector<11x128xf32>, vector<11x11xf32>, vector<128x11xf32> -> vector<128x11xf32>
    %swap3A_1400 = arith.constant 13696 : index
    %swap3A_1401 = arith.constant 0 : index
    %swap3A_1402 = vector.load %arg2[%swap3A_1400, %swap3A_1401] : memref<16384x11xf32, #tpu.memory_space<vmem>>, vector<128x11xf32>
    tpu.vector_store %arg2[%swap3A_1400, %swap3A_1401], %dot_general3A_1399 {strides = array<i32>} : memref<16384x11xf32, #tpu.memory_space<vmem>>, vector<128x11xf32>,
    %slice3A_1403 = vector.extract_strided_slice %get3A_1 {offsets = [108, 0], sizes = [1, 128], strides = [1, 1]} : vector<128x128xi32> to vector<1x128xi32>
    %eq3A_1404 = vector.broadcast %slice3A_1403 : vector<1x128xi32> to vector<11x128xi32>
    %eq3A_1405 = arith.cmpi eq, %eq3A_1404, %iota3A : vector<11x128xi32>
    %jit3A_1406 = arith.constant 2.500000e-01 : f32
    %jit3A_1407 = arith.constant 0.000000e+00 : f32
    %broadcast_in_dim3A_1408 = vector.broadcast %jit3A_1406 : f32 to vector<11x128xf32>
    %broadcast_in_dim3A_1409 = vector.broadcast %jit3A_1407 : f32 to vector<11x128xf32>
    %select_n3A_1410 = arith.select %eq3A_1405, %broadcast_in_dim3A_1408, %broadcast_in_dim3A_1409 : vector<11x128xi1>, vector<11x128xf32>
    %dot_general3A_1411 = arith.constant dense<0.000000e+00> : vector<128x11xf32>
    %dot_general3A_1412 = tpu.matmul %select_n3A_1410, %convert_element_type3A_4, %dot_general3A_1411 {dimension_numbers = #tpu.dot_dimension_numbers<[0], [0], [1], [1], [0, 1, 1, 1], [], []>, transpose_lhs_hint = false} : vector<11x128xf32>, vector<11x11xf32>, vector<128x11xf32> -> vector<128x11xf32>
    %swap3A_1413 = arith.constant 13824 : index
    %swap3A_1414 = arith.constant 0 : index
    %swap3A_1415 = vector.load %arg2[%swap3A_1413, %swap3A_1414] : memref<16384x11xf32, #tpu.memory_space<vmem>>, vector<128x11xf32>
    tpu.vector_store %arg2[%swap3A_1413, %swap3A_1414], %dot_general3A_1412 {strides = array<i32>} : memref<16384x11xf32, #tpu.memory_space<vmem>>, vector<128x11xf32>,
    %slice3A_1416 = vector.extract_strided_slice %get3A_1 {offsets = [109, 0], sizes = [1, 128], strides = [1, 1]} : vector<128x128xi32> to vector<1x128xi32>
    %eq3A_1417 = vector.broadcast %slice3A_1416 : vector<1x128xi32> to vector<11x128xi32>
    %eq3A_1418 = arith.cmpi eq, %eq3A_1417, %iota3A : vector<11x128xi32>
    %jit3A_1419 = arith.constant 2.500000e-01 : f32
    %jit3A_1420 = arith.constant 0.000000e+00 : f32
    %broadcast_in_dim3A_1421 = vector.broadcast %jit3A_1419 : f32 to vector<11x128xf32>
    %broadcast_in_dim3A_1422 = vector.broadcast %jit3A_1420 : f32 to vector<11x128xf32>
    %select_n3A_1423 = arith.select %eq3A_1418, %broadcast_in_dim3A_1421, %broadcast_in_dim3A_1422 : vector<11x128xi1>, vector<11x128xf32>
    %dot_general3A_1424 = arith.constant dense<0.000000e+00> : vector<128x11xf32>
    %dot_general3A_1425 = tpu.matmul %select_n3A_1423, %convert_element_type3A_4, %dot_general3A_1424 {dimension_numbers = #tpu.dot_dimension_numbers<[0], [0], [1], [1], [0, 1, 1, 1], [], []>, transpose_lhs_hint = false} : vector<11x128xf32>, vector<11x11xf32>, vector<128x11xf32> -> vector<128x11xf32>
    %swap3A_1426 = arith.constant 13952 : index
    %swap3A_1427 = arith.constant 0 : index
    %swap3A_1428 = vector.load %arg2[%swap3A_1426, %swap3A_1427] : memref<16384x11xf32, #tpu.memory_space<vmem>>, vector<128x11xf32>
    tpu.vector_store %arg2[%swap3A_1426, %swap3A_1427], %dot_general3A_1425 {strides = array<i32>} : memref<16384x11xf32, #tpu.memory_space<vmem>>, vector<128x11xf32>,
    %slice3A_1429 = vector.extract_strided_slice %get3A_1 {offsets = [110, 0], sizes = [1, 128], strides = [1, 1]} : vector<128x128xi32> to vector<1x128xi32>
    %eq3A_1430 = vector.broadcast %slice3A_1429 : vector<1x128xi32> to vector<11x128xi32>
    %eq3A_1431 = arith.cmpi eq, %eq3A_1430, %iota3A : vector<11x128xi32>
    %jit3A_1432 = arith.constant 2.500000e-01 : f32
    %jit3A_1433 = arith.constant 0.000000e+00 : f32
    %broadcast_in_dim3A_1434 = vector.broadcast %jit3A_1432 : f32 to vector<11x128xf32>
    %broadcast_in_dim3A_1435 = vector.broadcast %jit3A_1433 : f32 to vector<11x128xf32>
    %select_n3A_1436 = arith.select %eq3A_1431, %broadcast_in_dim3A_1434, %broadcast_in_dim3A_1435 : vector<11x128xi1>, vector<11x128xf32>
    %dot_general3A_1437 = arith.constant dense<0.000000e+00> : vector<128x11xf32>
    %dot_general3A_1438 = tpu.matmul %select_n3A_1436, %convert_element_type3A_4, %dot_general3A_1437 {dimension_numbers = #tpu.dot_dimension_numbers<[0], [0], [1], [1], [0, 1, 1, 1], [], []>, transpose_lhs_hint = false} : vector<11x128xf32>, vector<11x11xf32>, vector<128x11xf32> -> vector<128x11xf32>
    %swap3A_1439 = arith.constant 14080 : index
    %swap3A_1440 = arith.constant 0 : index
    %swap3A_1441 = vector.load %arg2[%swap3A_1439, %swap3A_1440] : memref<16384x11xf32, #tpu.memory_space<vmem>>, vector<128x11xf32>
    tpu.vector_store %arg2[%swap3A_1439, %swap3A_1440], %dot_general3A_1438 {strides = array<i32>} : memref<16384x11xf32, #tpu.memory_space<vmem>>, vector<128x11xf32>,
    %slice3A_1442 = vector.extract_strided_slice %get3A_1 {offsets = [111, 0], sizes = [1, 128], strides = [1, 1]} : vector<128x128xi32> to vector<1x128xi32>
    %eq3A_1443 = vector.broadcast %slice3A_1442 : vector<1x128xi32> to vector<11x128xi32>
    %eq3A_1444 = arith.cmpi eq, %eq3A_1443, %iota3A : vector<11x128xi32>
    %jit3A_1445 = arith.constant 2.500000e-01 : f32
    %jit3A_1446 = arith.constant 0.000000e+00 : f32
    %broadcast_in_dim3A_1447 = vector.broadcast %jit3A_1445 : f32 to vector<11x128xf32>
    %broadcast_in_dim3A_1448 = vector.broadcast %jit3A_1446 : f32 to vector<11x128xf32>
    %select_n3A_1449 = arith.select %eq3A_1444, %broadcast_in_dim3A_1447, %broadcast_in_dim3A_1448 : vector<11x128xi1>, vector<11x128xf32>
    %dot_general3A_1450 = arith.constant dense<0.000000e+00> : vector<128x11xf32>
    %dot_general3A_1451 = tpu.matmul %select_n3A_1449, %convert_element_type3A_4, %dot_general3A_1450 {dimension_numbers = #tpu.dot_dimension_numbers<[0], [0], [1], [1], [0, 1, 1, 1], [], []>, transpose_lhs_hint = false} : vector<11x128xf32>, vector<11x11xf32>, vector<128x11xf32> -> vector<128x11xf32>
    %swap3A_1452 = arith.constant 14208 : index
    %swap3A_1453 = arith.constant 0 : index
    %swap3A_1454 = vector.load %arg2[%swap3A_1452, %swap3A_1453] : memref<16384x11xf32, #tpu.memory_space<vmem>>, vector<128x11xf32>
    tpu.vector_store %arg2[%swap3A_1452, %swap3A_1453], %dot_general3A_1451 {strides = array<i32>} : memref<16384x11xf32, #tpu.memory_space<vmem>>, vector<128x11xf32>,
    %slice3A_1455 = vector.extract_strided_slice %get3A_1 {offsets = [112, 0], sizes = [1, 128], strides = [1, 1]} : vector<128x128xi32> to vector<1x128xi32>
    %eq3A_1456 = vector.broadcast %slice3A_1455 : vector<1x128xi32> to vector<11x128xi32>
    %eq3A_1457 = arith.cmpi eq, %eq3A_1456, %iota3A : vector<11x128xi32>
    %jit3A_1458 = arith.constant 2.500000e-01 : f32
    %jit3A_1459 = arith.constant 0.000000e+00 : f32
    %broadcast_in_dim3A_1460 = vector.broadcast %jit3A_1458 : f32 to vector<11x128xf32>
    %broadcast_in_dim3A_1461 = vector.broadcast %jit3A_1459 : f32 to vector<11x128xf32>
    %select_n3A_1462 = arith.select %eq3A_1457, %broadcast_in_dim3A_1460, %broadcast_in_dim3A_1461 : vector<11x128xi1>, vector<11x128xf32>
    %dot_general3A_1463 = arith.constant dense<0.000000e+00> : vector<128x11xf32>
    %dot_general3A_1464 = tpu.matmul %select_n3A_1462, %convert_element_type3A_4, %dot_general3A_1463 {dimension_numbers = #tpu.dot_dimension_numbers<[0], [0], [1], [1], [0, 1, 1, 1], [], []>, transpose_lhs_hint = false} : vector<11x128xf32>, vector<11x11xf32>, vector<128x11xf32> -> vector<128x11xf32>
    %swap3A_1465 = arith.constant 14336 : index
    %swap3A_1466 = arith.constant 0 : index
    %swap3A_1467 = vector.load %arg2[%swap3A_1465, %swap3A_1466] : memref<16384x11xf32, #tpu.memory_space<vmem>>, vector<128x11xf32>
    tpu.vector_store %arg2[%swap3A_1465, %swap3A_1466], %dot_general3A_1464 {strides = array<i32>} : memref<16384x11xf32, #tpu.memory_space<vmem>>, vector<128x11xf32>,
    %slice3A_1468 = vector.extract_strided_slice %get3A_1 {offsets = [113, 0], sizes = [1, 128], strides = [1, 1]} : vector<128x128xi32> to vector<1x128xi32>
    %eq3A_1469 = vector.broadcast %slice3A_1468 : vector<1x128xi32> to vector<11x128xi32>
    %eq3A_1470 = arith.cmpi eq, %eq3A_1469, %iota3A : vector<11x128xi32>
    %jit3A_1471 = arith.constant 2.500000e-01 : f32
    %jit3A_1472 = arith.constant 0.000000e+00 : f32
    %broadcast_in_dim3A_1473 = vector.broadcast %jit3A_1471 : f32 to vector<11x128xf32>
    %broadcast_in_dim3A_1474 = vector.broadcast %jit3A_1472 : f32 to vector<11x128xf32>
    %select_n3A_1475 = arith.select %eq3A_1470, %broadcast_in_dim3A_1473, %broadcast_in_dim3A_1474 : vector<11x128xi1>, vector<11x128xf32>
    %dot_general3A_1476 = arith.constant dense<0.000000e+00> : vector<128x11xf32>
    %dot_general3A_1477 = tpu.matmul %select_n3A_1475, %convert_element_type3A_4, %dot_general3A_1476 {dimension_numbers = #tpu.dot_dimension_numbers<[0], [0], [1], [1], [0, 1, 1, 1], [], []>, transpose_lhs_hint = false} : vector<11x128xf32>, vector<11x11xf32>, vector<128x11xf32> -> vector<128x11xf32>
    %swap3A_1478 = arith.constant 14464 : index
    %swap3A_1479 = arith.constant 0 : index
    %swap3A_1480 = vector.load %arg2[%swap3A_1478, %swap3A_1479] : memref<16384x11xf32, #tpu.memory_space<vmem>>, vector<128x11xf32>
    tpu.vector_store %arg2[%swap3A_1478, %swap3A_1479], %dot_general3A_1477 {strides = array<i32>} : memref<16384x11xf32, #tpu.memory_space<vmem>>, vector<128x11xf32>,
    %slice3A_1481 = vector.extract_strided_slice %get3A_1 {offsets = [114, 0], sizes = [1, 128], strides = [1, 1]} : vector<128x128xi32> to vector<1x128xi32>
    %eq3A_1482 = vector.broadcast %slice3A_1481 : vector<1x128xi32> to vector<11x128xi32>
    %eq3A_1483 = arith.cmpi eq, %eq3A_1482, %iota3A : vector<11x128xi32>
    %jit3A_1484 = arith.constant 2.500000e-01 : f32
    %jit3A_1485 = arith.constant 0.000000e+00 : f32
    %broadcast_in_dim3A_1486 = vector.broadcast %jit3A_1484 : f32 to vector<11x128xf32>
    %broadcast_in_dim3A_1487 = vector.broadcast %jit3A_1485 : f32 to vector<11x128xf32>
    %select_n3A_1488 = arith.select %eq3A_1483, %broadcast_in_dim3A_1486, %broadcast_in_dim3A_1487 : vector<11x128xi1>, vector<11x128xf32>
    %dot_general3A_1489 = arith.constant dense<0.000000e+00> : vector<128x11xf32>
    %dot_general3A_1490 = tpu.matmul %select_n3A_1488, %convert_element_type3A_4, %dot_general3A_1489 {dimension_numbers = #tpu.dot_dimension_numbers<[0], [0], [1], [1], [0, 1, 1, 1], [], []>, transpose_lhs_hint = false} : vector<11x128xf32>, vector<11x11xf32>, vector<128x11xf32> -> vector<128x11xf32>
    %swap3A_1491 = arith.constant 14592 : index
    %swap3A_1492 = arith.constant 0 : index
    %swap3A_1493 = vector.load %arg2[%swap3A_1491, %swap3A_1492] : memref<16384x11xf32, #tpu.memory_space<vmem>>, vector<128x11xf32>
    tpu.vector_store %arg2[%swap3A_1491, %swap3A_1492], %dot_general3A_1490 {strides = array<i32>} : memref<16384x11xf32, #tpu.memory_space<vmem>>, vector<128x11xf32>,
    %slice3A_1494 = vector.extract_strided_slice %get3A_1 {offsets = [115, 0], sizes = [1, 128], strides = [1, 1]} : vector<128x128xi32> to vector<1x128xi32>
    %eq3A_1495 = vector.broadcast %slice3A_1494 : vector<1x128xi32> to vector<11x128xi32>
    %eq3A_1496 = arith.cmpi eq, %eq3A_1495, %iota3A : vector<11x128xi32>
    %jit3A_1497 = arith.constant 2.500000e-01 : f32
    %jit3A_1498 = arith.constant 0.000000e+00 : f32
    %broadcast_in_dim3A_1499 = vector.broadcast %jit3A_1497 : f32 to vector<11x128xf32>
    %broadcast_in_dim3A_1500 = vector.broadcast %jit3A_1498 : f32 to vector<11x128xf32>
    %select_n3A_1501 = arith.select %eq3A_1496, %broadcast_in_dim3A_1499, %broadcast_in_dim3A_1500 : vector<11x128xi1>, vector<11x128xf32>
    %dot_general3A_1502 = arith.constant dense<0.000000e+00> : vector<128x11xf32>
    %dot_general3A_1503 = tpu.matmul %select_n3A_1501, %convert_element_type3A_4, %dot_general3A_1502 {dimension_numbers = #tpu.dot_dimension_numbers<[0], [0], [1], [1], [0, 1, 1, 1], [], []>, transpose_lhs_hint = false} : vector<11x128xf32>, vector<11x11xf32>, vector<128x11xf32> -> vector<128x11xf32>
    %swap3A_1504 = arith.constant 14720 : index
    %swap3A_1505 = arith.constant 0 : index
    %swap3A_1506 = vector.load %arg2[%swap3A_1504, %swap3A_1505] : memref<16384x11xf32, #tpu.memory_space<vmem>>, vector<128x11xf32>
    tpu.vector_store %arg2[%swap3A_1504, %swap3A_1505], %dot_general3A_1503 {strides = array<i32>} : memref<16384x11xf32, #tpu.memory_space<vmem>>, vector<128x11xf32>,
    %slice3A_1507 = vector.extract_strided_slice %get3A_1 {offsets = [116, 0], sizes = [1, 128], strides = [1, 1]} : vector<128x128xi32> to vector<1x128xi32>
    %eq3A_1508 = vector.broadcast %slice3A_1507 : vector<1x128xi32> to vector<11x128xi32>
    %eq3A_1509 = arith.cmpi eq, %eq3A_1508, %iota3A : vector<11x128xi32>
    %jit3A_1510 = arith.constant 2.500000e-01 : f32
    %jit3A_1511 = arith.constant 0.000000e+00 : f32
    %broadcast_in_dim3A_1512 = vector.broadcast %jit3A_1510 : f32 to vector<11x128xf32>
    %broadcast_in_dim3A_1513 = vector.broadcast %jit3A_1511 : f32 to vector<11x128xf32>
    %select_n3A_1514 = arith.select %eq3A_1509, %broadcast_in_dim3A_1512, %broadcast_in_dim3A_1513 : vector<11x128xi1>, vector<11x128xf32>
    %dot_general3A_1515 = arith.constant dense<0.000000e+00> : vector<128x11xf32>
    %dot_general3A_1516 = tpu.matmul %select_n3A_1514, %convert_element_type3A_4, %dot_general3A_1515 {dimension_numbers = #tpu.dot_dimension_numbers<[0], [0], [1], [1], [0, 1, 1, 1], [], []>, transpose_lhs_hint = false} : vector<11x128xf32>, vector<11x11xf32>, vector<128x11xf32> -> vector<128x11xf32>
    %swap3A_1517 = arith.constant 14848 : index
    %swap3A_1518 = arith.constant 0 : index
    %swap3A_1519 = vector.load %arg2[%swap3A_1517, %swap3A_1518] : memref<16384x11xf32, #tpu.memory_space<vmem>>, vector<128x11xf32>
    tpu.vector_store %arg2[%swap3A_1517, %swap3A_1518], %dot_general3A_1516 {strides = array<i32>} : memref<16384x11xf32, #tpu.memory_space<vmem>>, vector<128x11xf32>,
    %slice3A_1520 = vector.extract_strided_slice %get3A_1 {offsets = [117, 0], sizes = [1, 128], strides = [1, 1]} : vector<128x128xi32> to vector<1x128xi32>
    %eq3A_1521 = vector.broadcast %slice3A_1520 : vector<1x128xi32> to vector<11x128xi32>
    %eq3A_1522 = arith.cmpi eq, %eq3A_1521, %iota3A : vector<11x128xi32>
    %jit3A_1523 = arith.constant 2.500000e-01 : f32
    %jit3A_1524 = arith.constant 0.000000e+00 : f32
    %broadcast_in_dim3A_1525 = vector.broadcast %jit3A_1523 : f32 to vector<11x128xf32>
    %broadcast_in_dim3A_1526 = vector.broadcast %jit3A_1524 : f32 to vector<11x128xf32>
    %select_n3A_1527 = arith.select %eq3A_1522, %broadcast_in_dim3A_1525, %broadcast_in_dim3A_1526 : vector<11x128xi1>, vector<11x128xf32>
    %dot_general3A_1528 = arith.constant dense<0.000000e+00> : vector<128x11xf32>
    %dot_general3A_1529 = tpu.matmul %select_n3A_1527, %convert_element_type3A_4, %dot_general3A_1528 {dimension_numbers = #tpu.dot_dimension_numbers<[0], [0], [1], [1], [0, 1, 1, 1], [], []>, transpose_lhs_hint = false} : vector<11x128xf32>, vector<11x11xf32>, vector<128x11xf32> -> vector<128x11xf32>
    %swap3A_1530 = arith.constant 14976 : index
    %swap3A_1531 = arith.constant 0 : index
    %swap3A_1532 = vector.load %arg2[%swap3A_1530, %swap3A_1531] : memref<16384x11xf32, #tpu.memory_space<vmem>>, vector<128x11xf32>
    tpu.vector_store %arg2[%swap3A_1530, %swap3A_1531], %dot_general3A_1529 {strides = array<i32>} : memref<16384x11xf32, #tpu.memory_space<vmem>>, vector<128x11xf32>,
    %slice3A_1533 = vector.extract_strided_slice %get3A_1 {offsets = [118, 0], sizes = [1, 128], strides = [1, 1]} : vector<128x128xi32> to vector<1x128xi32>
    %eq3A_1534 = vector.broadcast %slice3A_1533 : vector<1x128xi32> to vector<11x128xi32>
    %eq3A_1535 = arith.cmpi eq, %eq3A_1534, %iota3A : vector<11x128xi32>
    %jit3A_1536 = arith.constant 2.500000e-01 : f32
    %jit3A_1537 = arith.constant 0.000000e+00 : f32
    %broadcast_in_dim3A_1538 = vector.broadcast %jit3A_1536 : f32 to vector<11x128xf32>
    %broadcast_in_dim3A_1539 = vector.broadcast %jit3A_1537 : f32 to vector<11x128xf32>
    %select_n3A_1540 = arith.select %eq3A_1535, %broadcast_in_dim3A_1538, %broadcast_in_dim3A_1539 : vector<11x128xi1>, vector<11x128xf32>
    %dot_general3A_1541 = arith.constant dense<0.000000e+00> : vector<128x11xf32>
    %dot_general3A_1542 = tpu.matmul %select_n3A_1540, %convert_element_type3A_4, %dot_general3A_1541 {dimension_numbers = #tpu.dot_dimension_numbers<[0], [0], [1], [1], [0, 1, 1, 1], [], []>, transpose_lhs_hint = false} : vector<11x128xf32>, vector<11x11xf32>, vector<128x11xf32> -> vector<128x11xf32>
    %swap3A_1543 = arith.constant 15104 : index
    %swap3A_1544 = arith.constant 0 : index
    %swap3A_1545 = vector.load %arg2[%swap3A_1543, %swap3A_1544] : memref<16384x11xf32, #tpu.memory_space<vmem>>, vector<128x11xf32>
    tpu.vector_store %arg2[%swap3A_1543, %swap3A_1544], %dot_general3A_1542 {strides = array<i32>} : memref<16384x11xf32, #tpu.memory_space<vmem>>, vector<128x11xf32>,
    %slice3A_1546 = vector.extract_strided_slice %get3A_1 {offsets = [119, 0], sizes = [1, 128], strides = [1, 1]} : vector<128x128xi32> to vector<1x128xi32>
    %eq3A_1547 = vector.broadcast %slice3A_1546 : vector<1x128xi32> to vector<11x128xi32>
    %eq3A_1548 = arith.cmpi eq, %eq3A_1547, %iota3A : vector<11x128xi32>
    %jit3A_1549 = arith.constant 2.500000e-01 : f32
    %jit3A_1550 = arith.constant 0.000000e+00 : f32
    %broadcast_in_dim3A_1551 = vector.broadcast %jit3A_1549 : f32 to vector<11x128xf32>
    %broadcast_in_dim3A_1552 = vector.broadcast %jit3A_1550 : f32 to vector<11x128xf32>
    %select_n3A_1553 = arith.select %eq3A_1548, %broadcast_in_dim3A_1551, %broadcast_in_dim3A_1552 : vector<11x128xi1>, vector<11x128xf32>
    %dot_general3A_1554 = arith.constant dense<0.000000e+00> : vector<128x11xf32>
    %dot_general3A_1555 = tpu.matmul %select_n3A_1553, %convert_element_type3A_4, %dot_general3A_1554 {dimension_numbers = #tpu.dot_dimension_numbers<[0], [0], [1], [1], [0, 1, 1, 1], [], []>, transpose_lhs_hint = false} : vector<11x128xf32>, vector<11x11xf32>, vector<128x11xf32> -> vector<128x11xf32>
    %swap3A_1556 = arith.constant 15232 : index
    %swap3A_1557 = arith.constant 0 : index
    %swap3A_1558 = vector.load %arg2[%swap3A_1556, %swap3A_1557] : memref<16384x11xf32, #tpu.memory_space<vmem>>, vector<128x11xf32>
    tpu.vector_store %arg2[%swap3A_1556, %swap3A_1557], %dot_general3A_1555 {strides = array<i32>} : memref<16384x11xf32, #tpu.memory_space<vmem>>, vector<128x11xf32>,
    %slice3A_1559 = vector.extract_strided_slice %get3A_1 {offsets = [120, 0], sizes = [1, 128], strides = [1, 1]} : vector<128x128xi32> to vector<1x128xi32>
    %eq3A_1560 = vector.broadcast %slice3A_1559 : vector<1x128xi32> to vector<11x128xi32>
    %eq3A_1561 = arith.cmpi eq, %eq3A_1560, %iota3A : vector<11x128xi32>
    %jit3A_1562 = arith.constant 2.500000e-01 : f32
    %jit3A_1563 = arith.constant 0.000000e+00 : f32
    %broadcast_in_dim3A_1564 = vector.broadcast %jit3A_1562 : f32 to vector<11x128xf32>
    %broadcast_in_dim3A_1565 = vector.broadcast %jit3A_1563 : f32 to vector<11x128xf32>
    %select_n3A_1566 = arith.select %eq3A_1561, %broadcast_in_dim3A_1564, %broadcast_in_dim3A_1565 : vector<11x128xi1>, vector<11x128xf32>
    %dot_general3A_1567 = arith.constant dense<0.000000e+00> : vector<128x11xf32>
    %dot_general3A_1568 = tpu.matmul %select_n3A_1566, %convert_element_type3A_4, %dot_general3A_1567 {dimension_numbers = #tpu.dot_dimension_numbers<[0], [0], [1], [1], [0, 1, 1, 1], [], []>, transpose_lhs_hint = false} : vector<11x128xf32>, vector<11x11xf32>, vector<128x11xf32> -> vector<128x11xf32>
    %swap3A_1569 = arith.constant 15360 : index
    %swap3A_1570 = arith.constant 0 : index
    %swap3A_1571 = vector.load %arg2[%swap3A_1569, %swap3A_1570] : memref<16384x11xf32, #tpu.memory_space<vmem>>, vector<128x11xf32>
    tpu.vector_store %arg2[%swap3A_1569, %swap3A_1570], %dot_general3A_1568 {strides = array<i32>} : memref<16384x11xf32, #tpu.memory_space<vmem>>, vector<128x11xf32>,
    %slice3A_1572 = vector.extract_strided_slice %get3A_1 {offsets = [121, 0], sizes = [1, 128], strides = [1, 1]} : vector<128x128xi32> to vector<1x128xi32>
    %eq3A_1573 = vector.broadcast %slice3A_1572 : vector<1x128xi32> to vector<11x128xi32>
    %eq3A_1574 = arith.cmpi eq, %eq3A_1573, %iota3A : vector<11x128xi32>
    %jit3A_1575 = arith.constant 2.500000e-01 : f32
    %jit3A_1576 = arith.constant 0.000000e+00 : f32
    %broadcast_in_dim3A_1577 = vector.broadcast %jit3A_1575 : f32 to vector<11x128xf32>
    %broadcast_in_dim3A_1578 = vector.broadcast %jit3A_1576 : f32 to vector<11x128xf32>
    %select_n3A_1579 = arith.select %eq3A_1574, %broadcast_in_dim3A_1577, %broadcast_in_dim3A_1578 : vector<11x128xi1>, vector<11x128xf32>
    %dot_general3A_1580 = arith.constant dense<0.000000e+00> : vector<128x11xf32>
    %dot_general3A_1581 = tpu.matmul %select_n3A_1579, %convert_element_type3A_4, %dot_general3A_1580 {dimension_numbers = #tpu.dot_dimension_numbers<[0], [0], [1], [1], [0, 1, 1, 1], [], []>, transpose_lhs_hint = false} : vector<11x128xf32>, vector<11x11xf32>, vector<128x11xf32> -> vector<128x11xf32>
    %swap3A_1582 = arith.constant 15488 : index
    %swap3A_1583 = arith.constant 0 : index
    %swap3A_1584 = vector.load %arg2[%swap3A_1582, %swap3A_1583] : memref<16384x11xf32, #tpu.memory_space<vmem>>, vector<128x11xf32>
    tpu.vector_store %arg2[%swap3A_1582, %swap3A_1583], %dot_general3A_1581 {strides = array<i32>} : memref<16384x11xf32, #tpu.memory_space<vmem>>, vector<128x11xf32>,
    %slice3A_1585 = vector.extract_strided_slice %get3A_1 {offsets = [122, 0], sizes = [1, 128], strides = [1, 1]} : vector<128x128xi32> to vector<1x128xi32>
    %eq3A_1586 = vector.broadcast %slice3A_1585 : vector<1x128xi32> to vector<11x128xi32>
    %eq3A_1587 = arith.cmpi eq, %eq3A_1586, %iota3A : vector<11x128xi32>
    %jit3A_1588 = arith.constant 2.500000e-01 : f32
    %jit3A_1589 = arith.constant 0.000000e+00 : f32
    %broadcast_in_dim3A_1590 = vector.broadcast %jit3A_1588 : f32 to vector<11x128xf32>
    %broadcast_in_dim3A_1591 = vector.broadcast %jit3A_1589 : f32 to vector<11x128xf32>
    %select_n3A_1592 = arith.select %eq3A_1587, %broadcast_in_dim3A_1590, %broadcast_in_dim3A_1591 : vector<11x128xi1>, vector<11x128xf32>
    %dot_general3A_1593 = arith.constant dense<0.000000e+00> : vector<128x11xf32>
    %dot_general3A_1594 = tpu.matmul %select_n3A_1592, %convert_element_type3A_4, %dot_general3A_1593 {dimension_numbers = #tpu.dot_dimension_numbers<[0], [0], [1], [1], [0, 1, 1, 1], [], []>, transpose_lhs_hint = false} : vector<11x128xf32>, vector<11x11xf32>, vector<128x11xf32> -> vector<128x11xf32>
    %swap3A_1595 = arith.constant 15616 : index
    %swap3A_1596 = arith.constant 0 : index
    %swap3A_1597 = vector.load %arg2[%swap3A_1595, %swap3A_1596] : memref<16384x11xf32, #tpu.memory_space<vmem>>, vector<128x11xf32>
    tpu.vector_store %arg2[%swap3A_1595, %swap3A_1596], %dot_general3A_1594 {strides = array<i32>} : memref<16384x11xf32, #tpu.memory_space<vmem>>, vector<128x11xf32>,
    %slice3A_1598 = vector.extract_strided_slice %get3A_1 {offsets = [123, 0], sizes = [1, 128], strides = [1, 1]} : vector<128x128xi32> to vector<1x128xi32>
    %eq3A_1599 = vector.broadcast %slice3A_1598 : vector<1x128xi32> to vector<11x128xi32>
    %eq3A_1600 = arith.cmpi eq, %eq3A_1599, %iota3A : vector<11x128xi32>
    %jit3A_1601 = arith.constant 2.500000e-01 : f32
    %jit3A_1602 = arith.constant 0.000000e+00 : f32
    %broadcast_in_dim3A_1603 = vector.broadcast %jit3A_1601 : f32 to vector<11x128xf32>
    %broadcast_in_dim3A_1604 = vector.broadcast %jit3A_1602 : f32 to vector<11x128xf32>
    %select_n3A_1605 = arith.select %eq3A_1600, %broadcast_in_dim3A_1603, %broadcast_in_dim3A_1604 : vector<11x128xi1>, vector<11x128xf32>
    %dot_general3A_1606 = arith.constant dense<0.000000e+00> : vector<128x11xf32>
    %dot_general3A_1607 = tpu.matmul %select_n3A_1605, %convert_element_type3A_4, %dot_general3A_1606 {dimension_numbers = #tpu.dot_dimension_numbers<[0], [0], [1], [1], [0, 1, 1, 1], [], []>, transpose_lhs_hint = false} : vector<11x128xf32>, vector<11x11xf32>, vector<128x11xf32> -> vector<128x11xf32>
    %swap3A_1608 = arith.constant 15744 : index
    %swap3A_1609 = arith.constant 0 : index
    %swap3A_1610 = vector.load %arg2[%swap3A_1608, %swap3A_1609] : memref<16384x11xf32, #tpu.memory_space<vmem>>, vector<128x11xf32>
    tpu.vector_store %arg2[%swap3A_1608, %swap3A_1609], %dot_general3A_1607 {strides = array<i32>} : memref<16384x11xf32, #tpu.memory_space<vmem>>, vector<128x11xf32>,
    %slice3A_1611 = vector.extract_strided_slice %get3A_1 {offsets = [124, 0], sizes = [1, 128], strides = [1, 1]} : vector<128x128xi32> to vector<1x128xi32>
    %eq3A_1612 = vector.broadcast %slice3A_1611 : vector<1x128xi32> to vector<11x128xi32>
    %eq3A_1613 = arith.cmpi eq, %eq3A_1612, %iota3A : vector<11x128xi32>
    %jit3A_1614 = arith.constant 2.500000e-01 : f32
    %jit3A_1615 = arith.constant 0.000000e+00 : f32
    %broadcast_in_dim3A_1616 = vector.broadcast %jit3A_1614 : f32 to vector<11x128xf32>
    %broadcast_in_dim3A_1617 = vector.broadcast %jit3A_1615 : f32 to vector<11x128xf32>
    %select_n3A_1618 = arith.select %eq3A_1613, %broadcast_in_dim3A_1616, %broadcast_in_dim3A_1617 : vector<11x128xi1>, vector<11x128xf32>
    %dot_general3A_1619 = arith.constant dense<0.000000e+00> : vector<128x11xf32>
    %dot_general3A_1620 = tpu.matmul %select_n3A_1618, %convert_element_type3A_4, %dot_general3A_1619 {dimension_numbers = #tpu.dot_dimension_numbers<[0], [0], [1], [1], [0, 1, 1, 1], [], []>, transpose_lhs_hint = false} : vector<11x128xf32>, vector<11x11xf32>, vector<128x11xf32> -> vector<128x11xf32>
    %swap3A_1621 = arith.constant 15872 : index
    %swap3A_1622 = arith.constant 0 : index
    %swap3A_1623 = vector.load %arg2[%swap3A_1621, %swap3A_1622] : memref<16384x11xf32, #tpu.memory_space<vmem>>, vector<128x11xf32>
    tpu.vector_store %arg2[%swap3A_1621, %swap3A_1622], %dot_general3A_1620 {strides = array<i32>} : memref<16384x11xf32, #tpu.memory_space<vmem>>, vector<128x11xf32>,
    %slice3A_1624 = vector.extract_strided_slice %get3A_1 {offsets = [125, 0], sizes = [1, 128], strides = [1, 1]} : vector<128x128xi32> to vector<1x128xi32>
    %eq3A_1625 = vector.broadcast %slice3A_1624 : vector<1x128xi32> to vector<11x128xi32>
    %eq3A_1626 = arith.cmpi eq, %eq3A_1625, %iota3A : vector<11x128xi32>
    %jit3A_1627 = arith.constant 2.500000e-01 : f32
    %jit3A_1628 = arith.constant 0.000000e+00 : f32
    %broadcast_in_dim3A_1629 = vector.broadcast %jit3A_1627 : f32 to vector<11x128xf32>
    %broadcast_in_dim3A_1630 = vector.broadcast %jit3A_1628 : f32 to vector<11x128xf32>
    %select_n3A_1631 = arith.select %eq3A_1626, %broadcast_in_dim3A_1629, %broadcast_in_dim3A_1630 : vector<11x128xi1>, vector<11x128xf32>
    %dot_general3A_1632 = arith.constant dense<0.000000e+00> : vector<128x11xf32>
    %dot_general3A_1633 = tpu.matmul %select_n3A_1631, %convert_element_type3A_4, %dot_general3A_1632 {dimension_numbers = #tpu.dot_dimension_numbers<[0], [0], [1], [1], [0, 1, 1, 1], [], []>, transpose_lhs_hint = false} : vector<11x128xf32>, vector<11x11xf32>, vector<128x11xf32> -> vector<128x11xf32>
    %swap3A_1634 = arith.constant 16000 : index
    %swap3A_1635 = arith.constant 0 : index
    %swap3A_1636 = vector.load %arg2[%swap3A_1634, %swap3A_1635] : memref<16384x11xf32, #tpu.memory_space<vmem>>, vector<128x11xf32>
    tpu.vector_store %arg2[%swap3A_1634, %swap3A_1635], %dot_general3A_1633 {strides = array<i32>} : memref<16384x11xf32, #tpu.memory_space<vmem>>, vector<128x11xf32>,
    %slice3A_1637 = vector.extract_strided_slice %get3A_1 {offsets = [126, 0], sizes = [1, 128], strides = [1, 1]} : vector<128x128xi32> to vector<1x128xi32>
    %eq3A_1638 = vector.broadcast %slice3A_1637 : vector<1x128xi32> to vector<11x128xi32>
    %eq3A_1639 = arith.cmpi eq, %eq3A_1638, %iota3A : vector<11x128xi32>
    %jit3A_1640 = arith.constant 2.500000e-01 : f32
    %jit3A_1641 = arith.constant 0.000000e+00 : f32
    %broadcast_in_dim3A_1642 = vector.broadcast %jit3A_1640 : f32 to vector<11x128xf32>
    %broadcast_in_dim3A_1643 = vector.broadcast %jit3A_1641 : f32 to vector<11x128xf32>
    %select_n3A_1644 = arith.select %eq3A_1639, %broadcast_in_dim3A_1642, %broadcast_in_dim3A_1643 : vector<11x128xi1>, vector<11x128xf32>
    %dot_general3A_1645 = arith.constant dense<0.000000e+00> : vector<128x11xf32>
    %dot_general3A_1646 = tpu.matmul %select_n3A_1644, %convert_element_type3A_4, %dot_general3A_1645 {dimension_numbers = #tpu.dot_dimension_numbers<[0], [0], [1], [1], [0, 1, 1, 1], [], []>, transpose_lhs_hint = false} : vector<11x128xf32>, vector<11x11xf32>, vector<128x11xf32> -> vector<128x11xf32>
    %swap3A_1647 = arith.constant 16128 : index
    %swap3A_1648 = arith.constant 0 : index
    %swap3A_1649 = vector.load %arg2[%swap3A_1647, %swap3A_1648] : memref<16384x11xf32, #tpu.memory_space<vmem>>, vector<128x11xf32>
    tpu.vector_store %arg2[%swap3A_1647, %swap3A_1648], %dot_general3A_1646 {strides = array<i32>} : memref<16384x11xf32, #tpu.memory_space<vmem>>, vector<128x11xf32>,
    %slice3A_1650 = vector.extract_strided_slice %get3A_1 {offsets = [127, 0], sizes = [1, 128], strides = [1, 1]} : vector<128x128xi32> to vector<1x128xi32>
    %eq3A_1651 = vector.broadcast %slice3A_1650 : vector<1x128xi32> to vector<11x128xi32>
    %eq3A_1652 = arith.cmpi eq, %eq3A_1651, %iota3A : vector<11x128xi32>
    %jit3A_1653 = arith.constant 2.500000e-01 : f32
    %jit3A_1654 = arith.constant 0.000000e+00 : f32
    %broadcast_in_dim3A_1655 = vector.broadcast %jit3A_1653 : f32 to vector<11x128xf32>
    %broadcast_in_dim3A_1656 = vector.broadcast %jit3A_1654 : f32 to vector<11x128xf32>
    %select_n3A_1657 = arith.select %eq3A_1652, %broadcast_in_dim3A_1655, %broadcast_in_dim3A_1656 : vector<11x128xi1>, vector<11x128xf32>
    %dot_general3A_1658 = arith.constant dense<0.000000e+00> : vector<128x11xf32>
    %dot_general3A_1659 = tpu.matmul %select_n3A_1657, %convert_element_type3A_4, %dot_general3A_1658 {dimension_numbers = #tpu.dot_dimension_numbers<[0], [0], [1], [1], [0, 1, 1, 1], [], []>, transpose_lhs_hint = false} : vector<11x128xf32>, vector<11x11xf32>, vector<128x11xf32> -> vector<128x11xf32>
    %swap3A_1660 = arith.constant 16256 : index
    %swap3A_1661 = arith.constant 0 : index
    %swap3A_1662 = vector.load %arg2[%swap3A_1660, %swap3A_1661] : memref<16384x11xf32, #tpu.memory_space<vmem>>, vector<128x11xf32>
    tpu.vector_store %arg2[%swap3A_1660, %swap3A_1661], %dot_general3A_1659 {strides = array<i32>} : memref<16384x11xf32, #tpu.memory_space<vmem>>, vector<128x11xf32>,
    return
  }
  func.func @transform_0(%arg0: i32) -> (i32, i32) {
    %c0_i32 = arith.constant 0 : i32
    %c0_i32_0 = arith.constant 0 : i32
    return %arg0, %c0_i32 : i32, i32
  }
  func.func @transform_1(%arg0: i32) -> (i32, i32) {
    %c0_i32 = arith.constant 0 : i32
    %c0_i32_0 = arith.constant 0 : i32
    return %arg0, %c0_i32 : i32, i32
  }
}

</mosaic_0001>

<sc_bundles>
// kernel: kernel.4.cloned.1.call-start
scs
__scs_entry_jumppad:
0x0: {  	(pc) =	sbr.rel $0x88, $3  }
0x1: {  	(tag) =	ssettag $0x0;
	lr =	simm.s32 $0x1  }
0x2: {  	[smem:$0x3F9F] =	sst lr;
	_ =	strace $0xD0000000  }
0x3: {  	_ = 	snop  }
0x4: {  	_ = 	snop  }
0x5: {  	_ = 	snop  }
0x6: {  	_ = 	snop  }
0x7: {  	_ = 	snop  }
__scs_overlays_trampoline_lowered:
0x8: {  	[smem:$0x3FAE] =	sst s0  }
0x9: {  	[smem:$0x3FAF] =	sst s1  }
0xa: {  	[smem:$0x3FB0] =	sst s2  }
0xb: {  	[smem:$0x3FB1] =	sst s3  }
0xc: {  	[smem:$0x3FB2] =	sst s4  }
0xd: {  	[smem:$0x3FB3] =	sst s5  }
0xe: {  	[smem:$0x3FB4] =	sst s6  }
0xf: {  	[smem:$0x3FB5] =	sst s7  }
0x10: {  	[smem:$0x3FB6] =	sst s8  }
0x11: {  	[smem:$0x3FB7] =	sst s9;
	s0 =	simm.s32 @!p0 $0x0  }
0x12: {  	s1 =	sld [smem:$0x3F9D];
	s0 =	simm.s32 @p0 $0x1  }
0x13: {  	[smem:$0x3FB8] =	sst s0;
	s0 =	simm.s32 @!p1 $0x0  }
0x14: {  	s2 =	sld [smem:$0x3F9C];
	s0 =	simm.s32 @p1 $0x1  }
0x15: {  	[smem:$0x3FB9] =	sst s0;
	s0 =	simm.s32 @!p2 $0x0  }
0x16: {  	s3 =	sld [smem:$0x3FDB];
	s0 =	simm.s32 @p2 $0x1  }
0x17: {  	s4 =	simm.s32 $0x1BF5;
	[smem:$0x3FBB] =	sst s0  }
0x18: {  	s0 =	sld [smem:$0x3F9E];
	_ =	swait.ge [sflag:s4], $0x0  }
0x19: {  	s7 =	sld [smem:$0x3F9F]  }
0x1a: {  	s8 =	sadd.s32 $0xFFFFE003, lr  }
0x1b: {  	s9 =	sadd.s32 $0xFFFFFEF7, lr;
	s5 =	simm.s32 $0xFFFFFFFF;
	p2 =	slt.u32 s8, $0xFFFFF086  }
0x1c: {  	p1 =	slt.u32 s9, $0xF7A;
	s5 =	simm.s32 @!p2 $0x0  }
0x1d: {  	s5 =	simm.s32 @p1 $0x1;
	p0 =	seq.s32 s7, s2  }
0x1e: {  	s7 =	smul.u32 @!p0 $0xF7A, s2;
	p2 =	seq.s32 @!p0 s5, $0x0  }
0x1f: {  	s9 =	smul.u32 $0xF7A, s1;
	s8 =	simm.s32 @!p0 $0x1BF5;
	p2 =	por !p2, p0  }
0x20: {  	[sflag:s8] =	ssyncset.s32 @!p0 $0xFFFFF086;
	s6 =	sadd.s32 @!p0 s3, s7;
	s7 =	simm.s32 @!p0 $0x108  }
0x21: {  	s3 =	sadd.s32 s3, s9;
	s6 =	sadd.s32 @!p0 $0x88, s6;
	s7 =	simm.s32 @p2 $0x1082  }
0x22: {  	[simem:s7], [sflag:s8] =	dma.local @!p0 [hbm:s6], $0xF7A  }
0x23: {  	s9 =	sor.u32 $0xD0000000, s2;
	s6 =	simm.s32 $0x108;
	_ =	swait.ge @!p0 [sflag:s8], $0x0  }
0x24: {  	s3 =	sadd.s32 $0x88, s3;
	s6 =	simm.s32 @!p1 $0x1082;
	[sflag:s4] =	ssyncset.s32 $0xFFFFF086  }
0x25: {  	[simem:s6], [sflag:s4] =	dma.local [hbm:s3], $0xF7A  }
0x26: {  	[smem:$0x3F9F] =	sst s1;
	(tag) =	ssettag s2;
	_ =	strace s9  }
0x27: {  	s1 =	sld [smem:$0x3FAF]  }
0x28: {  	s2 =	sld [smem:$0x3FB0]  }
0x29: {  	s4 =	sld [smem:$0x3FB2]  }
0x2a: {  	p0 =	seq.s32 s5, $0x0;
	s5 =	sld [smem:$0x3FB3]  }
0x2b: {  	s6 =	sld [smem:$0x3FB4]  }
0x2c: {  	s7 =	sld [smem:$0x3FB5]  }
0x2d: {  	s3 =	simm.s32 $0x108;
	s8 =	sld [smem:$0x3FB6]  }
0x2e: {  	s3 =	simm.s32 @!p0 $0x1082;
	s9 =	sld [smem:$0x3FB7]  }
0x2f: {  	lr =	sadd.s32 s0, s3;
	s0 =	sld [smem:$0x3FAE]  }
0x30: {  	s3 =	sld [smem:$0x3FB1]  }
0x31: {  	[smem:$0x3FBA] =	sst s10  }
0x32: {  	s10 =	sld [smem:$0x3FB8];
	_ =	sdelay $0x3  }
0x33: {  	p0 =	seq.s32 s10, $0x1;
	s10 =	sld [smem:$0x3FBA];
	_ =	sdelay $0x3  }
0x34: {  	[smem:$0x3FBA] =	sst s10  }
0x35: {  	s10 =	sld [smem:$0x3FB9];
	_ =	sdelay $0x3  }
0x36: {  	p1 =	seq.s32 s10, $0x1;
	s10 =	sld [smem:$0x3FBA];
	_ =	sdelay $0x3  }
0x37: {  	[smem:$0x3FBA] =	sst s10  }
0x38: {  	s10 =	sld [smem:$0x3FBB]  }
0x39: {  	_ = 	snop;
	(pc) =	sbr.ind lr, $3  }
0x3a: {  	_ = 	snop  }
0x3b: {  	_ = 	snop  }
0x3c: {  	p2 =	seq.s32 s10, $0x1;
	s10 =	sld [smem:$0x3FBA]  }
0x3d: {  	_ =	shalt  }
0x3e: {  	_ =	shalt  }
0x3f: {  	_ =	shalt  }
0x40: {  	_ =	shalt  }
0x41: {  	_ =	shalt  }
0x42: {  	_ =	shalt  }
0x43: {  	_ =	shalt  }
0x44: {  	_ =	shalt  }
0x45: {  	_ =	shalt  }
0x46: {  	_ =	shalt  }
0x47: {  	_ =	shalt  }
0x48: {  	_ =	shalt  }
0x49: {  	_ =	shalt  }
0x4a: {  	_ =	shalt  }
0x4b: {  	_ =	shalt  }
0x4c: {  	_ =	shalt  }
0x4d: {  	_ =	shalt  }
0x4e: {  	_ =	shalt  }
0x4f: {  	_ =	shalt  }
0x50: {  	_ =	shalt  }
0x51: {  	_ =	shalt  }
0x52: {  	_ =	shalt  }
0x53: {  	_ =	shalt  }
0x54: {  	_ =	shalt  }
0x55: {  	_ =	shalt  }
0x56: {  	_ =	shalt  }
0x57: {  	_ =	shalt  }
0x58: {  	_ =	shalt  }
0x59: {  	_ =	shalt  }
0x5a: {  	_ =	shalt  }
0x5b: {  	_ =	shalt  }
0x5c: {  	_ =	shalt  }
0x5d: {  	_ =	shalt  }
0x5e: {  	_ =	shalt  }
0x5f: {  	_ =	shalt  }
0x60: {  	_ =	shalt  }
0x61: {  	_ =	shalt  }
0x62: {  	_ =	shalt  }
0x63: {  	_ =	shalt  }
0x64: {  	_ =	shalt  }
0x65: {  	_ =	shalt  }
0x66: {  	_ =	shalt  }
0x67: {  	_ =	shalt  }
0x68: {  	_ =	shalt  }
0x69: {  	_ =	shalt  }
0x6a: {  	_ =	shalt  }
0x6b: {  	_ =	shalt  }
0x6c: {  	_ =	shalt  }
0x6d: {  	_ =	shalt  }
0x6e: {  	_ =	shalt  }
0x6f: {  	_ =	shalt  }
0x70: {  	_ =	shalt  }
0x71: {  	_ =	shalt  }
0x72: {  	_ =	shalt  }
0x73: {  	_ =	shalt  }
0x74: {  	_ =	shalt  }
0x75: {  	_ =	shalt  }
0x76: {  	_ =	shalt  }
0x77: {  	_ =	shalt  }
0x78: {  	_ =	shalt  }
0x79: {  	_ =	shalt  }
0x7a: {  	_ =	shalt  }
0x7b: {  	_ =	shalt  }
0x7c: {  	_ =	shalt  }
0x7d: {  	_ =	shalt  }
0x7e: {  	_ =	shalt  }
0x7f: {  	_ =	shalt  }
0x80: {  	_ =	shalt  }
0x81: {  	_ =	shalt  }
0x82: {  	_ =	shalt  }
0x83: {  	_ =	shalt  }
0x84: {  	_ =	shalt  }
0x85: {  	_ =	shalt  }
0x86: {  	_ =	shalt  }
0x87: {  	_ =	shalt  }
.Lfunc_end0:
.L_simem_size_0:
called_computation_lowered:
.L_overlay_start_0:
0x88: {  	s2 =	sld [smem:$0x3FD9]  }
0x89: {  	s3 =	sld [smem:$0x3FFE];
	_ =	sdelay $0x1  }
0x8a: {  	s1 =	srdreg.scid  }
0x8b: {  	s0 =	sand.u32 $0x1, s1  }
0x8c: {  	s17 =	sshll.u32 s0, $0xA;
	s2 =	sadd.s32 s3, s2  }
0x8d: {  	s2 =	sadd.s32 s2, s17  }
0x8e: {  	[smem:$0x3FC6] =	sst s2  }
0x8f: {  	_ = 	snop  }
0x90: {  	s2 =	sld [smem:$0x3FC8]  }
0x91: {  	s18 =	sld [smem:$0x3FD0];
	(tm) =	ssettm $0x1  }
0x92: {  	s4 =	sld [smem:$0x3FFB];
	_ =	sdelay $0x3  }
0x93: {  	_ =	strace s4  }
0x94: {  	s4 =	sld [smem:$0x3FFC];
	_ =	sdelay $0x3  }
0x95: {  	_ =	strace s4  }
0x96: {  	s4 =	sld [smem:$0x3FFD];
	_ =	sdelay $0x3  }
0x97: {  	_ =	strace s4  }
0x98: {  	_ =	strace $0x8FFFFFFF  }
0x99: {  	s19 =	sld [smem:$0x3FDB];
	_ =	sdelay $0x1  }
0x9a: {  	s5 =	simm.s32 $_scs_section_size  }
0x9b: {  	s6 =	simm.s32 $_size__tile_overlayer_lowered;
	s7 =	simm.s32 $_tile_overlayer_lowered  }
0x9c: {  	s22 =	simm.s32 $0x1BFF;
	s21 =	sshll.u32 s7, $0x1;
	s4 =	sadd.s32 s5, s19  }
0x9d: {  	s8 =	simm.s32 $0x0;
	s20 =	sshll.u32 s6, $0x1;
	s6 =	sadd.s32 s21, s4  }
0x9e: {  	[timem:s8], [sflag:s22] =	dma.local [hbm:s6], s20  }
0x9f: {  	_ =	swait.ge [sflag:s22], s20  }
0xa0: {  	s5 =	ssub.s32 $0x0, s20;
	[sflag:s22] =	ssyncset.done $0x0  }
0xa1: {  	[sflag:s22] =	ssyncadd.s32 s5;
	_ =	sdelay $0x1  }
0xa2: {  	s23 =	simm.s32 $0x1B8B  }
0xa3: {  	_ =	swait.ge [sflag:s23], $0x1  }
0xa4: {  	[sflag:s23] =	ssyncset.done $0x0  }
0xa5: {  	s25 =	simm.s32 $0x1B8E;
	s24 =	sld [smem:$0x3FFE];
	[sflag:s23] =	ssyncadd.s32 $0xFFFFFFFF  }
0xa6: {  	s26 =	simm.s32 $execute0_lowered;
	[smem:$0x3FD2] =	sst s25  }
0xa7: {  	s6 =	sshll.u32 s26, $0x1;
	_ =	strace $0x80000046;
	[dreg:$0x1] =	wrdreg $0xFFFFFFFF  }
0xa8: {  	s28 =	simm.s32 $_size_execute0_lowered;
	s4 =	sadd.s32 s4, s6;
	[dreg:$0x0] =	wrdreg $0x0  }
0xa9: {  	s6 =	sshll.u32 s28, $0x1;
	[dreg:$0x2] =	wrdreg s4  }
0xaa: {  	[dreg:$0x3] =	wrdreg s6  }
0xab: {  	[dreg:$0x4] =	wrdreg $0xC0  }
0xac: {  	_ =	task [dreg:s8], $0x5FFFF  }
0xad: {  	[dreg:$0x1] =	wrdreg $0xFFFFFFFF  }
0xae: {  	[dreg:$0x0] =	wrdreg $0x60  }
0xaf: {  	[dreg:$0x2] =	wrdreg s24  }
0xb0: {  	[dreg:$0x3] =	wrdreg s2  }
0xb1: {  	[dreg:$0x4] =	wrdreg s18  }
0xb2: {  	[dreg:$0x5] =	wrdreg $0x9  }
0xb3: {  	_ =	task.clear_ibuf [dreg:s8], $0x6FFFF;
	_ =	strace $0x90000046  }
0xb4: {  	s29 =	simm.s32 $0x9;
	_ =	strace $0x80000048  }
0xb5: {  	_ =	swait.ge [sflag:s29], $0x1  }
0xb6: {  	[sflag:s29] =	ssyncadd.s32 $0xFFFFFFFF  }
0xb7: {  	_ =	strace $0x90000048  }
0xb8: {  	_ =	sfence  }
0xb9: {  	s30 =	sld [smem:$0x0];
	_ =	sdelay $0x2  }
0xba: {  	s31 =	sshll.u32 s1, $0xD;
	s1 =	sshrl.u32 s1, $0x2  }
0xbb: {  	s3 =	sand.u32 $0x4000, s31;
	s1 =	sadd.s32 s1, s30  }
0xbc: {  	s0 =	sor.u32 s3, s0;
	s1 =	sshll.u32 s1, $0x11  }
0xbd: {  	s0 =	sor.u32 s1, s0  }
0xbe: {  	s0 =	sadd.s32 $0x8F2B, s0  }
0xbf: {  	[sflag:s0] =	ssyncadd.remote.s32 $0x1  }
0xc0: {  	_ =	sfence.sel $0xFFFF  }
0xc1: {  	[dreg:$0x0] =	wrdreg $0xFFFFFFFF;
	(pc) =	sbr.abs _section_cstart, $3  }
0xc2: {  	[dreg:$0x1] =	wrdreg $0xFFFFFFFF  }
0xc3: {  	_ =	task.clear_ibuf [dreg:s8], $0x2FFFF;
	_ =	strace $0x9FFFFFFF  }
0xc4: {  	(tm) =	ssettm $0x7FFFFFFF  }
0xc5: {  	_ =	shalt  }
tec
execute0_lowered:
.L_overlay_start_1:
0x0: {  	(tag) =	ssettag $0x1  }
0x1: {  	s4 =	rddreg [dreg:$0x0]  }
0x2: {  	s2 =	rddreg [dreg:$0x1];
	s1 =	srdreg.scid  }
0x3: {  	s0 =	stileid.u32;
	s5 =	rddreg [dreg:$0x2]  }
0x4: {  	s9 =	simm.s32 $0x2;
	s10 =	simm.s32 $0xD00;
	s11 =	simm.s32 $0x3  }
0x5: {  	s12 =	simm.s32 $0x0;
	s6 =	sand.u32 $0x1, s1;
	s3 =	sshll.u32 s0, $0x1  }
0x6: {  	s7 =	sor.u32 s6, s3;
	s3 =	simm.s32 $0x0;
	s6 =	ssub.s32 $0x2, s6  }
0x7: {  	s7 =	smul.u32 $0x188, s7;
	[smem:$0x7FF] =	sst s3;
	s8 =	sshrl.u32 s6, $0x1  }
0x8: {  	s1 =	rddreg [dreg:$0x3];
	_ =	strace $0x80000047;
	s6 =	ssub.s32 s6, s8  }
0x9: {  	s8 =	simm.s32 $0x1;
	s4 =	sadd.s32 s7, s4;
	s5 =	sadd.s32 s5, s7  }
0xa: {  	s6 =	smax.u32 s6, $0x1;
	s7 =	simm.s32 $0xC80;
	s4 =	sadd.s32 $0x200, s4  }
.LBB2_1:
0xb: {  	[tilespmem:s7], [sflag:$0x1] =	stream.linear.gather [hbm4b:s2+s3], $0x80, $0x38;
	[tilespmem:$0x1980] =	vst v63  }
0xc: {  	_ = 	snop  }
0xd: {  	[tilespmem:s3], [sflag:$0x2] =	stream.linear.gather [hbm4b:s4+s3], $0xC40, $0x38;
	[tilespmem:$0x1980] =	vst v63  }
0xe: {  	_ =	swait.ge [sflag:s8], $0x80  }
0xf: {  	[sflag:s8] =	ssyncset.done $0x0  }
0x10: {  	[sflag:s8] =	ssyncadd.s32 $0xFFFFFF80  }
0x11: {  	_ =	swait.ge [sflag:s9], $0xC40  }
0x12: {  	[sflag:s9] =	ssyncset.done $0x0  }
0x13: {  	s13 =	simm.s32 $0x0;
	[sflag:s9] =	ssyncadd.s32 $0xFFFFF3C0  }
0x14: {  	v0 =	vld [tilespmem:s13+$0x0];
	_ =	sdelay $0x5  }
0x15: {  	v1 =	vld [tilespmem:s13+$0x10];
	_ =	sdelay $0x1  }
0x16: {  	v0 =	vld.idx.msk [tilespmem:v0+s7+$0x0], $0xffff;
	_ =	sdelay $0x4  }
0x17: {  	v2 =	vld [tilespmem:s13+$0x20];
	[tilespmem:s13+$0xD00] =	vst v0  }
0x18: {  	v0 =	vld.idx.msk [tilespmem:v1+s7+$0x0], $0xffff;
	_ =	sdelay $0x4  }
0x19: {  	[tilespmem:s13+$0xD10] =	vst v0;
	v0 =	vld [tilespmem:s13+$0x30];
	_ =	sdelay $0x1  }
0x1a: {  	v1 =	vld.idx.msk [tilespmem:v2+s7+$0x0], $0xffff;
	_ =	sdelay $0x3  }
0x1b: {  	s15 =	simm.s32 $0x40;
	s14 =	simm.s32 $0x200  }
.LBB2_2:
0x1c: {  	p0 =	sne.s32 s14, $0x3000;
	v2 =	vld [tilespmem:s15+$0x0];
	[tilespmem:s13+$0xD20] =	vst v1  }
0x1d: {  	v0 =	vld.idx.msk [tilespmem:v0+s7+$0x0], $0xffff;
	_ =	sdelay $0x5  }
0x1e: {  	v1 =	vld [tilespmem:s15+$0x10];
	[tilespmem:s13+$0xD30] =	vst v0;
	s13 =	smov.u32 s15  }
0x1f: {  	v0 =	vld.idx.msk [tilespmem:v2+s7+$0x0], $0xffff;
	_ =	sdelay $0x5  }
0x20: {  	[tilespmem:s13+$0xD00] =	vst v0;
	v2 =	vld [tilespmem:s13+$0x20]  }
0x21: {  	v0 =	vld.idx.msk [tilespmem:v1+s7+$0x0], $0xffff;
	_ =	sdelay $0x5  }
0x22: {  	[tilespmem:s13+$0xD10] =	vst v0;
	v0 =	vld [tilespmem:s13+$0x30]  }
0x23: {  	v1 =	vld.idx.msk [tilespmem:v2+s7+$0x0], $0xffff  }
.Ltmp0:
0x24: {  	(pc) =	sbr.rel @p0 .LBB2_2-.Ltmp0, $2  }
0x25: {  	_ =	sdelay $0x2  }
0x26: {  	s15 =	sshra.s32 s14, $0x2;
	s14 =	sadd.s32 $0x100, s14  }
0x27: {  	_ =	sdelay $0x1  }
0x28: {  	v2 =	vld [tilespmem:s15+$0x0]  }
0x29: {  	[tilespmem:s13+$0xD20] =	vst v1  }
0x2a: {  	v0 =	vld.idx.msk [tilespmem:v0+s7+$0x0], $0xffff;
	_ =	sdelay $0x3  }
0x2b: {  	v1 =	vld [tilespmem:s15+$0x10]  }
0x2c: {  	[tilespmem:s13+$0xD30] =	vst v0  }
0x2d: {  	v0 =	vld.idx.msk [tilespmem:v2+s7+$0x0], $0xffff;
	_ =	sdelay $0x3  }
0x2e: {  	v62 =	vld [tilespmem:s15+$0x20]  }
0x2f: {  	[tilespmem:s15+$0xD00] =	vst v0  }
0x30: {  	v1 =	vld.idx.msk [tilespmem:v1+s7+$0x0], $0xffff;
	_ =	sdelay $0x3  }
0x31: {  	v63 =	vld [tilespmem:s15+$0x30]  }
0x32: {  	[tilespmem:s15+$0xD10] =	vst v1  }
0x33: {  	v0 =	vld.idx.msk [tilespmem:v62+s7+$0x0], $0xffff;
	_ =	sdelay $0x4  }
0x34: {  	[tilespmem:s15+$0xD20] =	vst v0  }
0x35: {  	v0 =	vld.idx.msk [tilespmem:v63+s7+$0x0], $0xffff;
	_ =	sdelay $0x2  }
0x36: {  	s12 =	sadd.s32 $0x1, s12  }
0x37: {  	p0 =	sne.s32 s12, s6  }
.Ltmp1:
0x38: {  	[tilespmem:s15+$0xD30] =	vst v0;
	(pc) =	sbr.rel @p0 .LBB2_1-.Ltmp1, $4  }
0x39: {  	[hbm4b:s5+s3] =	stream.linear.scatter [tilespmem:s10], [sflag:$0x3], $0xC40, $0x38;
	[tilespmem:$0x1980] =	vst v63  }
0x3a: {  	_ =	swait.ge [sflag:s11], $0xC40  }
0x3b: {  	[sflag:s11] =	ssyncset.done $0x0  }
0x3c: {  	[sflag:s11] =	ssyncadd.s32 $0xFFFFF3C0  }
0x3d: {  	_ =	sfence.sel $0x180000  }
0x3e: {  	[bflag:$0x0] =	sbarrier.arrive $0xFFFF  }
0x3f: {  	p0 =	sne.s32 s0, $0x0;
	_ =	strace $0x90000047  }
0x40: {  	s0 =	sadd.s32 @!p0 $0x100000, s1;
	[bflag:$0x2] =	sbarrier.arrive $0xFFFF  }
0x41: {  	[sflag:s0] =	ssyncadd.tile.s32 @!p0 $0x1;
	_ =	shalt  }
.Lfunc_end2:
_tile_overlayer_lowered:
.L_overlay_start_2:
0x42: {  	(tag) =	ssettag $0x2  }
0x43: {  	s0 =	rddreg [dreg:$0x0];
	s2 =	stileid.u32  }
0x44: {  	s1 =	rddreg [dreg:$0x1];
	p0 =	sne.s32 s2, $0x0  }
0x45: {  	s3 =	rddreg [dreg:$0x2];
	[bflag:$0x3] =	sbarrier.arrive $0xFFFF;
	s2 =	simm.s32 @!p0 $0x1C03  }
0x46: {  	[timem:s3], [sflag:s2] =	dma.local @!p0 [hbm:s0], s1  }
0x47: {  	s0 =	simm.s32 @!p0 $0x3  }
0x48: {  	_ =	swait.ge @!p0 [sflag:s0], s1  }
0x49: {  	s1 =	ssub.s32 @!p0 $0x0, s1;
	[sflag:s0] =	ssyncset.done @!p0 $0x0  }
0x4a: {  	[sflag:s0] =	ssyncadd.s32 @!p0 s1  }
0x4b: {  	[bflag:$0x3] =	sbarrier.arrive $0xFFFF  }
0x4c: {  	_ =	shalt  }

</sc_bundles>
